<compile_context>
chip_gen: v7x
topology: tpu7x:2x2x1
jax: 0.10.2.dev20260603
libtpu: 0.0.44.dev20260713+nightly
codegen_flags: <defaults>
</compile_context>

<pallas_src>
import jax
import jax.numpy as jnp
from jax import lax
from jax.experimental import pallas as pl
from jax.experimental.pallas import tpu as pltpu
from jax.experimental.pallas import tpu_sc as plsc

NUM_EMB = 1_000_000
D = 32
S = 8
L = 16
NC, NS = 2, 16
NW = NC * NS
CHUNK = 128
E_TOT = 4096 * 26
PER_W = E_TOT // NW
N_CHUNKS = PER_W // CHUNK


TBC = 16384


def _transpose_body(tT_ref, o_ref, scr_ref):
    scr_ref[...] = tT_ref[...].T
    for q in range(4):
        o_ref[:, 32 * q:32 * (q + 1)] = scr_ref[q::4, :]


def _row_major_table(table):
    grid = (NUM_EMB + TBC - 1) // TBC
    packed = pl.pallas_call(
        _transpose_body,
        grid=(grid,),
        in_specs=[pl.BlockSpec((D, TBC), lambda j: (jnp.int32(0), j))],
        out_specs=pl.BlockSpec((TBC // 4, 128), lambda j: (j, jnp.int32(0))),
        out_shape=jax.ShapeDtypeStruct((NUM_EMB * D // 128, 128), jnp.float32),
        scratch_shapes=[pltpu.VMEM((TBC, D), jnp.float32)],
    )(table.T)
    return packed.reshape(NUM_EMB, D)


NBR = 2048


def _norm_body(x_ref, o_ref):
    x = x_ref[...]
    r = lax.broadcasted_iota(jnp.int32, (128, 128), 0) // D
    c = lax.broadcasted_iota(jnp.int32, (128, 128), 1) // D
    blk = (r == c).astype(jnp.float32)
    ss = lax.dot(x * x, blk, precision=lax.Precision.HIGHEST)
    o_ref[...] = x / jnp.maximum(jnp.sqrt(ss), 1e-12)


def _normalize(flat):
    rows = flat.shape[0]
    return pl.pallas_call(
        _norm_body,
        grid=(rows // NBR,),
        in_specs=[pl.BlockSpec((NBR, 128), lambda j: (j, jnp.int32(0)))],
        out_specs=pl.BlockSpec((NBR, 128), lambda j: (j, jnp.int32(0))),
        out_shape=jax.ShapeDtypeStruct((rows, 128), jnp.float32),
    )(flat)


def _body(ids_hbm, table_hbm, out_hbm, ids_v, idx_v, rows_v, sem0, sem1):
    wid = lax.axis_index("s") * NC + lax.axis_index("c")
    base = wid * jnp.int32(PER_W)
    sems = (sem0, sem1)

    pltpu.sync_copy(ids_hbm.at[pl.ds(base, PER_W)], ids_v)

    def prep(k, p):
        pi = jnp.int32(p)

        def hash_one(j, c):
            jof = j * jnp.int32(L)
            r = ids_v[pl.ds(k * jnp.int32(CHUNK) + jof, L)]
            r = r % NUM_EMB

            def shift_one(s, rr):
                idx_v[pi, s, pl.ds(jof, L)] = rr
                return (rr << 1) % NUM_EMB

            lax.fori_loop(jnp.int32(0), jnp.int32(S), shift_one, r)
            return c

        lax.fori_loop(jnp.int32(0), jnp.int32(CHUNK // L), hash_one, 0)

        zero = jnp.zeros((L,), jnp.float32)

        def zero_one(e, c):
            rows_v[pi, e, pl.ds(0, L)] = zero
            rows_v[pi, e, pl.ds(L, L)] = zero
            return c

        lax.fori_loop(jnp.int32(0), jnp.int32(CHUNK), zero_one, 0)

        def fire_one(s, c):
            pltpu.async_copy(
                table_hbm.at[idx_v.at[pi, s]],
                rows_v.at[pi], sems[p], add=True)
            return c

        lax.fori_loop(jnp.int32(0), jnp.int32(S), fire_one, 0)

    def consume(k, p):
        pi = jnp.int32(p)

        def drain_one(s, c):
            pltpu.make_async_copy(
                table_hbm.at[idx_v.at[pi, s]],
                rows_v.at[pi], sems[p]).wait()
            return c

        lax.fori_loop(jnp.int32(0), jnp.int32(S), drain_one, 0)
        off = base + k * jnp.int32(CHUNK)
        pltpu.sync_copy(rows_v.at[pi], out_hbm.at[pl.ds(off, CHUNK)])

    prep(jnp.int32(0), 0)
    prep(jnp.int32(1), 1)

    def pair(i, c):
        k0 = i * jnp.int32(2)
        consume(k0, 0)

        @pl.when(k0 + 2 < N_CHUNKS)
        def _():
            prep(k0 + jnp.int32(2), 0)

        consume(k0 + jnp.int32(1), 1)

        @pl.when(k0 + 3 < N_CHUNKS)
        def _():
            prep(k0 + jnp.int32(3), 1)

        return c

    lax.fori_loop(jnp.int32(0), jnp.int32(N_CHUNKS // 2), pair, 0)


def kernel(id_, table):
    b, f = id_.shape
    ids32 = id_.reshape(-1).astype(jnp.int32)
    mesh = plsc.VectorSubcoreMesh(
        core_axis_name="c", subcore_axis_name="s",
        num_cores=NC, num_subcores=NS)
    out = pl.kernel(
        _body,
        out_type=jax.ShapeDtypeStruct((E_TOT, D), jnp.float32),
        mesh=mesh,
        compiler_params=pltpu.CompilerParams(
            needs_layout_passes=False, use_tc_tiling_on_sc=False),
        scratch_types=[
            pltpu.VMEM((PER_W,), jnp.int32),
            pltpu.VMEM((2, S, CHUNK), jnp.int32),
            pltpu.VMEM((2, CHUNK, D), jnp.float32),
            pltpu.SemaphoreType.DMA,
            pltpu.SemaphoreType.DMA,
        ],
    )(ids32, _row_major_table(table))
    normed = _normalize(out.reshape(E_TOT * D // 128, 128))
    return normed.reshape(b, f, D)

# --- scband reference (transcript-rebuilt; emitter-appended) ---
"""Pipeline reference for scband-kshift-embedding-86629490360337 (READ-ONLY COPY).

The authoritative reference and input builder live on the scoring server;
editing this copy changes nothing except your own understanding.
"""

import jax, jax.numpy as jnp
import numpy as np

jax.config.update("jax_enable_x64", True)

NUM_EMBEDDINGS = 1000000
EMB_DIM = 32
NUM_SHIFTS = 8
NUM_BITS = 64
BATCH = 4096
FIELDS = 26


def get_row_idx(x, col_idx):
    if col_idx != 0:
        x = (x << col_idx) | (x >> (NUM_BITS - col_idx))
    return jnp.remainder(x, NUM_EMBEDDINGS)


def setup_inputs(seed: int = 0) -> dict:
    key = jax.random.key(seed)
    k1, k2 = jax.random.split(key)
    id_ = jax.random.randint(k1, (BATCH, FIELDS), 0, 2147483647, dtype=jnp.int64)
    table = jax.random.normal(k2, (NUM_EMBEDDINGS, EMB_DIM), dtype=jnp.float32)
    return {"id_": id_, "table": table}


def reference(id_, table):
    tensors = []
    for col_idx in range(NUM_SHIFTS):
        idx = get_row_idx(id_, col_idx)
        tensors.append(jnp.take(table, idx, axis=0))
    x = jnp.stack(tensors, axis=-1).sum(axis=-1)
    # F.normalize(x, p=2.0, dim=-1) with default eps=1e-12
    norm = jnp.linalg.norm(x, ord=2, axis=-1, keepdims=True)
    x = x / jnp.maximum(norm, 1e-12)
    return x

if __name__ == "__main__":
    import jax
    _d = setup_inputs()
    print(jax.jit(kernel)(*tuple(_d.values())))

</pallas_src>

<mosaic_0001>
#map = affine_map<(d0, d1) -> (0)>
#map1 = affine_map<(d0, d1) -> (0, 0)>
module attributes {stable_mosaic.version = 14 : i64} {
  func.func @_body(%arg0: i32, %arg1: i32, %arg2: memref<106496xi32, #tpu.memory_space<hbm>>, %arg3: memref<1000000x32xf32, #tpu.memory_space<hbm>>, %arg4: memref<106496x32xf32, #tpu.memory_space<hbm>>, %arg5: memref<3328xi32, #tpu.memory_space<vmem>>, %arg6: memref<2x8x128xi32, #tpu.memory_space<vmem>>, %arg7: memref<2x128x32xf32, #tpu.memory_space<vmem>>, %arg8: memref<!tpu.dma_semaphore, #tpu.memory_space<semaphore_mem>>, %arg9: memref<!tpu.dma_semaphore, #tpu.memory_space<semaphore_mem>>) attributes {dimension_semantics = [#tpu.dimension_semantics<core_parallel>, #tpu.dimension_semantics<subcore_parallel>], iteration_bounds = array<i64: 2, 16>, scalar_prefetch = 0 : i64, scratch_operands = 5 : i64, tpu.core_type = #tpu.core_type<sc_vector_subcore>, window_params = [{transform_indices = #map}, {transform_indices = #map1}, {transform_indices = #map1}]} {
    %mul3A = arith.constant 2 : i32
    %mul3A_0 = arith.muli %arg1, %mul3A : i32
    %add3A = arith.addi %mul3A_0, %arg0 : i32
    %mul3A_1 = arith.constant 3328 : i32
    %mul3A_2 = arith.muli %add3A, %mul3A_1 : i32
    "tpu.region"() ({
      %run_scoped3A = tpu.sem_alloc : memref<!tpu.dma_semaphore, #tpu.memory_space<semaphore_mem>>
      %dma_start3A = tpu.memref_slice %arg2[%mul3A_2] : memref<106496xi32, #tpu.memory_space<hbm>> -> memref<3328xi32, #tpu.memory_space<hbm>>
      %dma_start3A_90 = tpu.memref_slice %arg2[%mul3A_2] : memref<106496xi32, #tpu.memory_space<hbm>> -> memref<3328xi32, #tpu.memory_space<hbm>>
      tpu.enqueue_dma source(%dma_start3A_90 : memref<3328xi32, #tpu.memory_space<hbm>>) target(%arg5 : memref<3328xi32, #tpu.memory_space<vmem>>) target_semaphore(%run_scoped3A : memref<!tpu.dma_semaphore, #tpu.memory_space<semaphore_mem>>)
      %dma_wait3A = tpu.memref_slice %arg2[%mul3A_2] : memref<106496xi32, #tpu.memory_space<hbm>> -> memref<3328xi32, #tpu.memory_space<hbm>>
      %dma_wait3A_91 = tpu.memref_slice %arg2[%mul3A_2] : memref<106496xi32, #tpu.memory_space<hbm>> -> memref<3328xi32, #tpu.memory_space<hbm>>
      tpu.wait_dma2 semaphore(%run_scoped3A : memref<!tpu.dma_semaphore, #tpu.memory_space<semaphore_mem>>) src(%dma_wait3A_91 : memref<3328xi32, #tpu.memory_space<hbm>>) dst(%arg5 : memref<3328xi32, #tpu.memory_space<vmem>>)
      tpu.yield
    }) : () -> ()
    %while3A = arith.constant 0 : i64
    %while3A_3 = arith.constant 0 : i32
    %while3A_4 = arith.constant 0 : i32
    %while3A_5 = arith.constant 0 : i32
    %while3A_6 = arith.constant 8 : i32
    %while3A_7 = arith.subi %while3A_6, %while3A_5 : i32
    %while3A_8 = arith.addi %while3A_5, %while3A_7 : i32
    %while3A_9 = arith.constant 1 : i32
    %while3A_10 = arith.divsi %while3A_7, %while3A_9 : i32
    %while3A_11 = arith.muli %while3A_10, %while3A_9 : i32
    %while3A_12 = arith.addi %while3A_5, %while3A_11 : i32
    %while3A_13 = arith.constant 1 : i32
    scf.for %while3A_90 = %while3A_5 to %while3A_12 step %while3A_13  : i32 {
      %mul3A_91 = arith.constant 16 : i32
      %mul3A_92 = arith.muli %while3A_90, %mul3A_91 : i32
      %mul3A_93 = arith.constant 128 : i32
      %mul3A_94 = arith.muli %while3A_3, %mul3A_93 : i32
      %add3A_95 = arith.addi %mul3A_94, %mul3A_92 : i32
      %get3A = arith.index_cast %add3A_95 : i32 to index
      %get3A_96 = tpu.vector_load %arg5[%get3A] {strides = array<i32>} : memref<3328xi32, #tpu.memory_space<vmem>>, vector<16xi32>,
      %jit3A = arith.constant 1000000 : i64
      %convert_element_type3A = arith.trunci %jit3A : i64 to i32
      %eq3A = arith.constant 0 : i32
      %eq3A_97 = arith.cmpi eq, %convert_element_type3A, %eq3A : i32
      %jit3A_98 = arith.constant 1 : i32
      %select_n3A = arith.select %eq3A_97, %jit3A_98, %convert_element_type3A : i32
      %rem3A = vector.broadcast %select_n3A : i32 to vector<16xi32>
      %rem3A_99 = arith.remsi %get3A_96, %rem3A : vector<16xi32>
      %ne3A = arith.constant 0 : i32
      %ne3A_100 = vector.broadcast %ne3A : i32 to vector<16xi32>
      %ne3A_101 = arith.cmpi ne, %rem3A_99, %ne3A_100 : vector<16xi32>
      %lt3A = arith.constant 0 : i32
      %lt3A_102 = vector.broadcast %lt3A : i32 to vector<16xi32>
      %lt3A_103 = arith.cmpi slt, %rem3A_99, %lt3A_102 : vector<16xi32>
      %lt3A_104 = arith.constant 0 : i32
      %lt3A_105 = arith.cmpi slt, %select_n3A, %lt3A_104 : i32
      %ne3A_106 = vector.broadcast %lt3A_105 : i1 to vector<16xi1>
      %ne3A_107 = vector.broadcast %ne3A_106 : vector<16xi1> to vector<16xi1>
      %ne3A_108 = arith.xori %lt3A_103, %ne3A_107 : vector<16xi1>
      %and3A = arith.andi %ne3A_108, %ne3A_101 : vector<16xi1>
      %add3A_109 = vector.broadcast %select_n3A : i32 to vector<16xi32>
      %add3A_110 = arith.addi %rem3A_99, %add3A_109 : vector<16xi32>
      %select_n3A_111 = arith.select %and3A, %add3A_110, %rem3A_99 : vector<16xi1>, vector<16xi32>
      %while3A_112 = arith.constant 0 : i32
      %while3A_113 = arith.constant 8 : i32
      %while3A_114 = arith.subi %while3A_113, %while3A_112 : i32
      %while3A_115 = arith.addi %while3A_112, %while3A_114 : i32
      %while3A_116 = arith.constant 1 : i32
      %while3A_117 = arith.divsi %while3A_114, %while3A_116 : i32
      %while3A_118 = arith.muli %while3A_117, %while3A_116 : i32
      %while3A_119 = arith.addi %while3A_112, %while3A_118 : i32
      %while3A_120 = arith.constant 1 : i32
      %while3A_121 = scf.for %while3A_124 = %while3A_112 to %while3A_119 step %while3A_120 iter_args(%while3A_125 = %select_n3A_111) -> (vector<16xi32>)  : i32 {
        %swap3A = arith.index_cast %while3A_4 : i32 to index
        %swap3A_126 = arith.index_cast %while3A_124 : i32 to index
        %swap3A_127 = arith.index_cast %mul3A_92 : i32 to index
        %swap3A_128 = tpu.vector_load %arg6[%swap3A, %swap3A_126, %swap3A_127] {strides = array<i32>} : memref<2x8x128xi32, #tpu.memory_space<vmem>>, vector<16xi32>,
        tpu.vector_store %arg6[%swap3A, %swap3A_126, %swap3A_127], %while3A_125 {strides = array<i32>} : memref<2x8x128xi32, #tpu.memory_space<vmem>>, vector<16xi32>,
        %shift_left3A = arith.constant 1 : i32
        %shift_left3A_129 = vector.broadcast %shift_left3A : i32 to vector<16xi32>
        %shift_left3A_130 = arith.shli %while3A_125, %shift_left3A_129 : vector<16xi32>
        %jit3A_131 = arith.constant 1000000 : i64
        %convert_element_type3A_132 = arith.trunci %jit3A_131 : i64 to i32
        %eq3A_133 = arith.constant 0 : i32
        %eq3A_134 = arith.cmpi eq, %convert_element_type3A_132, %eq3A_133 : i32
        %jit3A_135 = arith.constant 1 : i32
        %select_n3A_136 = arith.select %eq3A_134, %jit3A_135, %convert_element_type3A_132 : i32
        %rem3A_137 = vector.broadcast %select_n3A_136 : i32 to vector<16xi32>
        %rem3A_138 = arith.remsi %shift_left3A_130, %rem3A_137 : vector<16xi32>
        %ne3A_139 = arith.constant 0 : i32
        %ne3A_140 = vector.broadcast %ne3A_139 : i32 to vector<16xi32>
        %ne3A_141 = arith.cmpi ne, %rem3A_138, %ne3A_140 : vector<16xi32>
        %lt3A_142 = arith.constant 0 : i32
        %lt3A_143 = vector.broadcast %lt3A_142 : i32 to vector<16xi32>
        %lt3A_144 = arith.cmpi slt, %rem3A_138, %lt3A_143 : vector<16xi32>
        %lt3A_145 = arith.constant 0 : i32
        %lt3A_146 = arith.cmpi slt, %select_n3A_136, %lt3A_145 : i32
        %ne3A_147 = vector.broadcast %lt3A_146 : i1 to vector<16xi1>
        %ne3A_148 = vector.broadcast %ne3A_147 : vector<16xi1> to vector<16xi1>
        %ne3A_149 = arith.xori %lt3A_144, %ne3A_148 : vector<16xi1>
        %and3A_150 = arith.andi %ne3A_149, %ne3A_141 : vector<16xi1>
        %add3A_151 = vector.broadcast %select_n3A_136 : i32 to vector<16xi32>
        %add3A_152 = arith.addi %rem3A_138, %add3A_151 : vector<16xi32>
        %select_n3A_153 = arith.select %and3A_150, %add3A_152, %rem3A_138 : vector<16xi1>, vector<16xi32>
        scf.yield %select_n3A_153 : vector<16xi32>
      }
      %while3A_122 = arith.constant 1 : i32
      %while3A_123 = scf.for %while3A_124 = %while3A_119 to %while3A_115 step %while3A_122 iter_args(%while3A_125 = %while3A_121) -> (vector<16xi32>)  : i32 {
        %swap3A = arith.index_cast %while3A_4 : i32 to index
        %swap3A_126 = arith.index_cast %while3A_124 : i32 to index
        %swap3A_127 = arith.index_cast %mul3A_92 : i32 to index
        %swap3A_128 = tpu.vector_load %arg6[%swap3A, %swap3A_126, %swap3A_127] {strides = array<i32>} : memref<2x8x128xi32, #tpu.memory_space<vmem>>, vector<16xi32>,
        tpu.vector_store %arg6[%swap3A, %swap3A_126, %swap3A_127], %while3A_125 {strides = array<i32>} : memref<2x8x128xi32, #tpu.memory_space<vmem>>, vector<16xi32>,
        %shift_left3A = arith.constant 1 : i32
        %shift_left3A_129 = vector.broadcast %shift_left3A : i32 to vector<16xi32>
        %shift_left3A_130 = arith.shli %while3A_125, %shift_left3A_129 : vector<16xi32>
        %jit3A_131 = arith.constant 1000000 : i64
        %convert_element_type3A_132 = arith.trunci %jit3A_131 : i64 to i32
        %eq3A_133 = arith.constant 0 : i32
        %eq3A_134 = arith.cmpi eq, %convert_element_type3A_132, %eq3A_133 : i32
        %jit3A_135 = arith.constant 1 : i32
        %select_n3A_136 = arith.select %eq3A_134, %jit3A_135, %convert_element_type3A_132 : i32
        %rem3A_137 = vector.broadcast %select_n3A_136 : i32 to vector<16xi32>
        %rem3A_138 = arith.remsi %shift_left3A_130, %rem3A_137 : vector<16xi32>
        %ne3A_139 = arith.constant 0 : i32
        %ne3A_140 = vector.broadcast %ne3A_139 : i32 to vector<16xi32>
        %ne3A_141 = arith.cmpi ne, %rem3A_138, %ne3A_140 : vector<16xi32>
        %lt3A_142 = arith.constant 0 : i32
        %lt3A_143 = vector.broadcast %lt3A_142 : i32 to vector<16xi32>
        %lt3A_144 = arith.cmpi slt, %rem3A_138, %lt3A_143 : vector<16xi32>
        %lt3A_145 = arith.constant 0 : i32
        %lt3A_146 = arith.cmpi slt, %select_n3A_136, %lt3A_145 : i32
        %ne3A_147 = vector.broadcast %lt3A_146 : i1 to vector<16xi1>
        %ne3A_148 = vector.broadcast %ne3A_147 : vector<16xi1> to vector<16xi1>
        %ne3A_149 = arith.xori %lt3A_144, %ne3A_148 : vector<16xi1>
        %and3A_150 = arith.andi %ne3A_149, %ne3A_141 : vector<16xi1>
        %add3A_151 = vector.broadcast %select_n3A_136 : i32 to vector<16xi32>
        %add3A_152 = arith.addi %rem3A_138, %add3A_151 : vector<16xi32>
        %select_n3A_153 = arith.select %and3A_150, %add3A_152, %rem3A_138 : vector<16xi1>, vector<16xi32>
        scf.yield %select_n3A_153 : vector<16xi32>
      }
    }
    %while3A_14 = arith.constant 1 : i32
    scf.for %while3A_90 = %while3A_12 to %while3A_8 step %while3A_14  : i32 {
      %mul3A_91 = arith.constant 16 : i32
      %mul3A_92 = arith.muli %while3A_90, %mul3A_91 : i32
      %mul3A_93 = arith.constant 128 : i32
      %mul3A_94 = arith.muli %while3A_3, %mul3A_93 : i32
      %add3A_95 = arith.addi %mul3A_94, %mul3A_92 : i32
      %get3A = arith.index_cast %add3A_95 : i32 to index
      %get3A_96 = tpu.vector_load %arg5[%get3A] {strides = array<i32>} : memref<3328xi32, #tpu.memory_space<vmem>>, vector<16xi32>,
      %jit3A = arith.constant 1000000 : i64
      %convert_element_type3A = arith.trunci %jit3A : i64 to i32
      %eq3A = arith.constant 0 : i32
      %eq3A_97 = arith.cmpi eq, %convert_element_type3A, %eq3A : i32
      %jit3A_98 = arith.constant 1 : i32
      %select_n3A = arith.select %eq3A_97, %jit3A_98, %convert_element_type3A : i32
      %rem3A = vector.broadcast %select_n3A : i32 to vector<16xi32>
      %rem3A_99 = arith.remsi %get3A_96, %rem3A : vector<16xi32>
      %ne3A = arith.constant 0 : i32
      %ne3A_100 = vector.broadcast %ne3A : i32 to vector<16xi32>
      %ne3A_101 = arith.cmpi ne, %rem3A_99, %ne3A_100 : vector<16xi32>
      %lt3A = arith.constant 0 : i32
      %lt3A_102 = vector.broadcast %lt3A : i32 to vector<16xi32>
      %lt3A_103 = arith.cmpi slt, %rem3A_99, %lt3A_102 : vector<16xi32>
      %lt3A_104 = arith.constant 0 : i32
      %lt3A_105 = arith.cmpi slt, %select_n3A, %lt3A_104 : i32
      %ne3A_106 = vector.broadcast %lt3A_105 : i1 to vector<16xi1>
      %ne3A_107 = vector.broadcast %ne3A_106 : vector<16xi1> to vector<16xi1>
      %ne3A_108 = arith.xori %lt3A_103, %ne3A_107 : vector<16xi1>
      %and3A = arith.andi %ne3A_108, %ne3A_101 : vector<16xi1>
      %add3A_109 = vector.broadcast %select_n3A : i32 to vector<16xi32>
      %add3A_110 = arith.addi %rem3A_99, %add3A_109 : vector<16xi32>
      %select_n3A_111 = arith.select %and3A, %add3A_110, %rem3A_99 : vector<16xi1>, vector<16xi32>
      %while3A_112 = arith.constant 0 : i32
      %while3A_113 = arith.constant 8 : i32
      %while3A_114 = arith.subi %while3A_113, %while3A_112 : i32
      %while3A_115 = arith.addi %while3A_112, %while3A_114 : i32
      %while3A_116 = arith.constant 1 : i32
      %while3A_117 = arith.divsi %while3A_114, %while3A_116 : i32
      %while3A_118 = arith.muli %while3A_117, %while3A_116 : i32
      %while3A_119 = arith.addi %while3A_112, %while3A_118 : i32
      %while3A_120 = arith.constant 1 : i32
      %while3A_121 = scf.for %while3A_124 = %while3A_112 to %while3A_119 step %while3A_120 iter_args(%while3A_125 = %select_n3A_111) -> (vector<16xi32>)  : i32 {
        %swap3A = arith.index_cast %while3A_4 : i32 to index
        %swap3A_126 = arith.index_cast %while3A_124 : i32 to index
        %swap3A_127 = arith.index_cast %mul3A_92 : i32 to index
        %swap3A_128 = tpu.vector_load %arg6[%swap3A, %swap3A_126, %swap3A_127] {strides = array<i32>} : memref<2x8x128xi32, #tpu.memory_space<vmem>>, vector<16xi32>,
        tpu.vector_store %arg6[%swap3A, %swap3A_126, %swap3A_127], %while3A_125 {strides = array<i32>} : memref<2x8x128xi32, #tpu.memory_space<vmem>>, vector<16xi32>,
        %shift_left3A = arith.constant 1 : i32
        %shift_left3A_129 = vector.broadcast %shift_left3A : i32 to vector<16xi32>
        %shift_left3A_130 = arith.shli %while3A_125, %shift_left3A_129 : vector<16xi32>
        %jit3A_131 = arith.constant 1000000 : i64
        %convert_element_type3A_132 = arith.trunci %jit3A_131 : i64 to i32
        %eq3A_133 = arith.constant 0 : i32
        %eq3A_134 = arith.cmpi eq, %convert_element_type3A_132, %eq3A_133 : i32
        %jit3A_135 = arith.constant 1 : i32
        %select_n3A_136 = arith.select %eq3A_134, %jit3A_135, %convert_element_type3A_132 : i32
        %rem3A_137 = vector.broadcast %select_n3A_136 : i32 to vector<16xi32>
        %rem3A_138 = arith.remsi %shift_left3A_130, %rem3A_137 : vector<16xi32>
        %ne3A_139 = arith.constant 0 : i32
        %ne3A_140 = vector.broadcast %ne3A_139 : i32 to vector<16xi32>
        %ne3A_141 = arith.cmpi ne, %rem3A_138, %ne3A_140 : vector<16xi32>
        %lt3A_142 = arith.constant 0 : i32
        %lt3A_143 = vector.broadcast %lt3A_142 : i32 to vector<16xi32>
        %lt3A_144 = arith.cmpi slt, %rem3A_138, %lt3A_143 : vector<16xi32>
        %lt3A_145 = arith.constant 0 : i32
        %lt3A_146 = arith.cmpi slt, %select_n3A_136, %lt3A_145 : i32
        %ne3A_147 = vector.broadcast %lt3A_146 : i1 to vector<16xi1>
        %ne3A_148 = vector.broadcast %ne3A_147 : vector<16xi1> to vector<16xi1>
        %ne3A_149 = arith.xori %lt3A_144, %ne3A_148 : vector<16xi1>
        %and3A_150 = arith.andi %ne3A_149, %ne3A_141 : vector<16xi1>
        %add3A_151 = vector.broadcast %select_n3A_136 : i32 to vector<16xi32>
        %add3A_152 = arith.addi %rem3A_138, %add3A_151 : vector<16xi32>
        %select_n3A_153 = arith.select %and3A_150, %add3A_152, %rem3A_138 : vector<16xi1>, vector<16xi32>
        scf.yield %select_n3A_153 : vector<16xi32>
      }
      %while3A_122 = arith.constant 1 : i32
      %while3A_123 = scf.for %while3A_124 = %while3A_119 to %while3A_115 step %while3A_122 iter_args(%while3A_125 = %while3A_121) -> (vector<16xi32>)  : i32 {
        %swap3A = arith.index_cast %while3A_4 : i32 to index
        %swap3A_126 = arith.index_cast %while3A_124 : i32 to index
        %swap3A_127 = arith.index_cast %mul3A_92 : i32 to index
        %swap3A_128 = tpu.vector_load %arg6[%swap3A, %swap3A_126, %swap3A_127] {strides = array<i32>} : memref<2x8x128xi32, #tpu.memory_space<vmem>>, vector<16xi32>,
        tpu.vector_store %arg6[%swap3A, %swap3A_126, %swap3A_127], %while3A_125 {strides = array<i32>} : memref<2x8x128xi32, #tpu.memory_space<vmem>>, vector<16xi32>,
        %shift_left3A = arith.constant 1 : i32
        %shift_left3A_129 = vector.broadcast %shift_left3A : i32 to vector<16xi32>
        %shift_left3A_130 = arith.shli %while3A_125, %shift_left3A_129 : vector<16xi32>
        %jit3A_131 = arith.constant 1000000 : i64
        %convert_element_type3A_132 = arith.trunci %jit3A_131 : i64 to i32
        %eq3A_133 = arith.constant 0 : i32
        %eq3A_134 = arith.cmpi eq, %convert_element_type3A_132, %eq3A_133 : i32
        %jit3A_135 = arith.constant 1 : i32
        %select_n3A_136 = arith.select %eq3A_134, %jit3A_135, %convert_element_type3A_132 : i32
        %rem3A_137 = vector.broadcast %select_n3A_136 : i32 to vector<16xi32>
        %rem3A_138 = arith.remsi %shift_left3A_130, %rem3A_137 : vector<16xi32>
        %ne3A_139 = arith.constant 0 : i32
        %ne3A_140 = vector.broadcast %ne3A_139 : i32 to vector<16xi32>
        %ne3A_141 = arith.cmpi ne, %rem3A_138, %ne3A_140 : vector<16xi32>
        %lt3A_142 = arith.constant 0 : i32
        %lt3A_143 = vector.broadcast %lt3A_142 : i32 to vector<16xi32>
        %lt3A_144 = arith.cmpi slt, %rem3A_138, %lt3A_143 : vector<16xi32>
        %lt3A_145 = arith.constant 0 : i32
        %lt3A_146 = arith.cmpi slt, %select_n3A_136, %lt3A_145 : i32
        %ne3A_147 = vector.broadcast %lt3A_146 : i1 to vector<16xi1>
        %ne3A_148 = vector.broadcast %ne3A_147 : vector<16xi1> to vector<16xi1>
        %ne3A_149 = arith.xori %lt3A_144, %ne3A_148 : vector<16xi1>
        %and3A_150 = arith.andi %ne3A_149, %ne3A_141 : vector<16xi1>
        %add3A_151 = vector.broadcast %select_n3A_136 : i32 to vector<16xi32>
        %add3A_152 = arith.addi %rem3A_138, %add3A_151 : vector<16xi32>
        %select_n3A_153 = arith.select %and3A_150, %add3A_152, %rem3A_138 : vector<16xi1>, vector<16xi32>
        scf.yield %select_n3A_153 : vector<16xi32>
      }
    }
    %broadcast_in_dim3A = arith.constant 0.000000e+00 : f32
    %broadcast_in_dim3A_15 = vector.broadcast %broadcast_in_dim3A : f32 to vector<16xf32>
    %while3A_16 = arith.constant 0 : i64
    %while3A_17 = arith.constant 0 : i32
    %while3A_18 = arith.constant 0 : i32
    %while3A_19 = arith.constant 128 : i32
    %while3A_20 = arith.subi %while3A_19, %while3A_18 : i32
    %while3A_21 = arith.addi %while3A_18, %while3A_20 : i32
    %while3A_22 = arith.constant 1 : i32
    %while3A_23 = arith.divsi %while3A_20, %while3A_22 : i32
    %while3A_24 = arith.muli %while3A_23, %while3A_22 : i32
    %while3A_25 = arith.addi %while3A_18, %while3A_24 : i32
    %while3A_26 = arith.constant 1 : i32
    scf.for %while3A_90 = %while3A_18 to %while3A_25 step %while3A_26  : i32 {
      %swap3A = arith.index_cast %while3A_17 : i32 to index
      %swap3A_91 = arith.index_cast %while3A_90 : i32 to index
      %swap3A_92 = arith.constant 0 : index
      %swap3A_93 = tpu.vector_load %arg7[%swap3A, %swap3A_91, %swap3A_92] {strides = array<i32>} : memref<2x128x32xf32, #tpu.memory_space<vmem>>, vector<16xf32>,
      tpu.vector_store %arg7[%swap3A, %swap3A_91, %swap3A_92], %broadcast_in_dim3A_15 {strides = array<i32>} : memref<2x128x32xf32, #tpu.memory_space<vmem>>, vector<16xf32>,
      %swap3A_94 = arith.index_cast %while3A_17 : i32 to index
      %swap3A_95 = arith.index_cast %while3A_90 : i32 to index
      %swap3A_96 = arith.constant 16 : index
      %swap3A_97 = tpu.vector_load %arg7[%swap3A_94, %swap3A_95, %swap3A_96] {strides = array<i32>} : memref<2x128x32xf32, #tpu.memory_space<vmem>>, vector<16xf32>,
      tpu.vector_store %arg7[%swap3A_94, %swap3A_95, %swap3A_96], %broadcast_in_dim3A_15 {strides = array<i32>} : memref<2x128x32xf32, #tpu.memory_space<vmem>>, vector<16xf32>,
    }
    %while3A_27 = arith.constant 1 : i32
    scf.for %while3A_90 = %while3A_25 to %while3A_21 step %while3A_27  : i32 {
      %swap3A = arith.index_cast %while3A_17 : i32 to index
      %swap3A_91 = arith.index_cast %while3A_90 : i32 to index
      %swap3A_92 = arith.constant 0 : index
      %swap3A_93 = tpu.vector_load %arg7[%swap3A, %swap3A_91, %swap3A_92] {strides = array<i32>} : memref<2x128x32xf32, #tpu.memory_space<vmem>>, vector<16xf32>,
      tpu.vector_store %arg7[%swap3A, %swap3A_91, %swap3A_92], %broadcast_in_dim3A_15 {strides = array<i32>} : memref<2x128x32xf32, #tpu.memory_space<vmem>>, vector<16xf32>,
      %swap3A_94 = arith.index_cast %while3A_17 : i32 to index
      %swap3A_95 = arith.index_cast %while3A_90 : i32 to index
      %swap3A_96 = arith.constant 16 : index
      %swap3A_97 = tpu.vector_load %arg7[%swap3A_94, %swap3A_95, %swap3A_96] {strides = array<i32>} : memref<2x128x32xf32, #tpu.memory_space<vmem>>, vector<16xf32>,
      tpu.vector_store %arg7[%swap3A_94, %swap3A_95, %swap3A_96], %broadcast_in_dim3A_15 {strides = array<i32>} : memref<2x128x32xf32, #tpu.memory_space<vmem>>, vector<16xf32>,
    }
    %while3A_28 = arith.constant 0 : i64
    %while3A_29 = arith.constant 0 : i32
    %while3A_30 = arith.constant 0 : i32
    %while3A_31 = arith.constant 8 : i32
    %while3A_32 = arith.subi %while3A_31, %while3A_30 : i32
    %while3A_33 = arith.addi %while3A_30, %while3A_32 : i32
    %while3A_34 = arith.constant 1 : i32
    %while3A_35 = arith.divsi %while3A_32, %while3A_34 : i32
    %while3A_36 = arith.muli %while3A_35, %while3A_34 : i32
    %while3A_37 = arith.addi %while3A_30, %while3A_36 : i32
    %while3A_38 = arith.constant 1 : i32
    scf.for %while3A_90 = %while3A_30 to %while3A_37 step %while3A_38  : i32 {
      %dma_start3A = arith.constant 0 : i32
      %dma_start3A_91 = arith.constant 0 : i32
      %dma_start3A_92 = tpu.memref_slice %arg7[%while3A_29, %dma_start3A, %dma_start3A_91] : memref<2x128x32xf32, #tpu.memory_space<vmem>> -> memref<1x128x32xf32, #tpu.memory_space<vmem>>
      %dma_start3A_93 = tpu.memref_squeeze %dma_start3A_92 : memref<1x128x32xf32, #tpu.memory_space<vmem>> -> memref<128x32xf32, #tpu.memory_space<vmem>>
      %dma_start3A_94 = arith.constant 0 : i32
      %dma_start3A_95 = tpu.memref_slice %arg6[%while3A_29, %while3A_90, %dma_start3A_94] : memref<2x8x128xi32, #tpu.memory_space<vmem>> -> memref<1x1x128xi32, #tpu.memory_space<vmem>>
      %dma_start3A_96 = tpu.memref_squeeze %dma_start3A_95 : memref<1x1x128xi32, #tpu.memory_space<vmem>> -> memref<128xi32, #tpu.memory_space<vmem>>
      %dma_start3A_97 = arith.constant 0 : i32
      %dma_start3A_98 = arith.constant 0 : i32
      %dma_start3A_99 = tpu.memref_slice %arg3[%dma_start3A_97, %dma_start3A_98] : memref<1000000x32xf32, #tpu.memory_space<hbm>> -> memref<1000000x32xf32, #tpu.memory_space<hbm>>
      tpu.enqueue_indirect_dma source(%dma_start3A_99 : memref<1000000x32xf32, #tpu.memory_space<hbm>>) target(%dma_start3A_93 : memref<128x32xf32, #tpu.memory_space<vmem>>) offsets(%dma_start3A_96 : memref<128xi32, #tpu.memory_space<vmem>>) semaphore(%arg8 : memref<!tpu.dma_semaphore, #tpu.memory_space<semaphore_mem>>) {add = true}
    }
    %while3A_39 = arith.constant 1 : i32
    scf.for %while3A_90 = %while3A_37 to %while3A_33 step %while3A_39  : i32 {
      %dma_start3A = arith.constant 0 : i32
      %dma_start3A_91 = arith.constant 0 : i32
      %dma_start3A_92 = tpu.memref_slice %arg7[%while3A_29, %dma_start3A, %dma_start3A_91] : memref<2x128x32xf32, #tpu.memory_space<vmem>> -> memref<1x128x32xf32, #tpu.memory_space<vmem>>
      %dma_start3A_93 = tpu.memref_squeeze %dma_start3A_92 : memref<1x128x32xf32, #tpu.memory_space<vmem>> -> memref<128x32xf32, #tpu.memory_space<vmem>>
      %dma_start3A_94 = arith.constant 0 : i32
      %dma_start3A_95 = tpu.memref_slice %arg6[%while3A_29, %while3A_90, %dma_start3A_94] : memref<2x8x128xi32, #tpu.memory_space<vmem>> -> memref<1x1x128xi32, #tpu.memory_space<vmem>>
      %dma_start3A_96 = tpu.memref_squeeze %dma_start3A_95 : memref<1x1x128xi32, #tpu.memory_space<vmem>> -> memref<128xi32, #tpu.memory_space<vmem>>
      %dma_start3A_97 = arith.constant 0 : i32
      %dma_start3A_98 = arith.constant 0 : i32
      %dma_start3A_99 = tpu.memref_slice %arg3[%dma_start3A_97, %dma_start3A_98] : memref<1000000x32xf32, #tpu.memory_space<hbm>> -> memref<1000000x32xf32, #tpu.memory_space<hbm>>
      tpu.enqueue_indirect_dma source(%dma_start3A_99 : memref<1000000x32xf32, #tpu.memory_space<hbm>>) target(%dma_start3A_93 : memref<128x32xf32, #tpu.memory_space<vmem>>) offsets(%dma_start3A_96 : memref<128xi32, #tpu.memory_space<vmem>>) semaphore(%arg8 : memref<!tpu.dma_semaphore, #tpu.memory_space<semaphore_mem>>) {add = true}
    }
    %while3A_40 = arith.constant 0 : i64
    %while3A_41 = arith.constant 1 : i32
    %while3A_42 = arith.constant 1 : i32
    %while3A_43 = arith.constant 0 : i32
    %while3A_44 = arith.constant 8 : i32
    %while3A_45 = arith.subi %while3A_44, %while3A_43 : i32
    %while3A_46 = arith.addi %while3A_43, %while3A_45 : i32
    %while3A_47 = arith.constant 1 : i32
    %while3A_48 = arith.divsi %while3A_45, %while3A_47 : i32
    %while3A_49 = arith.muli %while3A_48, %while3A_47 : i32
    %while3A_50 = arith.addi %while3A_43, %while3A_49 : i32
    %while3A_51 = arith.constant 1 : i32
    scf.for %while3A_90 = %while3A_43 to %while3A_50 step %while3A_51  : i32 {
      %mul3A_91 = arith.constant 16 : i32
      %mul3A_92 = arith.muli %while3A_90, %mul3A_91 : i32
      %mul3A_93 = arith.constant 128 : i32
      %mul3A_94 = arith.muli %while3A_41, %mul3A_93 : i32
      %add3A_95 = arith.addi %mul3A_94, %mul3A_92 : i32
      %get3A = arith.index_cast %add3A_95 : i32 to index
      %get3A_96 = tpu.vector_load %arg5[%get3A] {strides = array<i32>} : memref<3328xi32, #tpu.memory_space<vmem>>, vector<16xi32>,
      %jit3A = arith.constant 1000000 : i64
      %convert_element_type3A = arith.trunci %jit3A : i64 to i32
      %eq3A = arith.constant 0 : i32
      %eq3A_97 = arith.cmpi eq, %convert_element_type3A, %eq3A : i32
      %jit3A_98 = arith.constant 1 : i32
      %select_n3A = arith.select %eq3A_97, %jit3A_98, %convert_element_type3A : i32
      %rem3A = vector.broadcast %select_n3A : i32 to vector<16xi32>
      %rem3A_99 = arith.remsi %get3A_96, %rem3A : vector<16xi32>
      %ne3A = arith.constant 0 : i32
      %ne3A_100 = vector.broadcast %ne3A : i32 to vector<16xi32>
      %ne3A_101 = arith.cmpi ne, %rem3A_99, %ne3A_100 : vector<16xi32>
      %lt3A = arith.constant 0 : i32
      %lt3A_102 = vector.broadcast %lt3A : i32 to vector<16xi32>
      %lt3A_103 = arith.cmpi slt, %rem3A_99, %lt3A_102 : vector<16xi32>
      %lt3A_104 = arith.constant 0 : i32
      %lt3A_105 = arith.cmpi slt, %select_n3A, %lt3A_104 : i32
      %ne3A_106 = vector.broadcast %lt3A_105 : i1 to vector<16xi1>
      %ne3A_107 = vector.broadcast %ne3A_106 : vector<16xi1> to vector<16xi1>
      %ne3A_108 = arith.xori %lt3A_103, %ne3A_107 : vector<16xi1>
      %and3A = arith.andi %ne3A_108, %ne3A_101 : vector<16xi1>
      %add3A_109 = vector.broadcast %select_n3A : i32 to vector<16xi32>
      %add3A_110 = arith.addi %rem3A_99, %add3A_109 : vector<16xi32>
      %select_n3A_111 = arith.select %and3A, %add3A_110, %rem3A_99 : vector<16xi1>, vector<16xi32>
      %while3A_112 = arith.constant 0 : i32
      %while3A_113 = arith.constant 8 : i32
      %while3A_114 = arith.subi %while3A_113, %while3A_112 : i32
      %while3A_115 = arith.addi %while3A_112, %while3A_114 : i32
      %while3A_116 = arith.constant 1 : i32
      %while3A_117 = arith.divsi %while3A_114, %while3A_116 : i32
      %while3A_118 = arith.muli %while3A_117, %while3A_116 : i32
      %while3A_119 = arith.addi %while3A_112, %while3A_118 : i32
      %while3A_120 = arith.constant 1 : i32
      %while3A_121 = scf.for %while3A_124 = %while3A_112 to %while3A_119 step %while3A_120 iter_args(%while3A_125 = %select_n3A_111) -> (vector<16xi32>)  : i32 {
        %swap3A = arith.index_cast %while3A_42 : i32 to index
        %swap3A_126 = arith.index_cast %while3A_124 : i32 to index
        %swap3A_127 = arith.index_cast %mul3A_92 : i32 to index
        %swap3A_128 = tpu.vector_load %arg6[%swap3A, %swap3A_126, %swap3A_127] {strides = array<i32>} : memref<2x8x128xi32, #tpu.memory_space<vmem>>, vector<16xi32>,
        tpu.vector_store %arg6[%swap3A, %swap3A_126, %swap3A_127], %while3A_125 {strides = array<i32>} : memref<2x8x128xi32, #tpu.memory_space<vmem>>, vector<16xi32>,
        %shift_left3A = arith.constant 1 : i32
        %shift_left3A_129 = vector.broadcast %shift_left3A : i32 to vector<16xi32>
        %shift_left3A_130 = arith.shli %while3A_125, %shift_left3A_129 : vector<16xi32>
        %jit3A_131 = arith.constant 1000000 : i64
        %convert_element_type3A_132 = arith.trunci %jit3A_131 : i64 to i32
        %eq3A_133 = arith.constant 0 : i32
        %eq3A_134 = arith.cmpi eq, %convert_element_type3A_132, %eq3A_133 : i32
        %jit3A_135 = arith.constant 1 : i32
        %select_n3A_136 = arith.select %eq3A_134, %jit3A_135, %convert_element_type3A_132 : i32
        %rem3A_137 = vector.broadcast %select_n3A_136 : i32 to vector<16xi32>
        %rem3A_138 = arith.remsi %shift_left3A_130, %rem3A_137 : vector<16xi32>
        %ne3A_139 = arith.constant 0 : i32
        %ne3A_140 = vector.broadcast %ne3A_139 : i32 to vector<16xi32>
        %ne3A_141 = arith.cmpi ne, %rem3A_138, %ne3A_140 : vector<16xi32>
        %lt3A_142 = arith.constant 0 : i32
        %lt3A_143 = vector.broadcast %lt3A_142 : i32 to vector<16xi32>
        %lt3A_144 = arith.cmpi slt, %rem3A_138, %lt3A_143 : vector<16xi32>
        %lt3A_145 = arith.constant 0 : i32
        %lt3A_146 = arith.cmpi slt, %select_n3A_136, %lt3A_145 : i32
        %ne3A_147 = vector.broadcast %lt3A_146 : i1 to vector<16xi1>
        %ne3A_148 = vector.broadcast %ne3A_147 : vector<16xi1> to vector<16xi1>
        %ne3A_149 = arith.xori %lt3A_144, %ne3A_148 : vector<16xi1>
        %and3A_150 = arith.andi %ne3A_149, %ne3A_141 : vector<16xi1>
        %add3A_151 = vector.broadcast %select_n3A_136 : i32 to vector<16xi32>
        %add3A_152 = arith.addi %rem3A_138, %add3A_151 : vector<16xi32>
        %select_n3A_153 = arith.select %and3A_150, %add3A_152, %rem3A_138 : vector<16xi1>, vector<16xi32>
        scf.yield %select_n3A_153 : vector<16xi32>
      }
      %while3A_122 = arith.constant 1 : i32
      %while3A_123 = scf.for %while3A_124 = %while3A_119 to %while3A_115 step %while3A_122 iter_args(%while3A_125 = %while3A_121) -> (vector<16xi32>)  : i32 {
        %swap3A = arith.index_cast %while3A_42 : i32 to index
        %swap3A_126 = arith.index_cast %while3A_124 : i32 to index
        %swap3A_127 = arith.index_cast %mul3A_92 : i32 to index
        %swap3A_128 = tpu.vector_load %arg6[%swap3A, %swap3A_126, %swap3A_127] {strides = array<i32>} : memref<2x8x128xi32, #tpu.memory_space<vmem>>, vector<16xi32>,
        tpu.vector_store %arg6[%swap3A, %swap3A_126, %swap3A_127], %while3A_125 {strides = array<i32>} : memref<2x8x128xi32, #tpu.memory_space<vmem>>, vector<16xi32>,
        %shift_left3A = arith.constant 1 : i32
        %shift_left3A_129 = vector.broadcast %shift_left3A : i32 to vector<16xi32>
        %shift_left3A_130 = arith.shli %while3A_125, %shift_left3A_129 : vector<16xi32>
        %jit3A_131 = arith.constant 1000000 : i64
        %convert_element_type3A_132 = arith.trunci %jit3A_131 : i64 to i32
        %eq3A_133 = arith.constant 0 : i32
        %eq3A_134 = arith.cmpi eq, %convert_element_type3A_132, %eq3A_133 : i32
        %jit3A_135 = arith.constant 1 : i32
        %select_n3A_136 = arith.select %eq3A_134, %jit3A_135, %convert_element_type3A_132 : i32
        %rem3A_137 = vector.broadcast %select_n3A_136 : i32 to vector<16xi32>
        %rem3A_138 = arith.remsi %shift_left3A_130, %rem3A_137 : vector<16xi32>
        %ne3A_139 = arith.constant 0 : i32
        %ne3A_140 = vector.broadcast %ne3A_139 : i32 to vector<16xi32>
        %ne3A_141 = arith.cmpi ne, %rem3A_138, %ne3A_140 : vector<16xi32>
        %lt3A_142 = arith.constant 0 : i32
        %lt3A_143 = vector.broadcast %lt3A_142 : i32 to vector<16xi32>
        %lt3A_144 = arith.cmpi slt, %rem3A_138, %lt3A_143 : vector<16xi32>
        %lt3A_145 = arith.constant 0 : i32
        %lt3A_146 = arith.cmpi slt, %select_n3A_136, %lt3A_145 : i32
        %ne3A_147 = vector.broadcast %lt3A_146 : i1 to vector<16xi1>
        %ne3A_148 = vector.broadcast %ne3A_147 : vector<16xi1> to vector<16xi1>
        %ne3A_149 = arith.xori %lt3A_144, %ne3A_148 : vector<16xi1>
        %and3A_150 = arith.andi %ne3A_149, %ne3A_141 : vector<16xi1>
        %add3A_151 = vector.broadcast %select_n3A_136 : i32 to vector<16xi32>
        %add3A_152 = arith.addi %rem3A_138, %add3A_151 : vector<16xi32>
        %select_n3A_153 = arith.select %and3A_150, %add3A_152, %rem3A_138 : vector<16xi1>, vector<16xi32>
        scf.yield %select_n3A_153 : vector<16xi32>
      }
    }
    %while3A_52 = arith.constant 1 : i32
    scf.for %while3A_90 = %while3A_50 to %while3A_46 step %while3A_52  : i32 {
      %mul3A_91 = arith.constant 16 : i32
      %mul3A_92 = arith.muli %while3A_90, %mul3A_91 : i32
      %mul3A_93 = arith.constant 128 : i32
      %mul3A_94 = arith.muli %while3A_41, %mul3A_93 : i32
      %add3A_95 = arith.addi %mul3A_94, %mul3A_92 : i32
      %get3A = arith.index_cast %add3A_95 : i32 to index
      %get3A_96 = tpu.vector_load %arg5[%get3A] {strides = array<i32>} : memref<3328xi32, #tpu.memory_space<vmem>>, vector<16xi32>,
      %jit3A = arith.constant 1000000 : i64
      %convert_element_type3A = arith.trunci %jit3A : i64 to i32
      %eq3A = arith.constant 0 : i32
      %eq3A_97 = arith.cmpi eq, %convert_element_type3A, %eq3A : i32
      %jit3A_98 = arith.constant 1 : i32
      %select_n3A = arith.select %eq3A_97, %jit3A_98, %convert_element_type3A : i32
      %rem3A = vector.broadcast %select_n3A : i32 to vector<16xi32>
      %rem3A_99 = arith.remsi %get3A_96, %rem3A : vector<16xi32>
      %ne3A = arith.constant 0 : i32
      %ne3A_100 = vector.broadcast %ne3A : i32 to vector<16xi32>
      %ne3A_101 = arith.cmpi ne, %rem3A_99, %ne3A_100 : vector<16xi32>
      %lt3A = arith.constant 0 : i32
      %lt3A_102 = vector.broadcast %lt3A : i32 to vector<16xi32>
      %lt3A_103 = arith.cmpi slt, %rem3A_99, %lt3A_102 : vector<16xi32>
      %lt3A_104 = arith.constant 0 : i32
      %lt3A_105 = arith.cmpi slt, %select_n3A, %lt3A_104 : i32
      %ne3A_106 = vector.broadcast %lt3A_105 : i1 to vector<16xi1>
      %ne3A_107 = vector.broadcast %ne3A_106 : vector<16xi1> to vector<16xi1>
      %ne3A_108 = arith.xori %lt3A_103, %ne3A_107 : vector<16xi1>
      %and3A = arith.andi %ne3A_108, %ne3A_101 : vector<16xi1>
      %add3A_109 = vector.broadcast %select_n3A : i32 to vector<16xi32>
      %add3A_110 = arith.addi %rem3A_99, %add3A_109 : vector<16xi32>
      %select_n3A_111 = arith.select %and3A, %add3A_110, %rem3A_99 : vector<16xi1>, vector<16xi32>
      %while3A_112 = arith.constant 0 : i32
      %while3A_113 = arith.constant 8 : i32
      %while3A_114 = arith.subi %while3A_113, %while3A_112 : i32
      %while3A_115 = arith.addi %while3A_112, %while3A_114 : i32
      %while3A_116 = arith.constant 1 : i32
      %while3A_117 = arith.divsi %while3A_114, %while3A_116 : i32
      %while3A_118 = arith.muli %while3A_117, %while3A_116 : i32
      %while3A_119 = arith.addi %while3A_112, %while3A_118 : i32
      %while3A_120 = arith.constant 1 : i32
      %while3A_121 = scf.for %while3A_124 = %while3A_112 to %while3A_119 step %while3A_120 iter_args(%while3A_125 = %select_n3A_111) -> (vector<16xi32>)  : i32 {
        %swap3A = arith.index_cast %while3A_42 : i32 to index
        %swap3A_126 = arith.index_cast %while3A_124 : i32 to index
        %swap3A_127 = arith.index_cast %mul3A_92 : i32 to index
        %swap3A_128 = tpu.vector_load %arg6[%swap3A, %swap3A_126, %swap3A_127] {strides = array<i32>} : memref<2x8x128xi32, #tpu.memory_space<vmem>>, vector<16xi32>,
        tpu.vector_store %arg6[%swap3A, %swap3A_126, %swap3A_127], %while3A_125 {strides = array<i32>} : memref<2x8x128xi32, #tpu.memory_space<vmem>>, vector<16xi32>,
        %shift_left3A = arith.constant 1 : i32
        %shift_left3A_129 = vector.broadcast %shift_left3A : i32 to vector<16xi32>
        %shift_left3A_130 = arith.shli %while3A_125, %shift_left3A_129 : vector<16xi32>
        %jit3A_131 = arith.constant 1000000 : i64
        %convert_element_type3A_132 = arith.trunci %jit3A_131 : i64 to i32
        %eq3A_133 = arith.constant 0 : i32
        %eq3A_134 = arith.cmpi eq, %convert_element_type3A_132, %eq3A_133 : i32
        %jit3A_135 = arith.constant 1 : i32
        %select_n3A_136 = arith.select %eq3A_134, %jit3A_135, %convert_element_type3A_132 : i32
        %rem3A_137 = vector.broadcast %select_n3A_136 : i32 to vector<16xi32>
        %rem3A_138 = arith.remsi %shift_left3A_130, %rem3A_137 : vector<16xi32>
        %ne3A_139 = arith.constant 0 : i32
        %ne3A_140 = vector.broadcast %ne3A_139 : i32 to vector<16xi32>
        %ne3A_141 = arith.cmpi ne, %rem3A_138, %ne3A_140 : vector<16xi32>
        %lt3A_142 = arith.constant 0 : i32
        %lt3A_143 = vector.broadcast %lt3A_142 : i32 to vector<16xi32>
        %lt3A_144 = arith.cmpi slt, %rem3A_138, %lt3A_143 : vector<16xi32>
        %lt3A_145 = arith.constant 0 : i32
        %lt3A_146 = arith.cmpi slt, %select_n3A_136, %lt3A_145 : i32
        %ne3A_147 = vector.broadcast %lt3A_146 : i1 to vector<16xi1>
        %ne3A_148 = vector.broadcast %ne3A_147 : vector<16xi1> to vector<16xi1>
        %ne3A_149 = arith.xori %lt3A_144, %ne3A_148 : vector<16xi1>
        %and3A_150 = arith.andi %ne3A_149, %ne3A_141 : vector<16xi1>
        %add3A_151 = vector.broadcast %select_n3A_136 : i32 to vector<16xi32>
        %add3A_152 = arith.addi %rem3A_138, %add3A_151 : vector<16xi32>
        %select_n3A_153 = arith.select %and3A_150, %add3A_152, %rem3A_138 : vector<16xi1>, vector<16xi32>
        scf.yield %select_n3A_153 : vector<16xi32>
      }
      %while3A_122 = arith.constant 1 : i32
      %while3A_123 = scf.for %while3A_124 = %while3A_119 to %while3A_115 step %while3A_122 iter_args(%while3A_125 = %while3A_121) -> (vector<16xi32>)  : i32 {
        %swap3A = arith.index_cast %while3A_42 : i32 to index
        %swap3A_126 = arith.index_cast %while3A_124 : i32 to index
        %swap3A_127 = arith.index_cast %mul3A_92 : i32 to index
        %swap3A_128 = tpu.vector_load %arg6[%swap3A, %swap3A_126, %swap3A_127] {strides = array<i32>} : memref<2x8x128xi32, #tpu.memory_space<vmem>>, vector<16xi32>,
        tpu.vector_store %arg6[%swap3A, %swap3A_126, %swap3A_127], %while3A_125 {strides = array<i32>} : memref<2x8x128xi32, #tpu.memory_space<vmem>>, vector<16xi32>,
        %shift_left3A = arith.constant 1 : i32
        %shift_left3A_129 = vector.broadcast %shift_left3A : i32 to vector<16xi32>
        %shift_left3A_130 = arith.shli %while3A_125, %shift_left3A_129 : vector<16xi32>
        %jit3A_131 = arith.constant 1000000 : i64
        %convert_element_type3A_132 = arith.trunci %jit3A_131 : i64 to i32
        %eq3A_133 = arith.constant 0 : i32
        %eq3A_134 = arith.cmpi eq, %convert_element_type3A_132, %eq3A_133 : i32
        %jit3A_135 = arith.constant 1 : i32
        %select_n3A_136 = arith.select %eq3A_134, %jit3A_135, %convert_element_type3A_132 : i32
        %rem3A_137 = vector.broadcast %select_n3A_136 : i32 to vector<16xi32>
        %rem3A_138 = arith.remsi %shift_left3A_130, %rem3A_137 : vector<16xi32>
        %ne3A_139 = arith.constant 0 : i32
        %ne3A_140 = vector.broadcast %ne3A_139 : i32 to vector<16xi32>
        %ne3A_141 = arith.cmpi ne, %rem3A_138, %ne3A_140 : vector<16xi32>
        %lt3A_142 = arith.constant 0 : i32
        %lt3A_143 = vector.broadcast %lt3A_142 : i32 to vector<16xi32>
        %lt3A_144 = arith.cmpi slt, %rem3A_138, %lt3A_143 : vector<16xi32>
        %lt3A_145 = arith.constant 0 : i32
        %lt3A_146 = arith.cmpi slt, %select_n3A_136, %lt3A_145 : i32
        %ne3A_147 = vector.broadcast %lt3A_146 : i1 to vector<16xi1>
        %ne3A_148 = vector.broadcast %ne3A_147 : vector<16xi1> to vector<16xi1>
        %ne3A_149 = arith.xori %lt3A_144, %ne3A_148 : vector<16xi1>
        %and3A_150 = arith.andi %ne3A_149, %ne3A_141 : vector<16xi1>
        %add3A_151 = vector.broadcast %select_n3A_136 : i32 to vector<16xi32>
        %add3A_152 = arith.addi %rem3A_138, %add3A_151 : vector<16xi32>
        %select_n3A_153 = arith.select %and3A_150, %add3A_152, %rem3A_138 : vector<16xi1>, vector<16xi32>
        scf.yield %select_n3A_153 : vector<16xi32>
      }
    }
    %broadcast_in_dim3A_53 = arith.constant 0.000000e+00 : f32
    %broadcast_in_dim3A_54 = vector.broadcast %broadcast_in_dim3A_53 : f32 to vector<16xf32>
    %while3A_55 = arith.constant 0 : i64
    %while3A_56 = arith.constant 1 : i32
    %while3A_57 = arith.constant 0 : i32
    %while3A_58 = arith.constant 128 : i32
    %while3A_59 = arith.subi %while3A_58, %while3A_57 : i32
    %while3A_60 = arith.addi %while3A_57, %while3A_59 : i32
    %while3A_61 = arith.constant 1 : i32
    %while3A_62 = arith.divsi %while3A_59, %while3A_61 : i32
    %while3A_63 = arith.muli %while3A_62, %while3A_61 : i32
    %while3A_64 = arith.addi %while3A_57, %while3A_63 : i32
    %while3A_65 = arith.constant 1 : i32
    scf.for %while3A_90 = %while3A_57 to %while3A_64 step %while3A_65  : i32 {
      %swap3A = arith.index_cast %while3A_56 : i32 to index
      %swap3A_91 = arith.index_cast %while3A_90 : i32 to index
      %swap3A_92 = arith.constant 0 : index
      %swap3A_93 = tpu.vector_load %arg7[%swap3A, %swap3A_91, %swap3A_92] {strides = array<i32>} : memref<2x128x32xf32, #tpu.memory_space<vmem>>, vector<16xf32>,
      tpu.vector_store %arg7[%swap3A, %swap3A_91, %swap3A_92], %broadcast_in_dim3A_54 {strides = array<i32>} : memref<2x128x32xf32, #tpu.memory_space<vmem>>, vector<16xf32>,
      %swap3A_94 = arith.index_cast %while3A_56 : i32 to index
      %swap3A_95 = arith.index_cast %while3A_90 : i32 to index
      %swap3A_96 = arith.constant 16 : index
      %swap3A_97 = tpu.vector_load %arg7[%swap3A_94, %swap3A_95, %swap3A_96] {strides = array<i32>} : memref<2x128x32xf32, #tpu.memory_space<vmem>>, vector<16xf32>,
      tpu.vector_store %arg7[%swap3A_94, %swap3A_95, %swap3A_96], %broadcast_in_dim3A_54 {strides = array<i32>} : memref<2x128x32xf32, #tpu.memory_space<vmem>>, vector<16xf32>,
    }
    %while3A_66 = arith.constant 1 : i32
    scf.for %while3A_90 = %while3A_64 to %while3A_60 step %while3A_66  : i32 {
      %swap3A = arith.index_cast %while3A_56 : i32 to index
      %swap3A_91 = arith.index_cast %while3A_90 : i32 to index
      %swap3A_92 = arith.constant 0 : index
      %swap3A_93 = tpu.vector_load %arg7[%swap3A, %swap3A_91, %swap3A_92] {strides = array<i32>} : memref<2x128x32xf32, #tpu.memory_space<vmem>>, vector<16xf32>,
      tpu.vector_store %arg7[%swap3A, %swap3A_91, %swap3A_92], %broadcast_in_dim3A_54 {strides = array<i32>} : memref<2x128x32xf32, #tpu.memory_space<vmem>>, vector<16xf32>,
      %swap3A_94 = arith.index_cast %while3A_56 : i32 to index
      %swap3A_95 = arith.index_cast %while3A_90 : i32 to index
      %swap3A_96 = arith.constant 16 : index
      %swap3A_97 = tpu.vector_load %arg7[%swap3A_94, %swap3A_95, %swap3A_96] {strides = array<i32>} : memref<2x128x32xf32, #tpu.memory_space<vmem>>, vector<16xf32>,
      tpu.vector_store %arg7[%swap3A_94, %swap3A_95, %swap3A_96], %broadcast_in_dim3A_54 {strides = array<i32>} : memref<2x128x32xf32, #tpu.memory_space<vmem>>, vector<16xf32>,
    }
    %while3A_67 = arith.constant 0 : i64
    %while3A_68 = arith.constant 1 : i32
    %while3A_69 = arith.constant 0 : i32
    %while3A_70 = arith.constant 8 : i32
    %while3A_71 = arith.subi %while3A_70, %while3A_69 : i32
    %while3A_72 = arith.addi %while3A_69, %while3A_71 : i32
    %while3A_73 = arith.constant 1 : i32
    %while3A_74 = arith.divsi %while3A_71, %while3A_73 : i32
    %while3A_75 = arith.muli %while3A_74, %while3A_73 : i32
    %while3A_76 = arith.addi %while3A_69, %while3A_75 : i32
    %while3A_77 = arith.constant 1 : i32
    scf.for %while3A_90 = %while3A_69 to %while3A_76 step %while3A_77  : i32 {
      %dma_start3A = arith.constant 0 : i32
      %dma_start3A_91 = arith.constant 0 : i32
      %dma_start3A_92 = tpu.memref_slice %arg7[%while3A_68, %dma_start3A, %dma_start3A_91] : memref<2x128x32xf32, #tpu.memory_space<vmem>> -> memref<1x128x32xf32, #tpu.memory_space<vmem>>
      %dma_start3A_93 = tpu.memref_squeeze %dma_start3A_92 : memref<1x128x32xf32, #tpu.memory_space<vmem>> -> memref<128x32xf32, #tpu.memory_space<vmem>>
      %dma_start3A_94 = arith.constant 0 : i32
      %dma_start3A_95 = tpu.memref_slice %arg6[%while3A_68, %while3A_90, %dma_start3A_94] : memref<2x8x128xi32, #tpu.memory_space<vmem>> -> memref<1x1x128xi32, #tpu.memory_space<vmem>>
      %dma_start3A_96 = tpu.memref_squeeze %dma_start3A_95 : memref<1x1x128xi32, #tpu.memory_space<vmem>> -> memref<128xi32, #tpu.memory_space<vmem>>
      %dma_start3A_97 = arith.constant 0 : i32
      %dma_start3A_98 = arith.constant 0 : i32
      %dma_start3A_99 = tpu.memref_slice %arg3[%dma_start3A_97, %dma_start3A_98] : memref<1000000x32xf32, #tpu.memory_space<hbm>> -> memref<1000000x32xf32, #tpu.memory_space<hbm>>
      tpu.enqueue_indirect_dma source(%dma_start3A_99 : memref<1000000x32xf32, #tpu.memory_space<hbm>>) target(%dma_start3A_93 : memref<128x32xf32, #tpu.memory_space<vmem>>) offsets(%dma_start3A_96 : memref<128xi32, #tpu.memory_space<vmem>>) semaphore(%arg9 : memref<!tpu.dma_semaphore, #tpu.memory_space<semaphore_mem>>) {add = true}
    }
    %while3A_78 = arith.constant 1 : i32
    scf.for %while3A_90 = %while3A_76 to %while3A_72 step %while3A_78  : i32 {
      %dma_start3A = arith.constant 0 : i32
      %dma_start3A_91 = arith.constant 0 : i32
      %dma_start3A_92 = tpu.memref_slice %arg7[%while3A_68, %dma_start3A, %dma_start3A_91] : memref<2x128x32xf32, #tpu.memory_space<vmem>> -> memref<1x128x32xf32, #tpu.memory_space<vmem>>
      %dma_start3A_93 = tpu.memref_squeeze %dma_start3A_92 : memref<1x128x32xf32, #tpu.memory_space<vmem>> -> memref<128x32xf32, #tpu.memory_space<vmem>>
      %dma_start3A_94 = arith.constant 0 : i32
      %dma_start3A_95 = tpu.memref_slice %arg6[%while3A_68, %while3A_90, %dma_start3A_94] : memref<2x8x128xi32, #tpu.memory_space<vmem>> -> memref<1x1x128xi32, #tpu.memory_space<vmem>>
      %dma_start3A_96 = tpu.memref_squeeze %dma_start3A_95 : memref<1x1x128xi32, #tpu.memory_space<vmem>> -> memref<128xi32, #tpu.memory_space<vmem>>
      %dma_start3A_97 = arith.constant 0 : i32
      %dma_start3A_98 = arith.constant 0 : i32
      %dma_start3A_99 = tpu.memref_slice %arg3[%dma_start3A_97, %dma_start3A_98] : memref<1000000x32xf32, #tpu.memory_space<hbm>> -> memref<1000000x32xf32, #tpu.memory_space<hbm>>
      tpu.enqueue_indirect_dma source(%dma_start3A_99 : memref<1000000x32xf32, #tpu.memory_space<hbm>>) target(%dma_start3A_93 : memref<128x32xf32, #tpu.memory_space<vmem>>) offsets(%dma_start3A_96 : memref<128xi32, #tpu.memory_space<vmem>>) semaphore(%arg9 : memref<!tpu.dma_semaphore, #tpu.memory_space<semaphore_mem>>) {add = true}
    }
    %while3A_79 = arith.constant 0 : i64
    %while3A_80 = arith.constant 0 : i32
    %while3A_81 = arith.constant 13 : i32
    %while3A_82 = arith.subi %while3A_81, %while3A_80 : i32
    %while3A_83 = arith.addi %while3A_80, %while3A_82 : i32
    %while3A_84 = arith.constant 1 : i32
    %while3A_85 = arith.divsi %while3A_82, %while3A_84 : i32
    %while3A_86 = arith.muli %while3A_85, %while3A_84 : i32
    %while3A_87 = arith.addi %while3A_80, %while3A_86 : i32
    %while3A_88 = arith.constant 1 : i32
    scf.for %while3A_90 = %while3A_80 to %while3A_87 step %while3A_88  : i32 {
      %mul3A_91 = arith.constant 2 : i32
      %mul3A_92 = arith.muli %while3A_90, %mul3A_91 : i32
      %while3A_93 = arith.constant 0 : i64
      %while3A_94 = arith.constant 0 : i32
      %while3A_95 = arith.constant 0 : i32
      %while3A_96 = arith.constant 8 : i32
      %while3A_97 = arith.subi %while3A_96, %while3A_95 : i32
      %while3A_98 = arith.addi %while3A_95, %while3A_97 : i32
      %while3A_99 = arith.constant 1 : i32
      %while3A_100 = arith.divsi %while3A_97, %while3A_99 : i32
      %while3A_101 = arith.muli %while3A_100, %while3A_99 : i32
      %while3A_102 = arith.addi %while3A_95, %while3A_101 : i32
      %while3A_103 = arith.constant 1 : i32
      scf.for %while3A_137 = %while3A_95 to %while3A_102 step %while3A_103  : i32 {
        %dma_wait3A = arith.constant 0 : i32
        %dma_wait3A_138 = arith.constant 0 : i32
        %dma_wait3A_139 = tpu.memref_slice %arg7[%while3A_94, %dma_wait3A, %dma_wait3A_138] : memref<2x128x32xf32, #tpu.memory_space<vmem>> -> memref<1x128x32xf32, #tpu.memory_space<vmem>>
        %dma_wait3A_140 = tpu.memref_squeeze %dma_wait3A_139 : memref<1x128x32xf32, #tpu.memory_space<vmem>> -> memref<128x32xf32, #tpu.memory_space<vmem>>
        %dma_wait3A_141 = arith.constant 0 : i32
        %dma_wait3A_142 = tpu.memref_slice %arg6[%while3A_94, %while3A_137, %dma_wait3A_141] : memref<2x8x128xi32, #tpu.memory_space<vmem>> -> memref<1x1x128xi32, #tpu.memory_space<vmem>>
        %dma_wait3A_143 = tpu.memref_squeeze %dma_wait3A_142 : memref<1x1x128xi32, #tpu.memory_space<vmem>> -> memref<128xi32, #tpu.memory_space<vmem>>
        %dma_wait3A_144 = arith.constant 0 : i32
        %dma_wait3A_145 = arith.constant 0 : i32
        %dma_wait3A_146 = tpu.memref_slice %arg3[%dma_wait3A_144, %dma_wait3A_145] : memref<1000000x32xf32, #tpu.memory_space<hbm>> -> memref<1000000x32xf32, #tpu.memory_space<hbm>>
        tpu.wait_indirect_dma semaphore(%arg8 : memref<!tpu.dma_semaphore, #tpu.memory_space<semaphore_mem>>) src(%dma_wait3A_146 : memref<1000000x32xf32, #tpu.memory_space<hbm>>) dst(%dma_wait3A_140 : memref<128x32xf32, #tpu.memory_space<vmem>>)
      }
      %while3A_104 = arith.constant 1 : i32
      scf.for %while3A_137 = %while3A_102 to %while3A_98 step %while3A_104  : i32 {
        %dma_wait3A = arith.constant 0 : i32
        %dma_wait3A_138 = arith.constant 0 : i32
        %dma_wait3A_139 = tpu.memref_slice %arg7[%while3A_94, %dma_wait3A, %dma_wait3A_138] : memref<2x128x32xf32, #tpu.memory_space<vmem>> -> memref<1x128x32xf32, #tpu.memory_space<vmem>>
        %dma_wait3A_140 = tpu.memref_squeeze %dma_wait3A_139 : memref<1x128x32xf32, #tpu.memory_space<vmem>> -> memref<128x32xf32, #tpu.memory_space<vmem>>
        %dma_wait3A_141 = arith.constant 0 : i32
        %dma_wait3A_142 = tpu.memref_slice %arg6[%while3A_94, %while3A_137, %dma_wait3A_141] : memref<2x8x128xi32, #tpu.memory_space<vmem>> -> memref<1x1x128xi32, #tpu.memory_space<vmem>>
        %dma_wait3A_143 = tpu.memref_squeeze %dma_wait3A_142 : memref<1x1x128xi32, #tpu.memory_space<vmem>> -> memref<128xi32, #tpu.memory_space<vmem>>
        %dma_wait3A_144 = arith.constant 0 : i32
        %dma_wait3A_145 = arith.constant 0 : i32
        %dma_wait3A_146 = tpu.memref_slice %arg3[%dma_wait3A_144, %dma_wait3A_145] : memref<1000000x32xf32, #tpu.memory_space<hbm>> -> memref<1000000x32xf32, #tpu.memory_space<hbm>>
        tpu.wait_indirect_dma semaphore(%arg8 : memref<!tpu.dma_semaphore, #tpu.memory_space<semaphore_mem>>) src(%dma_wait3A_146 : memref<1000000x32xf32, #tpu.memory_space<hbm>>) dst(%dma_wait3A_140 : memref<128x32xf32, #tpu.memory_space<vmem>>)
      }
      %mul3A_105 = arith.constant 128 : i32
      %mul3A_106 = arith.muli %mul3A_92, %mul3A_105 : i32
      %add3A_107 = arith.addi %mul3A_2, %mul3A_106 : i32
      %run_scoped3A = arith.constant 0 : i32
      "tpu.region"() ({
        %run_scoped3A_137 = tpu.sem_alloc : memref<!tpu.dma_semaphore, #tpu.memory_space<semaphore_mem>>
        %dma_start3A = arith.constant 0 : i32
        %dma_start3A_138 = arith.constant 0 : i32
        %dma_start3A_139 = tpu.memref_slice %arg7[%run_scoped3A, %dma_start3A, %dma_start3A_138] : memref<2x128x32xf32, #tpu.memory_space<vmem>> -> memref<1x128x32xf32, #tpu.memory_space<vmem>>
        %dma_start3A_140 = tpu.memref_squeeze %dma_start3A_139 : memref<1x128x32xf32, #tpu.memory_space<vmem>> -> memref<128x32xf32, #tpu.memory_space<vmem>>
        %dma_start3A_141 = arith.constant 0 : i32
        %dma_start3A_142 = tpu.memref_slice %arg4[%add3A_107, %dma_start3A_141] : memref<106496x32xf32, #tpu.memory_space<hbm>> -> memref<128x32xf32, #tpu.memory_space<hbm>>
        %dma_start3A_143 = arith.constant 0 : i32
        %dma_start3A_144 = tpu.memref_slice %arg4[%add3A_107, %dma_start3A_143] : memref<106496x32xf32, #tpu.memory_space<hbm>> -> memref<128x32xf32, #tpu.memory_space<hbm>>
        %dma_start3A_145 = arith.constant 0 : i32
        %dma_start3A_146 = arith.constant 0 : i32
        %dma_start3A_147 = tpu.memref_slice %arg7[%run_scoped3A, %dma_start3A_145, %dma_start3A_146] : memref<2x128x32xf32, #tpu.memory_space<vmem>> -> memref<1x128x32xf32, #tpu.memory_space<vmem>>
        %dma_start3A_148 = tpu.memref_squeeze %dma_start3A_147 : memref<1x128x32xf32, #tpu.memory_space<vmem>> -> memref<128x32xf32, #tpu.memory_space<vmem>>
        tpu.enqueue_dma source(%dma_start3A_148 : memref<128x32xf32, #tpu.memory_space<vmem>>) target(%dma_start3A_144 : memref<128x32xf32, #tpu.memory_space<hbm>>) target_semaphore(%run_scoped3A_137 : memref<!tpu.dma_semaphore, #tpu.memory_space<semaphore_mem>>)
        %dma_wait3A = arith.constant 0 : i32
        %dma_wait3A_149 = arith.constant 0 : i32
        %dma_wait3A_150 = tpu.memref_slice %arg7[%run_scoped3A, %dma_wait3A, %dma_wait3A_149] : memref<2x128x32xf32, #tpu.memory_space<vmem>> -> memref<1x128x32xf32, #tpu.memory_space<vmem>>
        %dma_wait3A_151 = tpu.memref_squeeze %dma_wait3A_150 : memref<1x128x32xf32, #tpu.memory_space<vmem>> -> memref<128x32xf32, #tpu.memory_space<vmem>>
        %dma_wait3A_152 = arith.constant 0 : i32
        %dma_wait3A_153 = tpu.memref_slice %arg4[%add3A_107, %dma_wait3A_152] : memref<106496x32xf32, #tpu.memory_space<hbm>> -> memref<128x32xf32, #tpu.memory_space<hbm>>
        %dma_wait3A_154 = arith.constant 0 : i32
        %dma_wait3A_155 = tpu.memref_slice %arg4[%add3A_107, %dma_wait3A_154] : memref<106496x32xf32, #tpu.memory_space<hbm>> -> memref<128x32xf32, #tpu.memory_space<hbm>>
        %dma_wait3A_156 = arith.constant 0 : i32
        %dma_wait3A_157 = arith.constant 0 : i32
        %dma_wait3A_158 = tpu.memref_slice %arg7[%run_scoped3A, %dma_wait3A_156, %dma_wait3A_157] : memref<2x128x32xf32, #tpu.memory_space<vmem>> -> memref<1x128x32xf32, #tpu.memory_space<vmem>>
        %dma_wait3A_159 = tpu.memref_squeeze %dma_wait3A_158 : memref<1x128x32xf32, #tpu.memory_space<vmem>> -> memref<128x32xf32, #tpu.memory_space<vmem>>
        tpu.wait_dma2 semaphore(%run_scoped3A_137 : memref<!tpu.dma_semaphore, #tpu.memory_space<semaphore_mem>>) src(%dma_wait3A_159 : memref<128x32xf32, #tpu.memory_space<vmem>>) dst(%dma_wait3A_155 : memref<128x32xf32, #tpu.memory_space<hbm>>)
        tpu.yield
      }) : () -> ()
      %add3A_108 = arith.constant 2 : i32
      %add3A_109 = arith.addi %mul3A_92, %add3A_108 : i32
      %lt3A = arith.constant 26 : i32
      %lt3A_110 = arith.cmpi slt, %add3A_109, %lt3A : i32
      %convert_element_type3A = arith.extui %lt3A_110 : i1 to i32
      %cond3A = arith.constant 0 : i32
      %cond3A_111 = arith.cmpi ne, %convert_element_type3A, %cond3A : i32
      scf.if %cond3A_111 {
        %add3A_137 = arith.constant 2 : i32
        %add3A_138 = arith.addi %mul3A_92, %add3A_137 : i32
        %while3A_139 = arith.constant 0 : i64
        %while3A_140 = arith.constant 0 : i32
        %while3A_141 = arith.constant 0 : i32
        %while3A_142 = arith.constant 8 : i32
        %while3A_143 = arith.subi %while3A_142, %while3A_141 : i32
        %while3A_144 = arith.addi %while3A_141, %while3A_143 : i32
        %while3A_145 = arith.constant 1 : i32
        %while3A_146 = arith.divsi %while3A_143, %while3A_145 : i32
        %while3A_147 = arith.muli %while3A_146, %while3A_145 : i32
        %while3A_148 = arith.addi %while3A_141, %while3A_147 : i32
        %while3A_149 = arith.constant 1 : i32
        scf.for %while3A_177 = %while3A_141 to %while3A_148 step %while3A_149  : i32 {
          %mul3A_178 = arith.constant 16 : i32
          %mul3A_179 = arith.muli %while3A_177, %mul3A_178 : i32
          %mul3A_180 = arith.constant 128 : i32
          %mul3A_181 = arith.muli %add3A_138, %mul3A_180 : i32
          %add3A_182 = arith.addi %mul3A_181, %mul3A_179 : i32
          %get3A = arith.index_cast %add3A_182 : i32 to index
          %get3A_183 = tpu.vector_load %arg5[%get3A] {strides = array<i32>} : memref<3328xi32, #tpu.memory_space<vmem>>, vector<16xi32>,
          %jit3A = arith.constant 1000000 : i64
          %convert_element_type3A_184 = arith.trunci %jit3A : i64 to i32
          %eq3A = arith.constant 0 : i32
          %eq3A_185 = arith.cmpi eq, %convert_element_type3A_184, %eq3A : i32
          %jit3A_186 = arith.constant 1 : i32
          %select_n3A = arith.select %eq3A_185, %jit3A_186, %convert_element_type3A_184 : i32
          %rem3A = vector.broadcast %select_n3A : i32 to vector<16xi32>
          %rem3A_187 = arith.remsi %get3A_183, %rem3A : vector<16xi32>
          %ne3A = arith.constant 0 : i32
          %ne3A_188 = vector.broadcast %ne3A : i32 to vector<16xi32>
          %ne3A_189 = arith.cmpi ne, %rem3A_187, %ne3A_188 : vector<16xi32>
          %lt3A_190 = arith.constant 0 : i32
          %lt3A_191 = vector.broadcast %lt3A_190 : i32 to vector<16xi32>
          %lt3A_192 = arith.cmpi slt, %rem3A_187, %lt3A_191 : vector<16xi32>
          %lt3A_193 = arith.constant 0 : i32
          %lt3A_194 = arith.cmpi slt, %select_n3A, %lt3A_193 : i32
          %ne3A_195 = vector.broadcast %lt3A_194 : i1 to vector<16xi1>
          %ne3A_196 = vector.broadcast %ne3A_195 : vector<16xi1> to vector<16xi1>
          %ne3A_197 = arith.xori %lt3A_192, %ne3A_196 : vector<16xi1>
          %and3A = arith.andi %ne3A_197, %ne3A_189 : vector<16xi1>
          %add3A_198 = vector.broadcast %select_n3A : i32 to vector<16xi32>
          %add3A_199 = arith.addi %rem3A_187, %add3A_198 : vector<16xi32>
          %select_n3A_200 = arith.select %and3A, %add3A_199, %rem3A_187 : vector<16xi1>, vector<16xi32>
          %while3A_201 = arith.constant 0 : i32
          %while3A_202 = arith.constant 8 : i32
          %while3A_203 = arith.subi %while3A_202, %while3A_201 : i32
          %while3A_204 = arith.addi %while3A_201, %while3A_203 : i32
          %while3A_205 = arith.constant 1 : i32
          %while3A_206 = arith.divsi %while3A_203, %while3A_205 : i32
          %while3A_207 = arith.muli %while3A_206, %while3A_205 : i32
          %while3A_208 = arith.addi %while3A_201, %while3A_207 : i32
          %while3A_209 = arith.constant 1 : i32
          %while3A_210 = scf.for %while3A_213 = %while3A_201 to %while3A_208 step %while3A_209 iter_args(%while3A_214 = %select_n3A_200) -> (vector<16xi32>)  : i32 {
            %swap3A = arith.index_cast %while3A_140 : i32 to index
            %swap3A_215 = arith.index_cast %while3A_213 : i32 to index
            %swap3A_216 = arith.index_cast %mul3A_179 : i32 to index
            %swap3A_217 = tpu.vector_load %arg6[%swap3A, %swap3A_215, %swap3A_216] {strides = array<i32>} : memref<2x8x128xi32, #tpu.memory_space<vmem>>, vector<16xi32>,
            tpu.vector_store %arg6[%swap3A, %swap3A_215, %swap3A_216], %while3A_214 {strides = array<i32>} : memref<2x8x128xi32, #tpu.memory_space<vmem>>, vector<16xi32>,
            %shift_left3A = arith.constant 1 : i32
            %shift_left3A_218 = vector.broadcast %shift_left3A : i32 to vector<16xi32>
            %shift_left3A_219 = arith.shli %while3A_214, %shift_left3A_218 : vector<16xi32>
            %jit3A_220 = arith.constant 1000000 : i64
            %convert_element_type3A_221 = arith.trunci %jit3A_220 : i64 to i32
            %eq3A_222 = arith.constant 0 : i32
            %eq3A_223 = arith.cmpi eq, %convert_element_type3A_221, %eq3A_222 : i32
            %jit3A_224 = arith.constant 1 : i32
            %select_n3A_225 = arith.select %eq3A_223, %jit3A_224, %convert_element_type3A_221 : i32
            %rem3A_226 = vector.broadcast %select_n3A_225 : i32 to vector<16xi32>
            %rem3A_227 = arith.remsi %shift_left3A_219, %rem3A_226 : vector<16xi32>
            %ne3A_228 = arith.constant 0 : i32
            %ne3A_229 = vector.broadcast %ne3A_228 : i32 to vector<16xi32>
            %ne3A_230 = arith.cmpi ne, %rem3A_227, %ne3A_229 : vector<16xi32>
            %lt3A_231 = arith.constant 0 : i32
            %lt3A_232 = vector.broadcast %lt3A_231 : i32 to vector<16xi32>
            %lt3A_233 = arith.cmpi slt, %rem3A_227, %lt3A_232 : vector<16xi32>
            %lt3A_234 = arith.constant 0 : i32
            %lt3A_235 = arith.cmpi slt, %select_n3A_225, %lt3A_234 : i32
            %ne3A_236 = vector.broadcast %lt3A_235 : i1 to vector<16xi1>
            %ne3A_237 = vector.broadcast %ne3A_236 : vector<16xi1> to vector<16xi1>
            %ne3A_238 = arith.xori %lt3A_233, %ne3A_237 : vector<16xi1>
            %and3A_239 = arith.andi %ne3A_238, %ne3A_230 : vector<16xi1>
            %add3A_240 = vector.broadcast %select_n3A_225 : i32 to vector<16xi32>
            %add3A_241 = arith.addi %rem3A_227, %add3A_240 : vector<16xi32>
            %select_n3A_242 = arith.select %and3A_239, %add3A_241, %rem3A_227 : vector<16xi1>, vector<16xi32>
            scf.yield %select_n3A_242 : vector<16xi32>
          }
          %while3A_211 = arith.constant 1 : i32
          %while3A_212 = scf.for %while3A_213 = %while3A_208 to %while3A_204 step %while3A_211 iter_args(%while3A_214 = %while3A_210) -> (vector<16xi32>)  : i32 {
            %swap3A = arith.index_cast %while3A_140 : i32 to index
            %swap3A_215 = arith.index_cast %while3A_213 : i32 to index
            %swap3A_216 = arith.index_cast %mul3A_179 : i32 to index
            %swap3A_217 = tpu.vector_load %arg6[%swap3A, %swap3A_215, %swap3A_216] {strides = array<i32>} : memref<2x8x128xi32, #tpu.memory_space<vmem>>, vector<16xi32>,
            tpu.vector_store %arg6[%swap3A, %swap3A_215, %swap3A_216], %while3A_214 {strides = array<i32>} : memref<2x8x128xi32, #tpu.memory_space<vmem>>, vector<16xi32>,
            %shift_left3A = arith.constant 1 : i32
            %shift_left3A_218 = vector.broadcast %shift_left3A : i32 to vector<16xi32>
            %shift_left3A_219 = arith.shli %while3A_214, %shift_left3A_218 : vector<16xi32>
            %jit3A_220 = arith.constant 1000000 : i64
            %convert_element_type3A_221 = arith.trunci %jit3A_220 : i64 to i32
            %eq3A_222 = arith.constant 0 : i32
            %eq3A_223 = arith.cmpi eq, %convert_element_type3A_221, %eq3A_222 : i32
            %jit3A_224 = arith.constant 1 : i32
            %select_n3A_225 = arith.select %eq3A_223, %jit3A_224, %convert_element_type3A_221 : i32
            %rem3A_226 = vector.broadcast %select_n3A_225 : i32 to vector<16xi32>
            %rem3A_227 = arith.remsi %shift_left3A_219, %rem3A_226 : vector<16xi32>
            %ne3A_228 = arith.constant 0 : i32
            %ne3A_229 = vector.broadcast %ne3A_228 : i32 to vector<16xi32>
            %ne3A_230 = arith.cmpi ne, %rem3A_227, %ne3A_229 : vector<16xi32>
            %lt3A_231 = arith.constant 0 : i32
            %lt3A_232 = vector.broadcast %lt3A_231 : i32 to vector<16xi32>
            %lt3A_233 = arith.cmpi slt, %rem3A_227, %lt3A_232 : vector<16xi32>
            %lt3A_234 = arith.constant 0 : i32
            %lt3A_235 = arith.cmpi slt, %select_n3A_225, %lt3A_234 : i32
            %ne3A_236 = vector.broadcast %lt3A_235 : i1 to vector<16xi1>
            %ne3A_237 = vector.broadcast %ne3A_236 : vector<16xi1> to vector<16xi1>
            %ne3A_238 = arith.xori %lt3A_233, %ne3A_237 : vector<16xi1>
            %and3A_239 = arith.andi %ne3A_238, %ne3A_230 : vector<16xi1>
            %add3A_240 = vector.broadcast %select_n3A_225 : i32 to vector<16xi32>
            %add3A_241 = arith.addi %rem3A_227, %add3A_240 : vector<16xi32>
            %select_n3A_242 = arith.select %and3A_239, %add3A_241, %rem3A_227 : vector<16xi1>, vector<16xi32>
            scf.yield %select_n3A_242 : vector<16xi32>
          }
        }
        %while3A_150 = arith.constant 1 : i32
        scf.for %while3A_177 = %while3A_148 to %while3A_144 step %while3A_150  : i32 {
          %mul3A_178 = arith.constant 16 : i32
          %mul3A_179 = arith.muli %while3A_177, %mul3A_178 : i32
          %mul3A_180 = arith.constant 128 : i32
          %mul3A_181 = arith.muli %add3A_138, %mul3A_180 : i32
          %add3A_182 = arith.addi %mul3A_181, %mul3A_179 : i32
          %get3A = arith.index_cast %add3A_182 : i32 to index
          %get3A_183 = tpu.vector_load %arg5[%get3A] {strides = array<i32>} : memref<3328xi32, #tpu.memory_space<vmem>>, vector<16xi32>,
          %jit3A = arith.constant 1000000 : i64
          %convert_element_type3A_184 = arith.trunci %jit3A : i64 to i32
          %eq3A = arith.constant 0 : i32
          %eq3A_185 = arith.cmpi eq, %convert_element_type3A_184, %eq3A : i32
          %jit3A_186 = arith.constant 1 : i32
          %select_n3A = arith.select %eq3A_185, %jit3A_186, %convert_element_type3A_184 : i32
          %rem3A = vector.broadcast %select_n3A : i32 to vector<16xi32>
          %rem3A_187 = arith.remsi %get3A_183, %rem3A : vector<16xi32>
          %ne3A = arith.constant 0 : i32
          %ne3A_188 = vector.broadcast %ne3A : i32 to vector<16xi32>
          %ne3A_189 = arith.cmpi ne, %rem3A_187, %ne3A_188 : vector<16xi32>
          %lt3A_190 = arith.constant 0 : i32
          %lt3A_191 = vector.broadcast %lt3A_190 : i32 to vector<16xi32>
          %lt3A_192 = arith.cmpi slt, %rem3A_187, %lt3A_191 : vector<16xi32>
          %lt3A_193 = arith.constant 0 : i32
          %lt3A_194 = arith.cmpi slt, %select_n3A, %lt3A_193 : i32
          %ne3A_195 = vector.broadcast %lt3A_194 : i1 to vector<16xi1>
          %ne3A_196 = vector.broadcast %ne3A_195 : vector<16xi1> to vector<16xi1>
          %ne3A_197 = arith.xori %lt3A_192, %ne3A_196 : vector<16xi1>
          %and3A = arith.andi %ne3A_197, %ne3A_189 : vector<16xi1>
          %add3A_198 = vector.broadcast %select_n3A : i32 to vector<16xi32>
          %add3A_199 = arith.addi %rem3A_187, %add3A_198 : vector<16xi32>
          %select_n3A_200 = arith.select %and3A, %add3A_199, %rem3A_187 : vector<16xi1>, vector<16xi32>
          %while3A_201 = arith.constant 0 : i32
          %while3A_202 = arith.constant 8 : i32
          %while3A_203 = arith.subi %while3A_202, %while3A_201 : i32
          %while3A_204 = arith.addi %while3A_201, %while3A_203 : i32
          %while3A_205 = arith.constant 1 : i32
          %while3A_206 = arith.divsi %while3A_203, %while3A_205 : i32
          %while3A_207 = arith.muli %while3A_206, %while3A_205 : i32
          %while3A_208 = arith.addi %while3A_201, %while3A_207 : i32
          %while3A_209 = arith.constant 1 : i32
          %while3A_210 = scf.for %while3A_213 = %while3A_201 to %while3A_208 step %while3A_209 iter_args(%while3A_214 = %select_n3A_200) -> (vector<16xi32>)  : i32 {
            %swap3A = arith.index_cast %while3A_140 : i32 to index
            %swap3A_215 = arith.index_cast %while3A_213 : i32 to index
            %swap3A_216 = arith.index_cast %mul3A_179 : i32 to index
            %swap3A_217 = tpu.vector_load %arg6[%swap3A, %swap3A_215, %swap3A_216] {strides = array<i32>} : memref<2x8x128xi32, #tpu.memory_space<vmem>>, vector<16xi32>,
            tpu.vector_store %arg6[%swap3A, %swap3A_215, %swap3A_216], %while3A_214 {strides = array<i32>} : memref<2x8x128xi32, #tpu.memory_space<vmem>>, vector<16xi32>,
            %shift_left3A = arith.constant 1 : i32
            %shift_left3A_218 = vector.broadcast %shift_left3A : i32 to vector<16xi32>
            %shift_left3A_219 = arith.shli %while3A_214, %shift_left3A_218 : vector<16xi32>
            %jit3A_220 = arith.constant 1000000 : i64
            %convert_element_type3A_221 = arith.trunci %jit3A_220 : i64 to i32
            %eq3A_222 = arith.constant 0 : i32
            %eq3A_223 = arith.cmpi eq, %convert_element_type3A_221, %eq3A_222 : i32
            %jit3A_224 = arith.constant 1 : i32
            %select_n3A_225 = arith.select %eq3A_223, %jit3A_224, %convert_element_type3A_221 : i32
            %rem3A_226 = vector.broadcast %select_n3A_225 : i32 to vector<16xi32>
            %rem3A_227 = arith.remsi %shift_left3A_219, %rem3A_226 : vector<16xi32>
            %ne3A_228 = arith.constant 0 : i32
            %ne3A_229 = vector.broadcast %ne3A_228 : i32 to vector<16xi32>
            %ne3A_230 = arith.cmpi ne, %rem3A_227, %ne3A_229 : vector<16xi32>
            %lt3A_231 = arith.constant 0 : i32
            %lt3A_232 = vector.broadcast %lt3A_231 : i32 to vector<16xi32>
            %lt3A_233 = arith.cmpi slt, %rem3A_227, %lt3A_232 : vector<16xi32>
            %lt3A_234 = arith.constant 0 : i32
            %lt3A_235 = arith.cmpi slt, %select_n3A_225, %lt3A_234 : i32
            %ne3A_236 = vector.broadcast %lt3A_235 : i1 to vector<16xi1>
            %ne3A_237 = vector.broadcast %ne3A_236 : vector<16xi1> to vector<16xi1>
            %ne3A_238 = arith.xori %lt3A_233, %ne3A_237 : vector<16xi1>
            %and3A_239 = arith.andi %ne3A_238, %ne3A_230 : vector<16xi1>
            %add3A_240 = vector.broadcast %select_n3A_225 : i32 to vector<16xi32>
            %add3A_241 = arith.addi %rem3A_227, %add3A_240 : vector<16xi32>
            %select_n3A_242 = arith.select %and3A_239, %add3A_241, %rem3A_227 : vector<16xi1>, vector<16xi32>
            scf.yield %select_n3A_242 : vector<16xi32>
          }
          %while3A_211 = arith.constant 1 : i32
          %while3A_212 = scf.for %while3A_213 = %while3A_208 to %while3A_204 step %while3A_211 iter_args(%while3A_214 = %while3A_210) -> (vector<16xi32>)  : i32 {
            %swap3A = arith.index_cast %while3A_140 : i32 to index
            %swap3A_215 = arith.index_cast %while3A_213 : i32 to index
            %swap3A_216 = arith.index_cast %mul3A_179 : i32 to index
            %swap3A_217 = tpu.vector_load %arg6[%swap3A, %swap3A_215, %swap3A_216] {strides = array<i32>} : memref<2x8x128xi32, #tpu.memory_space<vmem>>, vector<16xi32>,
            tpu.vector_store %arg6[%swap3A, %swap3A_215, %swap3A_216], %while3A_214 {strides = array<i32>} : memref<2x8x128xi32, #tpu.memory_space<vmem>>, vector<16xi32>,
            %shift_left3A = arith.constant 1 : i32
            %shift_left3A_218 = vector.broadcast %shift_left3A : i32 to vector<16xi32>
            %shift_left3A_219 = arith.shli %while3A_214, %shift_left3A_218 : vector<16xi32>
            %jit3A_220 = arith.constant 1000000 : i64
            %convert_element_type3A_221 = arith.trunci %jit3A_220 : i64 to i32
            %eq3A_222 = arith.constant 0 : i32
            %eq3A_223 = arith.cmpi eq, %convert_element_type3A_221, %eq3A_222 : i32
            %jit3A_224 = arith.constant 1 : i32
            %select_n3A_225 = arith.select %eq3A_223, %jit3A_224, %convert_element_type3A_221 : i32
            %rem3A_226 = vector.broadcast %select_n3A_225 : i32 to vector<16xi32>
            %rem3A_227 = arith.remsi %shift_left3A_219, %rem3A_226 : vector<16xi32>
            %ne3A_228 = arith.constant 0 : i32
            %ne3A_229 = vector.broadcast %ne3A_228 : i32 to vector<16xi32>
            %ne3A_230 = arith.cmpi ne, %rem3A_227, %ne3A_229 : vector<16xi32>
            %lt3A_231 = arith.constant 0 : i32
            %lt3A_232 = vector.broadcast %lt3A_231 : i32 to vector<16xi32>
            %lt3A_233 = arith.cmpi slt, %rem3A_227, %lt3A_232 : vector<16xi32>
            %lt3A_234 = arith.constant 0 : i32
            %lt3A_235 = arith.cmpi slt, %select_n3A_225, %lt3A_234 : i32
            %ne3A_236 = vector.broadcast %lt3A_235 : i1 to vector<16xi1>
            %ne3A_237 = vector.broadcast %ne3A_236 : vector<16xi1> to vector<16xi1>
            %ne3A_238 = arith.xori %lt3A_233, %ne3A_237 : vector<16xi1>
            %and3A_239 = arith.andi %ne3A_238, %ne3A_230 : vector<16xi1>
            %add3A_240 = vector.broadcast %select_n3A_225 : i32 to vector<16xi32>
            %add3A_241 = arith.addi %rem3A_227, %add3A_240 : vector<16xi32>
            %select_n3A_242 = arith.select %and3A_239, %add3A_241, %rem3A_227 : vector<16xi1>, vector<16xi32>
            scf.yield %select_n3A_242 : vector<16xi32>
          }
        }
        %broadcast_in_dim3A_151 = arith.constant 0.000000e+00 : f32
        %broadcast_in_dim3A_152 = vector.broadcast %broadcast_in_dim3A_151 : f32 to vector<16xf32>
        %while3A_153 = arith.constant 0 : i64
        %while3A_154 = arith.constant 0 : i32
        %while3A_155 = arith.constant 0 : i32
        %while3A_156 = arith.constant 128 : i32
        %while3A_157 = arith.subi %while3A_156, %while3A_155 : i32
        %while3A_158 = arith.addi %while3A_155, %while3A_157 : i32
        %while3A_159 = arith.constant 1 : i32
        %while3A_160 = arith.divsi %while3A_157, %while3A_159 : i32
        %while3A_161 = arith.muli %while3A_160, %while3A_159 : i32
        %while3A_162 = arith.addi %while3A_155, %while3A_161 : i32
        %while3A_163 = arith.constant 1 : i32
        scf.for %while3A_177 = %while3A_155 to %while3A_162 step %while3A_163  : i32 {
          %swap3A = arith.index_cast %while3A_154 : i32 to index
          %swap3A_178 = arith.index_cast %while3A_177 : i32 to index
          %swap3A_179 = arith.constant 0 : index
          %swap3A_180 = tpu.vector_load %arg7[%swap3A, %swap3A_178, %swap3A_179] {strides = array<i32>} : memref<2x128x32xf32, #tpu.memory_space<vmem>>, vector<16xf32>,
          tpu.vector_store %arg7[%swap3A, %swap3A_178, %swap3A_179], %broadcast_in_dim3A_152 {strides = array<i32>} : memref<2x128x32xf32, #tpu.memory_space<vmem>>, vector<16xf32>,
          %swap3A_181 = arith.index_cast %while3A_154 : i32 to index
          %swap3A_182 = arith.index_cast %while3A_177 : i32 to index
          %swap3A_183 = arith.constant 16 : index
          %swap3A_184 = tpu.vector_load %arg7[%swap3A_181, %swap3A_182, %swap3A_183] {strides = array<i32>} : memref<2x128x32xf32, #tpu.memory_space<vmem>>, vector<16xf32>,
          tpu.vector_store %arg7[%swap3A_181, %swap3A_182, %swap3A_183], %broadcast_in_dim3A_152 {strides = array<i32>} : memref<2x128x32xf32, #tpu.memory_space<vmem>>, vector<16xf32>,
        }
        %while3A_164 = arith.constant 1 : i32
        scf.for %while3A_177 = %while3A_162 to %while3A_158 step %while3A_164  : i32 {
          %swap3A = arith.index_cast %while3A_154 : i32 to index
          %swap3A_178 = arith.index_cast %while3A_177 : i32 to index
          %swap3A_179 = arith.constant 0 : index
          %swap3A_180 = tpu.vector_load %arg7[%swap3A, %swap3A_178, %swap3A_179] {strides = array<i32>} : memref<2x128x32xf32, #tpu.memory_space<vmem>>, vector<16xf32>,
          tpu.vector_store %arg7[%swap3A, %swap3A_178, %swap3A_179], %broadcast_in_dim3A_152 {strides = array<i32>} : memref<2x128x32xf32, #tpu.memory_space<vmem>>, vector<16xf32>,
          %swap3A_181 = arith.index_cast %while3A_154 : i32 to index
          %swap3A_182 = arith.index_cast %while3A_177 : i32 to index
          %swap3A_183 = arith.constant 16 : index
          %swap3A_184 = tpu.vector_load %arg7[%swap3A_181, %swap3A_182, %swap3A_183] {strides = array<i32>} : memref<2x128x32xf32, #tpu.memory_space<vmem>>, vector<16xf32>,
          tpu.vector_store %arg7[%swap3A_181, %swap3A_182, %swap3A_183], %broadcast_in_dim3A_152 {strides = array<i32>} : memref<2x128x32xf32, #tpu.memory_space<vmem>>, vector<16xf32>,
        }
        %while3A_165 = arith.constant 0 : i64
        %while3A_166 = arith.constant 0 : i32
        %while3A_167 = arith.constant 0 : i32
        %while3A_168 = arith.constant 8 : i32
        %while3A_169 = arith.subi %while3A_168, %while3A_167 : i32
        %while3A_170 = arith.addi %while3A_167, %while3A_169 : i32
        %while3A_171 = arith.constant 1 : i32
        %while3A_172 = arith.divsi %while3A_169, %while3A_171 : i32
        %while3A_173 = arith.muli %while3A_172, %while3A_171 : i32
        %while3A_174 = arith.addi %while3A_167, %while3A_173 : i32
        %while3A_175 = arith.constant 1 : i32
        scf.for %while3A_177 = %while3A_167 to %while3A_174 step %while3A_175  : i32 {
          %dma_start3A = arith.constant 0 : i32
          %dma_start3A_178 = arith.constant 0 : i32
          %dma_start3A_179 = tpu.memref_slice %arg7[%while3A_166, %dma_start3A, %dma_start3A_178] : memref<2x128x32xf32, #tpu.memory_space<vmem>> -> memref<1x128x32xf32, #tpu.memory_space<vmem>>
          %dma_start3A_180 = tpu.memref_squeeze %dma_start3A_179 : memref<1x128x32xf32, #tpu.memory_space<vmem>> -> memref<128x32xf32, #tpu.memory_space<vmem>>
          %dma_start3A_181 = arith.constant 0 : i32
          %dma_start3A_182 = tpu.memref_slice %arg6[%while3A_166, %while3A_177, %dma_start3A_181] : memref<2x8x128xi32, #tpu.memory_space<vmem>> -> memref<1x1x128xi32, #tpu.memory_space<vmem>>
          %dma_start3A_183 = tpu.memref_squeeze %dma_start3A_182 : memref<1x1x128xi32, #tpu.memory_space<vmem>> -> memref<128xi32, #tpu.memory_space<vmem>>
          %dma_start3A_184 = arith.constant 0 : i32
          %dma_start3A_185 = arith.constant 0 : i32
          %dma_start3A_186 = tpu.memref_slice %arg3[%dma_start3A_184, %dma_start3A_185] : memref<1000000x32xf32, #tpu.memory_space<hbm>> -> memref<1000000x32xf32, #tpu.memory_space<hbm>>
          tpu.enqueue_indirect_dma source(%dma_start3A_186 : memref<1000000x32xf32, #tpu.memory_space<hbm>>) target(%dma_start3A_180 : memref<128x32xf32, #tpu.memory_space<vmem>>) offsets(%dma_start3A_183 : memref<128xi32, #tpu.memory_space<vmem>>) semaphore(%arg8 : memref<!tpu.dma_semaphore, #tpu.memory_space<semaphore_mem>>) {add = true}
        }
        %while3A_176 = arith.constant 1 : i32
        scf.for %while3A_177 = %while3A_174 to %while3A_170 step %while3A_176  : i32 {
          %dma_start3A = arith.constant 0 : i32
          %dma_start3A_178 = arith.constant 0 : i32
          %dma_start3A_179 = tpu.memref_slice %arg7[%while3A_166, %dma_start3A, %dma_start3A_178] : memref<2x128x32xf32, #tpu.memory_space<vmem>> -> memref<1x128x32xf32, #tpu.memory_space<vmem>>
          %dma_start3A_180 = tpu.memref_squeeze %dma_start3A_179 : memref<1x128x32xf32, #tpu.memory_space<vmem>> -> memref<128x32xf32, #tpu.memory_space<vmem>>
          %dma_start3A_181 = arith.constant 0 : i32
          %dma_start3A_182 = tpu.memref_slice %arg6[%while3A_166, %while3A_177, %dma_start3A_181] : memref<2x8x128xi32, #tpu.memory_space<vmem>> -> memref<1x1x128xi32, #tpu.memory_space<vmem>>
          %dma_start3A_183 = tpu.memref_squeeze %dma_start3A_182 : memref<1x1x128xi32, #tpu.memory_space<vmem>> -> memref<128xi32, #tpu.memory_space<vmem>>
          %dma_start3A_184 = arith.constant 0 : i32
          %dma_start3A_185 = arith.constant 0 : i32
          %dma_start3A_186 = tpu.memref_slice %arg3[%dma_start3A_184, %dma_start3A_185] : memref<1000000x32xf32, #tpu.memory_space<hbm>> -> memref<1000000x32xf32, #tpu.memory_space<hbm>>
          tpu.enqueue_indirect_dma source(%dma_start3A_186 : memref<1000000x32xf32, #tpu.memory_space<hbm>>) target(%dma_start3A_180 : memref<128x32xf32, #tpu.memory_space<vmem>>) offsets(%dma_start3A_183 : memref<128xi32, #tpu.memory_space<vmem>>) semaphore(%arg8 : memref<!tpu.dma_semaphore, #tpu.memory_space<semaphore_mem>>) {add = true}
        }
      } else {
      }
      %add3A_112 = arith.constant 1 : i32
      %add3A_113 = arith.addi %mul3A_92, %add3A_112 : i32
      %while3A_114 = arith.constant 0 : i64
      %while3A_115 = arith.constant 1 : i32
      %while3A_116 = arith.constant 0 : i32
      %while3A_117 = arith.constant 8 : i32
      %while3A_118 = arith.subi %while3A_117, %while3A_116 : i32
      %while3A_119 = arith.addi %while3A_116, %while3A_118 : i32
      %while3A_120 = arith.constant 1 : i32
      %while3A_121 = arith.divsi %while3A_118, %while3A_120 : i32
      %while3A_122 = arith.muli %while3A_121, %while3A_120 : i32
      %while3A_123 = arith.addi %while3A_116, %while3A_122 : i32
      %while3A_124 = arith.constant 1 : i32
      scf.for %while3A_137 = %while3A_116 to %while3A_123 step %while3A_124  : i32 {
        %dma_wait3A = arith.constant 0 : i32
        %dma_wait3A_138 = arith.constant 0 : i32
        %dma_wait3A_139 = tpu.memref_slice %arg7[%while3A_115, %dma_wait3A, %dma_wait3A_138] : memref<2x128x32xf32, #tpu.memory_space<vmem>> -> memref<1x128x32xf32, #tpu.memory_space<vmem>>
        %dma_wait3A_140 = tpu.memref_squeeze %dma_wait3A_139 : memref<1x128x32xf32, #tpu.memory_space<vmem>> -> memref<128x32xf32, #tpu.memory_space<vmem>>
        %dma_wait3A_141 = arith.constant 0 : i32
        %dma_wait3A_142 = tpu.memref_slice %arg6[%while3A_115, %while3A_137, %dma_wait3A_141] : memref<2x8x128xi32, #tpu.memory_space<vmem>> -> memref<1x1x128xi32, #tpu.memory_space<vmem>>
        %dma_wait3A_143 = tpu.memref_squeeze %dma_wait3A_142 : memref<1x1x128xi32, #tpu.memory_space<vmem>> -> memref<128xi32, #tpu.memory_space<vmem>>
        %dma_wait3A_144 = arith.constant 0 : i32
        %dma_wait3A_145 = arith.constant 0 : i32
        %dma_wait3A_146 = tpu.memref_slice %arg3[%dma_wait3A_144, %dma_wait3A_145] : memref<1000000x32xf32, #tpu.memory_space<hbm>> -> memref<1000000x32xf32, #tpu.memory_space<hbm>>
        tpu.wait_indirect_dma semaphore(%arg9 : memref<!tpu.dma_semaphore, #tpu.memory_space<semaphore_mem>>) src(%dma_wait3A_146 : memref<1000000x32xf32, #tpu.memory_space<hbm>>) dst(%dma_wait3A_140 : memref<128x32xf32, #tpu.memory_space<vmem>>)
      }
      %while3A_125 = arith.constant 1 : i32
      scf.for %while3A_137 = %while3A_123 to %while3A_119 step %while3A_125  : i32 {
        %dma_wait3A = arith.constant 0 : i32
        %dma_wait3A_138 = arith.constant 0 : i32
        %dma_wait3A_139 = tpu.memref_slice %arg7[%while3A_115, %dma_wait3A, %dma_wait3A_138] : memref<2x128x32xf32, #tpu.memory_space<vmem>> -> memref<1x128x32xf32, #tpu.memory_space<vmem>>
        %dma_wait3A_140 = tpu.memref_squeeze %dma_wait3A_139 : memref<1x128x32xf32, #tpu.memory_space<vmem>> -> memref<128x32xf32, #tpu.memory_space<vmem>>
        %dma_wait3A_141 = arith.constant 0 : i32
        %dma_wait3A_142 = tpu.memref_slice %arg6[%while3A_115, %while3A_137, %dma_wait3A_141] : memref<2x8x128xi32, #tpu.memory_space<vmem>> -> memref<1x1x128xi32, #tpu.memory_space<vmem>>
        %dma_wait3A_143 = tpu.memref_squeeze %dma_wait3A_142 : memref<1x1x128xi32, #tpu.memory_space<vmem>> -> memref<128xi32, #tpu.memory_space<vmem>>
        %dma_wait3A_144 = arith.constant 0 : i32
        %dma_wait3A_145 = arith.constant 0 : i32
        %dma_wait3A_146 = tpu.memref_slice %arg3[%dma_wait3A_144, %dma_wait3A_145] : memref<1000000x32xf32, #tpu.memory_space<hbm>> -> memref<1000000x32xf32, #tpu.memory_space<hbm>>
        tpu.wait_indirect_dma semaphore(%arg9 : memref<!tpu.dma_semaphore, #tpu.memory_space<semaphore_mem>>) src(%dma_wait3A_146 : memref<1000000x32xf32, #tpu.memory_space<hbm>>) dst(%dma_wait3A_140 : memref<128x32xf32, #tpu.memory_space<vmem>>)
      }
      %mul3A_126 = arith.constant 128 : i32
      %mul3A_127 = arith.muli %add3A_113, %mul3A_126 : i32
      %add3A_128 = arith.addi %mul3A_2, %mul3A_127 : i32
      %run_scoped3A_129 = arith.constant 1 : i32
      "tpu.region"() ({
        %run_scoped3A_137 = tpu.sem_alloc : memref<!tpu.dma_semaphore, #tpu.memory_space<semaphore_mem>>
        %dma_start3A = arith.constant 0 : i32
        %dma_start3A_138 = arith.constant 0 : i32
        %dma_start3A_139 = tpu.memref_slice %arg7[%run_scoped3A_129, %dma_start3A, %dma_start3A_138] : memref<2x128x32xf32, #tpu.memory_space<vmem>> -> memref<1x128x32xf32, #tpu.memory_space<vmem>>
        %dma_start3A_140 = tpu.memref_squeeze %dma_start3A_139 : memref<1x128x32xf32, #tpu.memory_space<vmem>> -> memref<128x32xf32, #tpu.memory_space<vmem>>
        %dma_start3A_141 = arith.constant 0 : i32
        %dma_start3A_142 = tpu.memref_slice %arg4[%add3A_128, %dma_start3A_141] : memref<106496x32xf32, #tpu.memory_space<hbm>> -> memref<128x32xf32, #tpu.memory_space<hbm>>
        %dma_start3A_143 = arith.constant 0 : i32
        %dma_start3A_144 = tpu.memref_slice %arg4[%add3A_128, %dma_start3A_143] : memref<106496x32xf32, #tpu.memory_space<hbm>> -> memref<128x32xf32, #tpu.memory_space<hbm>>
        %dma_start3A_145 = arith.constant 0 : i32
        %dma_start3A_146 = arith.constant 0 : i32
        %dma_start3A_147 = tpu.memref_slice %arg7[%run_scoped3A_129, %dma_start3A_145, %dma_start3A_146] : memref<2x128x32xf32, #tpu.memory_space<vmem>> -> memref<1x128x32xf32, #tpu.memory_space<vmem>>
        %dma_start3A_148 = tpu.memref_squeeze %dma_start3A_147 : memref<1x128x32xf32, #tpu.memory_space<vmem>> -> memref<128x32xf32, #tpu.memory_space<vmem>>
        tpu.enqueue_dma source(%dma_start3A_148 : memref<128x32xf32, #tpu.memory_space<vmem>>) target(%dma_start3A_144 : memref<128x32xf32, #tpu.memory_space<hbm>>) target_semaphore(%run_scoped3A_137 : memref<!tpu.dma_semaphore, #tpu.memory_space<semaphore_mem>>)
        %dma_wait3A = arith.constant 0 : i32
        %dma_wait3A_149 = arith.constant 0 : i32
        %dma_wait3A_150 = tpu.memref_slice %arg7[%run_scoped3A_129, %dma_wait3A, %dma_wait3A_149] : memref<2x128x32xf32, #tpu.memory_space<vmem>> -> memref<1x128x32xf32, #tpu.memory_space<vmem>>
        %dma_wait3A_151 = tpu.memref_squeeze %dma_wait3A_150 : memref<1x128x32xf32, #tpu.memory_space<vmem>> -> memref<128x32xf32, #tpu.memory_space<vmem>>
        %dma_wait3A_152 = arith.constant 0 : i32
        %dma_wait3A_153 = tpu.memref_slice %arg4[%add3A_128, %dma_wait3A_152] : memref<106496x32xf32, #tpu.memory_space<hbm>> -> memref<128x32xf32, #tpu.memory_space<hbm>>
        %dma_wait3A_154 = arith.constant 0 : i32
        %dma_wait3A_155 = tpu.memref_slice %arg4[%add3A_128, %dma_wait3A_154] : memref<106496x32xf32, #tpu.memory_space<hbm>> -> memref<128x32xf32, #tpu.memory_space<hbm>>
        %dma_wait3A_156 = arith.constant 0 : i32
        %dma_wait3A_157 = arith.constant 0 : i32
        %dma_wait3A_158 = tpu.memref_slice %arg7[%run_scoped3A_129, %dma_wait3A_156, %dma_wait3A_157] : memref<2x128x32xf32, #tpu.memory_space<vmem>> -> memref<1x128x32xf32, #tpu.memory_space<vmem>>
        %dma_wait3A_159 = tpu.memref_squeeze %dma_wait3A_158 : memref<1x128x32xf32, #tpu.memory_space<vmem>> -> memref<128x32xf32, #tpu.memory_space<vmem>>
        tpu.wait_dma2 semaphore(%run_scoped3A_137 : memref<!tpu.dma_semaphore, #tpu.memory_space<semaphore_mem>>) src(%dma_wait3A_159 : memref<128x32xf32, #tpu.memory_space<vmem>>) dst(%dma_wait3A_155 : memref<128x32xf32, #tpu.memory_space<hbm>>)
        tpu.yield
      }) : () -> ()
      %add3A_130 = arith.constant 3 : i32
      %add3A_131 = arith.addi %mul3A_92, %add3A_130 : i32
      %lt3A_132 = arith.constant 26 : i32
      %lt3A_133 = arith.cmpi slt, %add3A_131, %lt3A_132 : i32
      %convert_element_type3A_134 = arith.extui %lt3A_133 : i1 to i32
      %cond3A_135 = arith.constant 0 : i32
      %cond3A_136 = arith.cmpi ne, %convert_element_type3A_134, %cond3A_135 : i32
      scf.if %cond3A_136 {
        %add3A_137 = arith.constant 3 : i32
        %add3A_138 = arith.addi %mul3A_92, %add3A_137 : i32
        %while3A_139 = arith.constant 0 : i64
        %while3A_140 = arith.constant 1 : i32
        %while3A_141 = arith.constant 0 : i32
        %while3A_142 = arith.constant 8 : i32
        %while3A_143 = arith.subi %while3A_142, %while3A_141 : i32
        %while3A_144 = arith.addi %while3A_141, %while3A_143 : i32
        %while3A_145 = arith.constant 1 : i32
        %while3A_146 = arith.divsi %while3A_143, %while3A_145 : i32
        %while3A_147 = arith.muli %while3A_146, %while3A_145 : i32
        %while3A_148 = arith.addi %while3A_141, %while3A_147 : i32
        %while3A_149 = arith.constant 1 : i32
        scf.for %while3A_177 = %while3A_141 to %while3A_148 step %while3A_149  : i32 {
          %mul3A_178 = arith.constant 16 : i32
          %mul3A_179 = arith.muli %while3A_177, %mul3A_178 : i32
          %mul3A_180 = arith.constant 128 : i32
          %mul3A_181 = arith.muli %add3A_138, %mul3A_180 : i32
          %add3A_182 = arith.addi %mul3A_181, %mul3A_179 : i32
          %get3A = arith.index_cast %add3A_182 : i32 to index
          %get3A_183 = tpu.vector_load %arg5[%get3A] {strides = array<i32>} : memref<3328xi32, #tpu.memory_space<vmem>>, vector<16xi32>,
          %jit3A = arith.constant 1000000 : i64
          %convert_element_type3A_184 = arith.trunci %jit3A : i64 to i32
          %eq3A = arith.constant 0 : i32
          %eq3A_185 = arith.cmpi eq, %convert_element_type3A_184, %eq3A : i32
          %jit3A_186 = arith.constant 1 : i32
          %select_n3A = arith.select %eq3A_185, %jit3A_186, %convert_element_type3A_184 : i32
          %rem3A = vector.broadcast %select_n3A : i32 to vector<16xi32>
          %rem3A_187 = arith.remsi %get3A_183, %rem3A : vector<16xi32>
          %ne3A = arith.constant 0 : i32
          %ne3A_188 = vector.broadcast %ne3A : i32 to vector<16xi32>
          %ne3A_189 = arith.cmpi ne, %rem3A_187, %ne3A_188 : vector<16xi32>
          %lt3A_190 = arith.constant 0 : i32
          %lt3A_191 = vector.broadcast %lt3A_190 : i32 to vector<16xi32>
          %lt3A_192 = arith.cmpi slt, %rem3A_187, %lt3A_191 : vector<16xi32>
          %lt3A_193 = arith.constant 0 : i32
          %lt3A_194 = arith.cmpi slt, %select_n3A, %lt3A_193 : i32
          %ne3A_195 = vector.broadcast %lt3A_194 : i1 to vector<16xi1>
          %ne3A_196 = vector.broadcast %ne3A_195 : vector<16xi1> to vector<16xi1>
          %ne3A_197 = arith.xori %lt3A_192, %ne3A_196 : vector<16xi1>
          %and3A = arith.andi %ne3A_197, %ne3A_189 : vector<16xi1>
          %add3A_198 = vector.broadcast %select_n3A : i32 to vector<16xi32>
          %add3A_199 = arith.addi %rem3A_187, %add3A_198 : vector<16xi32>
          %select_n3A_200 = arith.select %and3A, %add3A_199, %rem3A_187 : vector<16xi1>, vector<16xi32>
          %while3A_201 = arith.constant 0 : i32
          %while3A_202 = arith.constant 8 : i32
          %while3A_203 = arith.subi %while3A_202, %while3A_201 : i32
          %while3A_204 = arith.addi %while3A_201, %while3A_203 : i32
          %while3A_205 = arith.constant 1 : i32
          %while3A_206 = arith.divsi %while3A_203, %while3A_205 : i32
          %while3A_207 = arith.muli %while3A_206, %while3A_205 : i32
          %while3A_208 = arith.addi %while3A_201, %while3A_207 : i32
          %while3A_209 = arith.constant 1 : i32
          %while3A_210 = scf.for %while3A_213 = %while3A_201 to %while3A_208 step %while3A_209 iter_args(%while3A_214 = %select_n3A_200) -> (vector<16xi32>)  : i32 {
            %swap3A = arith.index_cast %while3A_140 : i32 to index
            %swap3A_215 = arith.index_cast %while3A_213 : i32 to index
            %swap3A_216 = arith.index_cast %mul3A_179 : i32 to index
            %swap3A_217 = tpu.vector_load %arg6[%swap3A, %swap3A_215, %swap3A_216] {strides = array<i32>} : memref<2x8x128xi32, #tpu.memory_space<vmem>>, vector<16xi32>,
            tpu.vector_store %arg6[%swap3A, %swap3A_215, %swap3A_216], %while3A_214 {strides = array<i32>} : memref<2x8x128xi32, #tpu.memory_space<vmem>>, vector<16xi32>,
            %shift_left3A = arith.constant 1 : i32
            %shift_left3A_218 = vector.broadcast %shift_left3A : i32 to vector<16xi32>
            %shift_left3A_219 = arith.shli %while3A_214, %shift_left3A_218 : vector<16xi32>
            %jit3A_220 = arith.constant 1000000 : i64
            %convert_element_type3A_221 = arith.trunci %jit3A_220 : i64 to i32
            %eq3A_222 = arith.constant 0 : i32
            %eq3A_223 = arith.cmpi eq, %convert_element_type3A_221, %eq3A_222 : i32
            %jit3A_224 = arith.constant 1 : i32
            %select_n3A_225 = arith.select %eq3A_223, %jit3A_224, %convert_element_type3A_221 : i32
            %rem3A_226 = vector.broadcast %select_n3A_225 : i32 to vector<16xi32>
            %rem3A_227 = arith.remsi %shift_left3A_219, %rem3A_226 : vector<16xi32>
            %ne3A_228 = arith.constant 0 : i32
            %ne3A_229 = vector.broadcast %ne3A_228 : i32 to vector<16xi32>
            %ne3A_230 = arith.cmpi ne, %rem3A_227, %ne3A_229 : vector<16xi32>
            %lt3A_231 = arith.constant 0 : i32
            %lt3A_232 = vector.broadcast %lt3A_231 : i32 to vector<16xi32>
            %lt3A_233 = arith.cmpi slt, %rem3A_227, %lt3A_232 : vector<16xi32>
            %lt3A_234 = arith.constant 0 : i32
            %lt3A_235 = arith.cmpi slt, %select_n3A_225, %lt3A_234 : i32
            %ne3A_236 = vector.broadcast %lt3A_235 : i1 to vector<16xi1>
            %ne3A_237 = vector.broadcast %ne3A_236 : vector<16xi1> to vector<16xi1>
            %ne3A_238 = arith.xori %lt3A_233, %ne3A_237 : vector<16xi1>
            %and3A_239 = arith.andi %ne3A_238, %ne3A_230 : vector<16xi1>
            %add3A_240 = vector.broadcast %select_n3A_225 : i32 to vector<16xi32>
            %add3A_241 = arith.addi %rem3A_227, %add3A_240 : vector<16xi32>
            %select_n3A_242 = arith.select %and3A_239, %add3A_241, %rem3A_227 : vector<16xi1>, vector<16xi32>
            scf.yield %select_n3A_242 : vector<16xi32>
          }
          %while3A_211 = arith.constant 1 : i32
          %while3A_212 = scf.for %while3A_213 = %while3A_208 to %while3A_204 step %while3A_211 iter_args(%while3A_214 = %while3A_210) -> (vector<16xi32>)  : i32 {
            %swap3A = arith.index_cast %while3A_140 : i32 to index
            %swap3A_215 = arith.index_cast %while3A_213 : i32 to index
            %swap3A_216 = arith.index_cast %mul3A_179 : i32 to index
            %swap3A_217 = tpu.vector_load %arg6[%swap3A, %swap3A_215, %swap3A_216] {strides = array<i32>} : memref<2x8x128xi32, #tpu.memory_space<vmem>>, vector<16xi32>,
            tpu.vector_store %arg6[%swap3A, %swap3A_215, %swap3A_216], %while3A_214 {strides = array<i32>} : memref<2x8x128xi32, #tpu.memory_space<vmem>>, vector<16xi32>,
            %shift_left3A = arith.constant 1 : i32
            %shift_left3A_218 = vector.broadcast %shift_left3A : i32 to vector<16xi32>
            %shift_left3A_219 = arith.shli %while3A_214, %shift_left3A_218 : vector<16xi32>
            %jit3A_220 = arith.constant 1000000 : i64
            %convert_element_type3A_221 = arith.trunci %jit3A_220 : i64 to i32
            %eq3A_222 = arith.constant 0 : i32
            %eq3A_223 = arith.cmpi eq, %convert_element_type3A_221, %eq3A_222 : i32
            %jit3A_224 = arith.constant 1 : i32
            %select_n3A_225 = arith.select %eq3A_223, %jit3A_224, %convert_element_type3A_221 : i32
            %rem3A_226 = vector.broadcast %select_n3A_225 : i32 to vector<16xi32>
            %rem3A_227 = arith.remsi %shift_left3A_219, %rem3A_226 : vector<16xi32>
            %ne3A_228 = arith.constant 0 : i32
            %ne3A_229 = vector.broadcast %ne3A_228 : i32 to vector<16xi32>
            %ne3A_230 = arith.cmpi ne, %rem3A_227, %ne3A_229 : vector<16xi32>
            %lt3A_231 = arith.constant 0 : i32
            %lt3A_232 = vector.broadcast %lt3A_231 : i32 to vector<16xi32>
            %lt3A_233 = arith.cmpi slt, %rem3A_227, %lt3A_232 : vector<16xi32>
            %lt3A_234 = arith.constant 0 : i32
            %lt3A_235 = arith.cmpi slt, %select_n3A_225, %lt3A_234 : i32
            %ne3A_236 = vector.broadcast %lt3A_235 : i1 to vector<16xi1>
            %ne3A_237 = vector.broadcast %ne3A_236 : vector<16xi1> to vector<16xi1>
            %ne3A_238 = arith.xori %lt3A_233, %ne3A_237 : vector<16xi1>
            %and3A_239 = arith.andi %ne3A_238, %ne3A_230 : vector<16xi1>
            %add3A_240 = vector.broadcast %select_n3A_225 : i32 to vector<16xi32>
            %add3A_241 = arith.addi %rem3A_227, %add3A_240 : vector<16xi32>
            %select_n3A_242 = arith.select %and3A_239, %add3A_241, %rem3A_227 : vector<16xi1>, vector<16xi32>
            scf.yield %select_n3A_242 : vector<16xi32>
          }
        }
        %while3A_150 = arith.constant 1 : i32
        scf.for %while3A_177 = %while3A_148 to %while3A_144 step %while3A_150  : i32 {
          %mul3A_178 = arith.constant 16 : i32
          %mul3A_179 = arith.muli %while3A_177, %mul3A_178 : i32
          %mul3A_180 = arith.constant 128 : i32
          %mul3A_181 = arith.muli %add3A_138, %mul3A_180 : i32
          %add3A_182 = arith.addi %mul3A_181, %mul3A_179 : i32
          %get3A = arith.index_cast %add3A_182 : i32 to index
          %get3A_183 = tpu.vector_load %arg5[%get3A] {strides = array<i32>} : memref<3328xi32, #tpu.memory_space<vmem>>, vector<16xi32>,
          %jit3A = arith.constant 1000000 : i64
          %convert_element_type3A_184 = arith.trunci %jit3A : i64 to i32
          %eq3A = arith.constant 0 : i32
          %eq3A_185 = arith.cmpi eq, %convert_element_type3A_184, %eq3A : i32
          %jit3A_186 = arith.constant 1 : i32
          %select_n3A = arith.select %eq3A_185, %jit3A_186, %convert_element_type3A_184 : i32
          %rem3A = vector.broadcast %select_n3A : i32 to vector<16xi32>
          %rem3A_187 = arith.remsi %get3A_183, %rem3A : vector<16xi32>
          %ne3A = arith.constant 0 : i32
          %ne3A_188 = vector.broadcast %ne3A : i32 to vector<16xi32>
          %ne3A_189 = arith.cmpi ne, %rem3A_187, %ne3A_188 : vector<16xi32>
          %lt3A_190 = arith.constant 0 : i32
          %lt3A_191 = vector.broadcast %lt3A_190 : i32 to vector<16xi32>
          %lt3A_192 = arith.cmpi slt, %rem3A_187, %lt3A_191 : vector<16xi32>
          %lt3A_193 = arith.constant 0 : i32
          %lt3A_194 = arith.cmpi slt, %select_n3A, %lt3A_193 : i32
          %ne3A_195 = vector.broadcast %lt3A_194 : i1 to vector<16xi1>
          %ne3A_196 = vector.broadcast %ne3A_195 : vector<16xi1> to vector<16xi1>
          %ne3A_197 = arith.xori %lt3A_192, %ne3A_196 : vector<16xi1>
          %and3A = arith.andi %ne3A_197, %ne3A_189 : vector<16xi1>
          %add3A_198 = vector.broadcast %select_n3A : i32 to vector<16xi32>
          %add3A_199 = arith.addi %rem3A_187, %add3A_198 : vector<16xi32>
          %select_n3A_200 = arith.select %and3A, %add3A_199, %rem3A_187 : vector<16xi1>, vector<16xi32>
          %while3A_201 = arith.constant 0 : i32
          %while3A_202 = arith.constant 8 : i32
          %while3A_203 = arith.subi %while3A_202, %while3A_201 : i32
          %while3A_204 = arith.addi %while3A_201, %while3A_203 : i32
          %while3A_205 = arith.constant 1 : i32
          %while3A_206 = arith.divsi %while3A_203, %while3A_205 : i32
          %while3A_207 = arith.muli %while3A_206, %while3A_205 : i32
          %while3A_208 = arith.addi %while3A_201, %while3A_207 : i32
          %while3A_209 = arith.constant 1 : i32
          %while3A_210 = scf.for %while3A_213 = %while3A_201 to %while3A_208 step %while3A_209 iter_args(%while3A_214 = %select_n3A_200) -> (vector<16xi32>)  : i32 {
            %swap3A = arith.index_cast %while3A_140 : i32 to index
            %swap3A_215 = arith.index_cast %while3A_213 : i32 to index
            %swap3A_216 = arith.index_cast %mul3A_179 : i32 to index
            %swap3A_217 = tpu.vector_load %arg6[%swap3A, %swap3A_215, %swap3A_216] {strides = array<i32>} : memref<2x8x128xi32, #tpu.memory_space<vmem>>, vector<16xi32>,
            tpu.vector_store %arg6[%swap3A, %swap3A_215, %swap3A_216], %while3A_214 {strides = array<i32>} : memref<2x8x128xi32, #tpu.memory_space<vmem>>, vector<16xi32>,
            %shift_left3A = arith.constant 1 : i32
            %shift_left3A_218 = vector.broadcast %shift_left3A : i32 to vector<16xi32>
            %shift_left3A_219 = arith.shli %while3A_214, %shift_left3A_218 : vector<16xi32>
            %jit3A_220 = arith.constant 1000000 : i64
            %convert_element_type3A_221 = arith.trunci %jit3A_220 : i64 to i32
            %eq3A_222 = arith.constant 0 : i32
            %eq3A_223 = arith.cmpi eq, %convert_element_type3A_221, %eq3A_222 : i32
            %jit3A_224 = arith.constant 1 : i32
            %select_n3A_225 = arith.select %eq3A_223, %jit3A_224, %convert_element_type3A_221 : i32
            %rem3A_226 = vector.broadcast %select_n3A_225 : i32 to vector<16xi32>
            %rem3A_227 = arith.remsi %shift_left3A_219, %rem3A_226 : vector<16xi32>
            %ne3A_228 = arith.constant 0 : i32
            %ne3A_229 = vector.broadcast %ne3A_228 : i32 to vector<16xi32>
            %ne3A_230 = arith.cmpi ne, %rem3A_227, %ne3A_229 : vector<16xi32>
            %lt3A_231 = arith.constant 0 : i32
            %lt3A_232 = vector.broadcast %lt3A_231 : i32 to vector<16xi32>
            %lt3A_233 = arith.cmpi slt, %rem3A_227, %lt3A_232 : vector<16xi32>
            %lt3A_234 = arith.constant 0 : i32
            %lt3A_235 = arith.cmpi slt, %select_n3A_225, %lt3A_234 : i32
            %ne3A_236 = vector.broadcast %lt3A_235 : i1 to vector<16xi1>
            %ne3A_237 = vector.broadcast %ne3A_236 : vector<16xi1> to vector<16xi1>
            %ne3A_238 = arith.xori %lt3A_233, %ne3A_237 : vector<16xi1>
            %and3A_239 = arith.andi %ne3A_238, %ne3A_230 : vector<16xi1>
            %add3A_240 = vector.broadcast %select_n3A_225 : i32 to vector<16xi32>
            %add3A_241 = arith.addi %rem3A_227, %add3A_240 : vector<16xi32>
            %select_n3A_242 = arith.select %and3A_239, %add3A_241, %rem3A_227 : vector<16xi1>, vector<16xi32>
            scf.yield %select_n3A_242 : vector<16xi32>
          }
          %while3A_211 = arith.constant 1 : i32
          %while3A_212 = scf.for %while3A_213 = %while3A_208 to %while3A_204 step %while3A_211 iter_args(%while3A_214 = %while3A_210) -> (vector<16xi32>)  : i32 {
            %swap3A = arith.index_cast %while3A_140 : i32 to index
            %swap3A_215 = arith.index_cast %while3A_213 : i32 to index
            %swap3A_216 = arith.index_cast %mul3A_179 : i32 to index
            %swap3A_217 = tpu.vector_load %arg6[%swap3A, %swap3A_215, %swap3A_216] {strides = array<i32>} : memref<2x8x128xi32, #tpu.memory_space<vmem>>, vector<16xi32>,
            tpu.vector_store %arg6[%swap3A, %swap3A_215, %swap3A_216], %while3A_214 {strides = array<i32>} : memref<2x8x128xi32, #tpu.memory_space<vmem>>, vector<16xi32>,
            %shift_left3A = arith.constant 1 : i32
            %shift_left3A_218 = vector.broadcast %shift_left3A : i32 to vector<16xi32>
            %shift_left3A_219 = arith.shli %while3A_214, %shift_left3A_218 : vector<16xi32>
            %jit3A_220 = arith.constant 1000000 : i64
            %convert_element_type3A_221 = arith.trunci %jit3A_220 : i64 to i32
            %eq3A_222 = arith.constant 0 : i32
            %eq3A_223 = arith.cmpi eq, %convert_element_type3A_221, %eq3A_222 : i32
            %jit3A_224 = arith.constant 1 : i32
            %select_n3A_225 = arith.select %eq3A_223, %jit3A_224, %convert_element_type3A_221 : i32
            %rem3A_226 = vector.broadcast %select_n3A_225 : i32 to vector<16xi32>
            %rem3A_227 = arith.remsi %shift_left3A_219, %rem3A_226 : vector<16xi32>
            %ne3A_228 = arith.constant 0 : i32
            %ne3A_229 = vector.broadcast %ne3A_228 : i32 to vector<16xi32>
            %ne3A_230 = arith.cmpi ne, %rem3A_227, %ne3A_229 : vector<16xi32>
            %lt3A_231 = arith.constant 0 : i32
            %lt3A_232 = vector.broadcast %lt3A_231 : i32 to vector<16xi32>
            %lt3A_233 = arith.cmpi slt, %rem3A_227, %lt3A_232 : vector<16xi32>
            %lt3A_234 = arith.constant 0 : i32
            %lt3A_235 = arith.cmpi slt, %select_n3A_225, %lt3A_234 : i32
            %ne3A_236 = vector.broadcast %lt3A_235 : i1 to vector<16xi1>
            %ne3A_237 = vector.broadcast %ne3A_236 : vector<16xi1> to vector<16xi1>
            %ne3A_238 = arith.xori %lt3A_233, %ne3A_237 : vector<16xi1>
            %and3A_239 = arith.andi %ne3A_238, %ne3A_230 : vector<16xi1>
            %add3A_240 = vector.broadcast %select_n3A_225 : i32 to vector<16xi32>
            %add3A_241 = arith.addi %rem3A_227, %add3A_240 : vector<16xi32>
            %select_n3A_242 = arith.select %and3A_239, %add3A_241, %rem3A_227 : vector<16xi1>, vector<16xi32>
            scf.yield %select_n3A_242 : vector<16xi32>
          }
        }
        %broadcast_in_dim3A_151 = arith.constant 0.000000e+00 : f32
        %broadcast_in_dim3A_152 = vector.broadcast %broadcast_in_dim3A_151 : f32 to vector<16xf32>
        %while3A_153 = arith.constant 0 : i64
        %while3A_154 = arith.constant 1 : i32
        %while3A_155 = arith.constant 0 : i32
        %while3A_156 = arith.constant 128 : i32
        %while3A_157 = arith.subi %while3A_156, %while3A_155 : i32
        %while3A_158 = arith.addi %while3A_155, %while3A_157 : i32
        %while3A_159 = arith.constant 1 : i32
        %while3A_160 = arith.divsi %while3A_157, %while3A_159 : i32
        %while3A_161 = arith.muli %while3A_160, %while3A_159 : i32
        %while3A_162 = arith.addi %while3A_155, %while3A_161 : i32
        %while3A_163 = arith.constant 1 : i32
        scf.for %while3A_177 = %while3A_155 to %while3A_162 step %while3A_163  : i32 {
          %swap3A = arith.index_cast %while3A_154 : i32 to index
          %swap3A_178 = arith.index_cast %while3A_177 : i32 to index
          %swap3A_179 = arith.constant 0 : index
          %swap3A_180 = tpu.vector_load %arg7[%swap3A, %swap3A_178, %swap3A_179] {strides = array<i32>} : memref<2x128x32xf32, #tpu.memory_space<vmem>>, vector<16xf32>,
          tpu.vector_store %arg7[%swap3A, %swap3A_178, %swap3A_179], %broadcast_in_dim3A_152 {strides = array<i32>} : memref<2x128x32xf32, #tpu.memory_space<vmem>>, vector<16xf32>,
          %swap3A_181 = arith.index_cast %while3A_154 : i32 to index
          %swap3A_182 = arith.index_cast %while3A_177 : i32 to index
          %swap3A_183 = arith.constant 16 : index
          %swap3A_184 = tpu.vector_load %arg7[%swap3A_181, %swap3A_182, %swap3A_183] {strides = array<i32>} : memref<2x128x32xf32, #tpu.memory_space<vmem>>, vector<16xf32>,
          tpu.vector_store %arg7[%swap3A_181, %swap3A_182, %swap3A_183], %broadcast_in_dim3A_152 {strides = array<i32>} : memref<2x128x32xf32, #tpu.memory_space<vmem>>, vector<16xf32>,
        }
        %while3A_164 = arith.constant 1 : i32
        scf.for %while3A_177 = %while3A_162 to %while3A_158 step %while3A_164  : i32 {
          %swap3A = arith.index_cast %while3A_154 : i32 to index
          %swap3A_178 = arith.index_cast %while3A_177 : i32 to index
          %swap3A_179 = arith.constant 0 : index
          %swap3A_180 = tpu.vector_load %arg7[%swap3A, %swap3A_178, %swap3A_179] {strides = array<i32>} : memref<2x128x32xf32, #tpu.memory_space<vmem>>, vector<16xf32>,
          tpu.vector_store %arg7[%swap3A, %swap3A_178, %swap3A_179], %broadcast_in_dim3A_152 {strides = array<i32>} : memref<2x128x32xf32, #tpu.memory_space<vmem>>, vector<16xf32>,
          %swap3A_181 = arith.index_cast %while3A_154 : i32 to index
          %swap3A_182 = arith.index_cast %while3A_177 : i32 to index
          %swap3A_183 = arith.constant 16 : index
          %swap3A_184 = tpu.vector_load %arg7[%swap3A_181, %swap3A_182, %swap3A_183] {strides = array<i32>} : memref<2x128x32xf32, #tpu.memory_space<vmem>>, vector<16xf32>,
          tpu.vector_store %arg7[%swap3A_181, %swap3A_182, %swap3A_183], %broadcast_in_dim3A_152 {strides = array<i32>} : memref<2x128x32xf32, #tpu.memory_space<vmem>>, vector<16xf32>,
        }
        %while3A_165 = arith.constant 0 : i64
        %while3A_166 = arith.constant 1 : i32
        %while3A_167 = arith.constant 0 : i32
        %while3A_168 = arith.constant 8 : i32
        %while3A_169 = arith.subi %while3A_168, %while3A_167 : i32
        %while3A_170 = arith.addi %while3A_167, %while3A_169 : i32
        %while3A_171 = arith.constant 1 : i32
        %while3A_172 = arith.divsi %while3A_169, %while3A_171 : i32
        %while3A_173 = arith.muli %while3A_172, %while3A_171 : i32
        %while3A_174 = arith.addi %while3A_167, %while3A_173 : i32
        %while3A_175 = arith.constant 1 : i32
        scf.for %while3A_177 = %while3A_167 to %while3A_174 step %while3A_175  : i32 {
          %dma_start3A = arith.constant 0 : i32
          %dma_start3A_178 = arith.constant 0 : i32
          %dma_start3A_179 = tpu.memref_slice %arg7[%while3A_166, %dma_start3A, %dma_start3A_178] : memref<2x128x32xf32, #tpu.memory_space<vmem>> -> memref<1x128x32xf32, #tpu.memory_space<vmem>>
          %dma_start3A_180 = tpu.memref_squeeze %dma_start3A_179 : memref<1x128x32xf32, #tpu.memory_space<vmem>> -> memref<128x32xf32, #tpu.memory_space<vmem>>
          %dma_start3A_181 = arith.constant 0 : i32
          %dma_start3A_182 = tpu.memref_slice %arg6[%while3A_166, %while3A_177, %dma_start3A_181] : memref<2x8x128xi32, #tpu.memory_space<vmem>> -> memref<1x1x128xi32, #tpu.memory_space<vmem>>
          %dma_start3A_183 = tpu.memref_squeeze %dma_start3A_182 : memref<1x1x128xi32, #tpu.memory_space<vmem>> -> memref<128xi32, #tpu.memory_space<vmem>>
          %dma_start3A_184 = arith.constant 0 : i32
          %dma_start3A_185 = arith.constant 0 : i32
          %dma_start3A_186 = tpu.memref_slice %arg3[%dma_start3A_184, %dma_start3A_185] : memref<1000000x32xf32, #tpu.memory_space<hbm>> -> memref<1000000x32xf32, #tpu.memory_space<hbm>>
          tpu.enqueue_indirect_dma source(%dma_start3A_186 : memref<1000000x32xf32, #tpu.memory_space<hbm>>) target(%dma_start3A_180 : memref<128x32xf32, #tpu.memory_space<vmem>>) offsets(%dma_start3A_183 : memref<128xi32, #tpu.memory_space<vmem>>) semaphore(%arg9 : memref<!tpu.dma_semaphore, #tpu.memory_space<semaphore_mem>>) {add = true}
        }
        %while3A_176 = arith.constant 1 : i32
        scf.for %while3A_177 = %while3A_174 to %while3A_170 step %while3A_176  : i32 {
          %dma_start3A = arith.constant 0 : i32
          %dma_start3A_178 = arith.constant 0 : i32
          %dma_start3A_179 = tpu.memref_slice %arg7[%while3A_166, %dma_start3A, %dma_start3A_178] : memref<2x128x32xf32, #tpu.memory_space<vmem>> -> memref<1x128x32xf32, #tpu.memory_space<vmem>>
          %dma_start3A_180 = tpu.memref_squeeze %dma_start3A_179 : memref<1x128x32xf32, #tpu.memory_space<vmem>> -> memref<128x32xf32, #tpu.memory_space<vmem>>
          %dma_start3A_181 = arith.constant 0 : i32
          %dma_start3A_182 = tpu.memref_slice %arg6[%while3A_166, %while3A_177, %dma_start3A_181] : memref<2x8x128xi32, #tpu.memory_space<vmem>> -> memref<1x1x128xi32, #tpu.memory_space<vmem>>
          %dma_start3A_183 = tpu.memref_squeeze %dma_start3A_182 : memref<1x1x128xi32, #tpu.memory_space<vmem>> -> memref<128xi32, #tpu.memory_space<vmem>>
          %dma_start3A_184 = arith.constant 0 : i32
          %dma_start3A_185 = arith.constant 0 : i32
          %dma_start3A_186 = tpu.memref_slice %arg3[%dma_start3A_184, %dma_start3A_185] : memref<1000000x32xf32, #tpu.memory_space<hbm>> -> memref<1000000x32xf32, #tpu.memory_space<hbm>>
          tpu.enqueue_indirect_dma source(%dma_start3A_186 : memref<1000000x32xf32, #tpu.memory_space<hbm>>) target(%dma_start3A_180 : memref<128x32xf32, #tpu.memory_space<vmem>>) offsets(%dma_start3A_183 : memref<128xi32, #tpu.memory_space<vmem>>) semaphore(%arg9 : memref<!tpu.dma_semaphore, #tpu.memory_space<semaphore_mem>>) {add = true}
        }
      } else {
      }
    }
    %while3A_89 = arith.constant 1 : i32
    scf.for %while3A_90 = %while3A_87 to %while3A_83 step %while3A_89  : i32 {
      %mul3A_91 = arith.constant 2 : i32
      %mul3A_92 = arith.muli %while3A_90, %mul3A_91 : i32
      %while3A_93 = arith.constant 0 : i64
      %while3A_94 = arith.constant 0 : i32
      %while3A_95 = arith.constant 0 : i32
      %while3A_96 = arith.constant 8 : i32
      %while3A_97 = arith.subi %while3A_96, %while3A_95 : i32
      %while3A_98 = arith.addi %while3A_95, %while3A_97 : i32
      %while3A_99 = arith.constant 1 : i32
      %while3A_100 = arith.divsi %while3A_97, %while3A_99 : i32
      %while3A_101 = arith.muli %while3A_100, %while3A_99 : i32
      %while3A_102 = arith.addi %while3A_95, %while3A_101 : i32
      %while3A_103 = arith.constant 1 : i32
      scf.for %while3A_137 = %while3A_95 to %while3A_102 step %while3A_103  : i32 {
        %dma_wait3A = arith.constant 0 : i32
        %dma_wait3A_138 = arith.constant 0 : i32
        %dma_wait3A_139 = tpu.memref_slice %arg7[%while3A_94, %dma_wait3A, %dma_wait3A_138] : memref<2x128x32xf32, #tpu.memory_space<vmem>> -> memref<1x128x32xf32, #tpu.memory_space<vmem>>
        %dma_wait3A_140 = tpu.memref_squeeze %dma_wait3A_139 : memref<1x128x32xf32, #tpu.memory_space<vmem>> -> memref<128x32xf32, #tpu.memory_space<vmem>>
        %dma_wait3A_141 = arith.constant 0 : i32
        %dma_wait3A_142 = tpu.memref_slice %arg6[%while3A_94, %while3A_137, %dma_wait3A_141] : memref<2x8x128xi32, #tpu.memory_space<vmem>> -> memref<1x1x128xi32, #tpu.memory_space<vmem>>
        %dma_wait3A_143 = tpu.memref_squeeze %dma_wait3A_142 : memref<1x1x128xi32, #tpu.memory_space<vmem>> -> memref<128xi32, #tpu.memory_space<vmem>>
        %dma_wait3A_144 = arith.constant 0 : i32
        %dma_wait3A_145 = arith.constant 0 : i32
        %dma_wait3A_146 = tpu.memref_slice %arg3[%dma_wait3A_144, %dma_wait3A_145] : memref<1000000x32xf32, #tpu.memory_space<hbm>> -> memref<1000000x32xf32, #tpu.memory_space<hbm>>
        tpu.wait_indirect_dma semaphore(%arg8 : memref<!tpu.dma_semaphore, #tpu.memory_space<semaphore_mem>>) src(%dma_wait3A_146 : memref<1000000x32xf32, #tpu.memory_space<hbm>>) dst(%dma_wait3A_140 : memref<128x32xf32, #tpu.memory_space<vmem>>)
      }
      %while3A_104 = arith.constant 1 : i32
      scf.for %while3A_137 = %while3A_102 to %while3A_98 step %while3A_104  : i32 {
        %dma_wait3A = arith.constant 0 : i32
        %dma_wait3A_138 = arith.constant 0 : i32
        %dma_wait3A_139 = tpu.memref_slice %arg7[%while3A_94, %dma_wait3A, %dma_wait3A_138] : memref<2x128x32xf32, #tpu.memory_space<vmem>> -> memref<1x128x32xf32, #tpu.memory_space<vmem>>
        %dma_wait3A_140 = tpu.memref_squeeze %dma_wait3A_139 : memref<1x128x32xf32, #tpu.memory_space<vmem>> -> memref<128x32xf32, #tpu.memory_space<vmem>>
        %dma_wait3A_141 = arith.constant 0 : i32
        %dma_wait3A_142 = tpu.memref_slice %arg6[%while3A_94, %while3A_137, %dma_wait3A_141] : memref<2x8x128xi32, #tpu.memory_space<vmem>> -> memref<1x1x128xi32, #tpu.memory_space<vmem>>
        %dma_wait3A_143 = tpu.memref_squeeze %dma_wait3A_142 : memref<1x1x128xi32, #tpu.memory_space<vmem>> -> memref<128xi32, #tpu.memory_space<vmem>>
        %dma_wait3A_144 = arith.constant 0 : i32
        %dma_wait3A_145 = arith.constant 0 : i32
        %dma_wait3A_146 = tpu.memref_slice %arg3[%dma_wait3A_144, %dma_wait3A_145] : memref<1000000x32xf32, #tpu.memory_space<hbm>> -> memref<1000000x32xf32, #tpu.memory_space<hbm>>
        tpu.wait_indirect_dma semaphore(%arg8 : memref<!tpu.dma_semaphore, #tpu.memory_space<semaphore_mem>>) src(%dma_wait3A_146 : memref<1000000x32xf32, #tpu.memory_space<hbm>>) dst(%dma_wait3A_140 : memref<128x32xf32, #tpu.memory_space<vmem>>)
      }
      %mul3A_105 = arith.constant 128 : i32
      %mul3A_106 = arith.muli %mul3A_92, %mul3A_105 : i32
      %add3A_107 = arith.addi %mul3A_2, %mul3A_106 : i32
      %run_scoped3A = arith.constant 0 : i32
      "tpu.region"() ({
        %run_scoped3A_137 = tpu.sem_alloc : memref<!tpu.dma_semaphore, #tpu.memory_space<semaphore_mem>>
        %dma_start3A = arith.constant 0 : i32
        %dma_start3A_138 = arith.constant 0 : i32
        %dma_start3A_139 = tpu.memref_slice %arg7[%run_scoped3A, %dma_start3A, %dma_start3A_138] : memref<2x128x32xf32, #tpu.memory_space<vmem>> -> memref<1x128x32xf32, #tpu.memory_space<vmem>>
        %dma_start3A_140 = tpu.memref_squeeze %dma_start3A_139 : memref<1x128x32xf32, #tpu.memory_space<vmem>> -> memref<128x32xf32, #tpu.memory_space<vmem>>
        %dma_start3A_141 = arith.constant 0 : i32
        %dma_start3A_142 = tpu.memref_slice %arg4[%add3A_107, %dma_start3A_141] : memref<106496x32xf32, #tpu.memory_space<hbm>> -> memref<128x32xf32, #tpu.memory_space<hbm>>
        %dma_start3A_143 = arith.constant 0 : i32
        %dma_start3A_144 = tpu.memref_slice %arg4[%add3A_107, %dma_start3A_143] : memref<106496x32xf32, #tpu.memory_space<hbm>> -> memref<128x32xf32, #tpu.memory_space<hbm>>
        %dma_start3A_145 = arith.constant 0 : i32
        %dma_start3A_146 = arith.constant 0 : i32
        %dma_start3A_147 = tpu.memref_slice %arg7[%run_scoped3A, %dma_start3A_145, %dma_start3A_146] : memref<2x128x32xf32, #tpu.memory_space<vmem>> -> memref<1x128x32xf32, #tpu.memory_space<vmem>>
        %dma_start3A_148 = tpu.memref_squeeze %dma_start3A_147 : memref<1x128x32xf32, #tpu.memory_space<vmem>> -> memref<128x32xf32, #tpu.memory_space<vmem>>
        tpu.enqueue_dma source(%dma_start3A_148 : memref<128x32xf32, #tpu.memory_space<vmem>>) target(%dma_start3A_144 : memref<128x32xf32, #tpu.memory_space<hbm>>) target_semaphore(%run_scoped3A_137 : memref<!tpu.dma_semaphore, #tpu.memory_space<semaphore_mem>>)
        %dma_wait3A = arith.constant 0 : i32
        %dma_wait3A_149 = arith.constant 0 : i32
        %dma_wait3A_150 = tpu.memref_slice %arg7[%run_scoped3A, %dma_wait3A, %dma_wait3A_149] : memref<2x128x32xf32, #tpu.memory_space<vmem>> -> memref<1x128x32xf32, #tpu.memory_space<vmem>>
        %dma_wait3A_151 = tpu.memref_squeeze %dma_wait3A_150 : memref<1x128x32xf32, #tpu.memory_space<vmem>> -> memref<128x32xf32, #tpu.memory_space<vmem>>
        %dma_wait3A_152 = arith.constant 0 : i32
        %dma_wait3A_153 = tpu.memref_slice %arg4[%add3A_107, %dma_wait3A_152] : memref<106496x32xf32, #tpu.memory_space<hbm>> -> memref<128x32xf32, #tpu.memory_space<hbm>>
        %dma_wait3A_154 = arith.constant 0 : i32
        %dma_wait3A_155 = tpu.memref_slice %arg4[%add3A_107, %dma_wait3A_154] : memref<106496x32xf32, #tpu.memory_space<hbm>> -> memref<128x32xf32, #tpu.memory_space<hbm>>
        %dma_wait3A_156 = arith.constant 0 : i32
        %dma_wait3A_157 = arith.constant 0 : i32
        %dma_wait3A_158 = tpu.memref_slice %arg7[%run_scoped3A, %dma_wait3A_156, %dma_wait3A_157] : memref<2x128x32xf32, #tpu.memory_space<vmem>> -> memref<1x128x32xf32, #tpu.memory_space<vmem>>
        %dma_wait3A_159 = tpu.memref_squeeze %dma_wait3A_158 : memref<1x128x32xf32, #tpu.memory_space<vmem>> -> memref<128x32xf32, #tpu.memory_space<vmem>>
        tpu.wait_dma2 semaphore(%run_scoped3A_137 : memref<!tpu.dma_semaphore, #tpu.memory_space<semaphore_mem>>) src(%dma_wait3A_159 : memref<128x32xf32, #tpu.memory_space<vmem>>) dst(%dma_wait3A_155 : memref<128x32xf32, #tpu.memory_space<hbm>>)
        tpu.yield
      }) : () -> ()
      %add3A_108 = arith.constant 2 : i32
      %add3A_109 = arith.addi %mul3A_92, %add3A_108 : i32
      %lt3A = arith.constant 26 : i32
      %lt3A_110 = arith.cmpi slt, %add3A_109, %lt3A : i32
      %convert_element_type3A = arith.extui %lt3A_110 : i1 to i32
      %cond3A = arith.constant 0 : i32
      %cond3A_111 = arith.cmpi ne, %convert_element_type3A, %cond3A : i32
      scf.if %cond3A_111 {
        %add3A_137 = arith.constant 2 : i32
        %add3A_138 = arith.addi %mul3A_92, %add3A_137 : i32
        %while3A_139 = arith.constant 0 : i64
        %while3A_140 = arith.constant 0 : i32
        %while3A_141 = arith.constant 0 : i32
        %while3A_142 = arith.constant 8 : i32
        %while3A_143 = arith.subi %while3A_142, %while3A_141 : i32
        %while3A_144 = arith.addi %while3A_141, %while3A_143 : i32
        %while3A_145 = arith.constant 1 : i32
        %while3A_146 = arith.divsi %while3A_143, %while3A_145 : i32
        %while3A_147 = arith.muli %while3A_146, %while3A_145 : i32
        %while3A_148 = arith.addi %while3A_141, %while3A_147 : i32
        %while3A_149 = arith.constant 1 : i32
        scf.for %while3A_177 = %while3A_141 to %while3A_148 step %while3A_149  : i32 {
          %mul3A_178 = arith.constant 16 : i32
          %mul3A_179 = arith.muli %while3A_177, %mul3A_178 : i32
          %mul3A_180 = arith.constant 128 : i32
          %mul3A_181 = arith.muli %add3A_138, %mul3A_180 : i32
          %add3A_182 = arith.addi %mul3A_181, %mul3A_179 : i32
          %get3A = arith.index_cast %add3A_182 : i32 to index
          %get3A_183 = tpu.vector_load %arg5[%get3A] {strides = array<i32>} : memref<3328xi32, #tpu.memory_space<vmem>>, vector<16xi32>,
          %jit3A = arith.constant 1000000 : i64
          %convert_element_type3A_184 = arith.trunci %jit3A : i64 to i32
          %eq3A = arith.constant 0 : i32
          %eq3A_185 = arith.cmpi eq, %convert_element_type3A_184, %eq3A : i32
          %jit3A_186 = arith.constant 1 : i32
          %select_n3A = arith.select %eq3A_185, %jit3A_186, %convert_element_type3A_184 : i32
          %rem3A = vector.broadcast %select_n3A : i32 to vector<16xi32>
          %rem3A_187 = arith.remsi %get3A_183, %rem3A : vector<16xi32>
          %ne3A = arith.constant 0 : i32
          %ne3A_188 = vector.broadcast %ne3A : i32 to vector<16xi32>
          %ne3A_189 = arith.cmpi ne, %rem3A_187, %ne3A_188 : vector<16xi32>
          %lt3A_190 = arith.constant 0 : i32
          %lt3A_191 = vector.broadcast %lt3A_190 : i32 to vector<16xi32>
          %lt3A_192 = arith.cmpi slt, %rem3A_187, %lt3A_191 : vector<16xi32>
          %lt3A_193 = arith.constant 0 : i32
          %lt3A_194 = arith.cmpi slt, %select_n3A, %lt3A_193 : i32
          %ne3A_195 = vector.broadcast %lt3A_194 : i1 to vector<16xi1>
          %ne3A_196 = vector.broadcast %ne3A_195 : vector<16xi1> to vector<16xi1>
          %ne3A_197 = arith.xori %lt3A_192, %ne3A_196 : vector<16xi1>
          %and3A = arith.andi %ne3A_197, %ne3A_189 : vector<16xi1>
          %add3A_198 = vector.broadcast %select_n3A : i32 to vector<16xi32>
          %add3A_199 = arith.addi %rem3A_187, %add3A_198 : vector<16xi32>
          %select_n3A_200 = arith.select %and3A, %add3A_199, %rem3A_187 : vector<16xi1>, vector<16xi32>
          %while3A_201 = arith.constant 0 : i32
          %while3A_202 = arith.constant 8 : i32
          %while3A_203 = arith.subi %while3A_202, %while3A_201 : i32
          %while3A_204 = arith.addi %while3A_201, %while3A_203 : i32
          %while3A_205 = arith.constant 1 : i32
          %while3A_206 = arith.divsi %while3A_203, %while3A_205 : i32
          %while3A_207 = arith.muli %while3A_206, %while3A_205 : i32
          %while3A_208 = arith.addi %while3A_201, %while3A_207 : i32
          %while3A_209 = arith.constant 1 : i32
          %while3A_210 = scf.for %while3A_213 = %while3A_201 to %while3A_208 step %while3A_209 iter_args(%while3A_214 = %select_n3A_200) -> (vector<16xi32>)  : i32 {
            %swap3A = arith.index_cast %while3A_140 : i32 to index
            %swap3A_215 = arith.index_cast %while3A_213 : i32 to index
            %swap3A_216 = arith.index_cast %mul3A_179 : i32 to index
            %swap3A_217 = tpu.vector_load %arg6[%swap3A, %swap3A_215, %swap3A_216] {strides = array<i32>} : memref<2x8x128xi32, #tpu.memory_space<vmem>>, vector<16xi32>,
            tpu.vector_store %arg6[%swap3A, %swap3A_215, %swap3A_216], %while3A_214 {strides = array<i32>} : memref<2x8x128xi32, #tpu.memory_space<vmem>>, vector<16xi32>,
            %shift_left3A = arith.constant 1 : i32
            %shift_left3A_218 = vector.broadcast %shift_left3A : i32 to vector<16xi32>
            %shift_left3A_219 = arith.shli %while3A_214, %shift_left3A_218 : vector<16xi32>
            %jit3A_220 = arith.constant 1000000 : i64
            %convert_element_type3A_221 = arith.trunci %jit3A_220 : i64 to i32
            %eq3A_222 = arith.constant 0 : i32
            %eq3A_223 = arith.cmpi eq, %convert_element_type3A_221, %eq3A_222 : i32
            %jit3A_224 = arith.constant 1 : i32
            %select_n3A_225 = arith.select %eq3A_223, %jit3A_224, %convert_element_type3A_221 : i32
            %rem3A_226 = vector.broadcast %select_n3A_225 : i32 to vector<16xi32>
            %rem3A_227 = arith.remsi %shift_left3A_219, %rem3A_226 : vector<16xi32>
            %ne3A_228 = arith.constant 0 : i32
            %ne3A_229 = vector.broadcast %ne3A_228 : i32 to vector<16xi32>
            %ne3A_230 = arith.cmpi ne, %rem3A_227, %ne3A_229 : vector<16xi32>
            %lt3A_231 = arith.constant 0 : i32
            %lt3A_232 = vector.broadcast %lt3A_231 : i32 to vector<16xi32>
            %lt3A_233 = arith.cmpi slt, %rem3A_227, %lt3A_232 : vector<16xi32>
            %lt3A_234 = arith.constant 0 : i32
            %lt3A_235 = arith.cmpi slt, %select_n3A_225, %lt3A_234 : i32
            %ne3A_236 = vector.broadcast %lt3A_235 : i1 to vector<16xi1>
            %ne3A_237 = vector.broadcast %ne3A_236 : vector<16xi1> to vector<16xi1>
            %ne3A_238 = arith.xori %lt3A_233, %ne3A_237 : vector<16xi1>
            %and3A_239 = arith.andi %ne3A_238, %ne3A_230 : vector<16xi1>
            %add3A_240 = vector.broadcast %select_n3A_225 : i32 to vector<16xi32>
            %add3A_241 = arith.addi %rem3A_227, %add3A_240 : vector<16xi32>
            %select_n3A_242 = arith.select %and3A_239, %add3A_241, %rem3A_227 : vector<16xi1>, vector<16xi32>
            scf.yield %select_n3A_242 : vector<16xi32>
          }
          %while3A_211 = arith.constant 1 : i32
          %while3A_212 = scf.for %while3A_213 = %while3A_208 to %while3A_204 step %while3A_211 iter_args(%while3A_214 = %while3A_210) -> (vector<16xi32>)  : i32 {
            %swap3A = arith.index_cast %while3A_140 : i32 to index
            %swap3A_215 = arith.index_cast %while3A_213 : i32 to index
            %swap3A_216 = arith.index_cast %mul3A_179 : i32 to index
            %swap3A_217 = tpu.vector_load %arg6[%swap3A, %swap3A_215, %swap3A_216] {strides = array<i32>} : memref<2x8x128xi32, #tpu.memory_space<vmem>>, vector<16xi32>,
            tpu.vector_store %arg6[%swap3A, %swap3A_215, %swap3A_216], %while3A_214 {strides = array<i32>} : memref<2x8x128xi32, #tpu.memory_space<vmem>>, vector<16xi32>,
            %shift_left3A = arith.constant 1 : i32
            %shift_left3A_218 = vector.broadcast %shift_left3A : i32 to vector<16xi32>
            %shift_left3A_219 = arith.shli %while3A_214, %shift_left3A_218 : vector<16xi32>
            %jit3A_220 = arith.constant 1000000 : i64
            %convert_element_type3A_221 = arith.trunci %jit3A_220 : i64 to i32
            %eq3A_222 = arith.constant 0 : i32
            %eq3A_223 = arith.cmpi eq, %convert_element_type3A_221, %eq3A_222 : i32
            %jit3A_224 = arith.constant 1 : i32
            %select_n3A_225 = arith.select %eq3A_223, %jit3A_224, %convert_element_type3A_221 : i32
            %rem3A_226 = vector.broadcast %select_n3A_225 : i32 to vector<16xi32>
            %rem3A_227 = arith.remsi %shift_left3A_219, %rem3A_226 : vector<16xi32>
            %ne3A_228 = arith.constant 0 : i32
            %ne3A_229 = vector.broadcast %ne3A_228 : i32 to vector<16xi32>
            %ne3A_230 = arith.cmpi ne, %rem3A_227, %ne3A_229 : vector<16xi32>
            %lt3A_231 = arith.constant 0 : i32
            %lt3A_232 = vector.broadcast %lt3A_231 : i32 to vector<16xi32>
            %lt3A_233 = arith.cmpi slt, %rem3A_227, %lt3A_232 : vector<16xi32>
            %lt3A_234 = arith.constant 0 : i32
            %lt3A_235 = arith.cmpi slt, %select_n3A_225, %lt3A_234 : i32
            %ne3A_236 = vector.broadcast %lt3A_235 : i1 to vector<16xi1>
            %ne3A_237 = vector.broadcast %ne3A_236 : vector<16xi1> to vector<16xi1>
            %ne3A_238 = arith.xori %lt3A_233, %ne3A_237 : vector<16xi1>
            %and3A_239 = arith.andi %ne3A_238, %ne3A_230 : vector<16xi1>
            %add3A_240 = vector.broadcast %select_n3A_225 : i32 to vector<16xi32>
            %add3A_241 = arith.addi %rem3A_227, %add3A_240 : vector<16xi32>
            %select_n3A_242 = arith.select %and3A_239, %add3A_241, %rem3A_227 : vector<16xi1>, vector<16xi32>
            scf.yield %select_n3A_242 : vector<16xi32>
          }
        }
        %while3A_150 = arith.constant 1 : i32
        scf.for %while3A_177 = %while3A_148 to %while3A_144 step %while3A_150  : i32 {
          %mul3A_178 = arith.constant 16 : i32
          %mul3A_179 = arith.muli %while3A_177, %mul3A_178 : i32
          %mul3A_180 = arith.constant 128 : i32
          %mul3A_181 = arith.muli %add3A_138, %mul3A_180 : i32
          %add3A_182 = arith.addi %mul3A_181, %mul3A_179 : i32
          %get3A = arith.index_cast %add3A_182 : i32 to index
          %get3A_183 = tpu.vector_load %arg5[%get3A] {strides = array<i32>} : memref<3328xi32, #tpu.memory_space<vmem>>, vector<16xi32>,
          %jit3A = arith.constant 1000000 : i64
          %convert_element_type3A_184 = arith.trunci %jit3A : i64 to i32
          %eq3A = arith.constant 0 : i32
          %eq3A_185 = arith.cmpi eq, %convert_element_type3A_184, %eq3A : i32
          %jit3A_186 = arith.constant 1 : i32
          %select_n3A = arith.select %eq3A_185, %jit3A_186, %convert_element_type3A_184 : i32
          %rem3A = vector.broadcast %select_n3A : i32 to vector<16xi32>
          %rem3A_187 = arith.remsi %get3A_183, %rem3A : vector<16xi32>
          %ne3A = arith.constant 0 : i32
          %ne3A_188 = vector.broadcast %ne3A : i32 to vector<16xi32>
          %ne3A_189 = arith.cmpi ne, %rem3A_187, %ne3A_188 : vector<16xi32>
          %lt3A_190 = arith.constant 0 : i32
          %lt3A_191 = vector.broadcast %lt3A_190 : i32 to vector<16xi32>
          %lt3A_192 = arith.cmpi slt, %rem3A_187, %lt3A_191 : vector<16xi32>
          %lt3A_193 = arith.constant 0 : i32
          %lt3A_194 = arith.cmpi slt, %select_n3A, %lt3A_193 : i32
          %ne3A_195 = vector.broadcast %lt3A_194 : i1 to vector<16xi1>
          %ne3A_196 = vector.broadcast %ne3A_195 : vector<16xi1> to vector<16xi1>
          %ne3A_197 = arith.xori %lt3A_192, %ne3A_196 : vector<16xi1>
          %and3A = arith.andi %ne3A_197, %ne3A_189 : vector<16xi1>
          %add3A_198 = vector.broadcast %select_n3A : i32 to vector<16xi32>
          %add3A_199 = arith.addi %rem3A_187, %add3A_198 : vector<16xi32>
          %select_n3A_200 = arith.select %and3A, %add3A_199, %rem3A_187 : vector<16xi1>, vector<16xi32>
          %while3A_201 = arith.constant 0 : i32
          %while3A_202 = arith.constant 8 : i32
          %while3A_203 = arith.subi %while3A_202, %while3A_201 : i32
          %while3A_204 = arith.addi %while3A_201, %while3A_203 : i32
          %while3A_205 = arith.constant 1 : i32
          %while3A_206 = arith.divsi %while3A_203, %while3A_205 : i32
          %while3A_207 = arith.muli %while3A_206, %while3A_205 : i32
          %while3A_208 = arith.addi %while3A_201, %while3A_207 : i32
          %while3A_209 = arith.constant 1 : i32
          %while3A_210 = scf.for %while3A_213 = %while3A_201 to %while3A_208 step %while3A_209 iter_args(%while3A_214 = %select_n3A_200) -> (vector<16xi32>)  : i32 {
            %swap3A = arith.index_cast %while3A_140 : i32 to index
            %swap3A_215 = arith.index_cast %while3A_213 : i32 to index
            %swap3A_216 = arith.index_cast %mul3A_179 : i32 to index
            %swap3A_217 = tpu.vector_load %arg6[%swap3A, %swap3A_215, %swap3A_216] {strides = array<i32>} : memref<2x8x128xi32, #tpu.memory_space<vmem>>, vector<16xi32>,
            tpu.vector_store %arg6[%swap3A, %swap3A_215, %swap3A_216], %while3A_214 {strides = array<i32>} : memref<2x8x128xi32, #tpu.memory_space<vmem>>, vector<16xi32>,
            %shift_left3A = arith.constant 1 : i32
            %shift_left3A_218 = vector.broadcast %shift_left3A : i32 to vector<16xi32>
            %shift_left3A_219 = arith.shli %while3A_214, %shift_left3A_218 : vector<16xi32>
            %jit3A_220 = arith.constant 1000000 : i64
            %convert_element_type3A_221 = arith.trunci %jit3A_220 : i64 to i32
            %eq3A_222 = arith.constant 0 : i32
            %eq3A_223 = arith.cmpi eq, %convert_element_type3A_221, %eq3A_222 : i32
            %jit3A_224 = arith.constant 1 : i32
            %select_n3A_225 = arith.select %eq3A_223, %jit3A_224, %convert_element_type3A_221 : i32
            %rem3A_226 = vector.broadcast %select_n3A_225 : i32 to vector<16xi32>
            %rem3A_227 = arith.remsi %shift_left3A_219, %rem3A_226 : vector<16xi32>
            %ne3A_228 = arith.constant 0 : i32
            %ne3A_229 = vector.broadcast %ne3A_228 : i32 to vector<16xi32>
            %ne3A_230 = arith.cmpi ne, %rem3A_227, %ne3A_229 : vector<16xi32>
            %lt3A_231 = arith.constant 0 : i32
            %lt3A_232 = vector.broadcast %lt3A_231 : i32 to vector<16xi32>
            %lt3A_233 = arith.cmpi slt, %rem3A_227, %lt3A_232 : vector<16xi32>
            %lt3A_234 = arith.constant 0 : i32
            %lt3A_235 = arith.cmpi slt, %select_n3A_225, %lt3A_234 : i32
            %ne3A_236 = vector.broadcast %lt3A_235 : i1 to vector<16xi1>
            %ne3A_237 = vector.broadcast %ne3A_236 : vector<16xi1> to vector<16xi1>
            %ne3A_238 = arith.xori %lt3A_233, %ne3A_237 : vector<16xi1>
            %and3A_239 = arith.andi %ne3A_238, %ne3A_230 : vector<16xi1>
            %add3A_240 = vector.broadcast %select_n3A_225 : i32 to vector<16xi32>
            %add3A_241 = arith.addi %rem3A_227, %add3A_240 : vector<16xi32>
            %select_n3A_242 = arith.select %and3A_239, %add3A_241, %rem3A_227 : vector<16xi1>, vector<16xi32>
            scf.yield %select_n3A_242 : vector<16xi32>
          }
          %while3A_211 = arith.constant 1 : i32
          %while3A_212 = scf.for %while3A_213 = %while3A_208 to %while3A_204 step %while3A_211 iter_args(%while3A_214 = %while3A_210) -> (vector<16xi32>)  : i32 {
            %swap3A = arith.index_cast %while3A_140 : i32 to index
            %swap3A_215 = arith.index_cast %while3A_213 : i32 to index
            %swap3A_216 = arith.index_cast %mul3A_179 : i32 to index
            %swap3A_217 = tpu.vector_load %arg6[%swap3A, %swap3A_215, %swap3A_216] {strides = array<i32>} : memref<2x8x128xi32, #tpu.memory_space<vmem>>, vector<16xi32>,
            tpu.vector_store %arg6[%swap3A, %swap3A_215, %swap3A_216], %while3A_214 {strides = array<i32>} : memref<2x8x128xi32, #tpu.memory_space<vmem>>, vector<16xi32>,
            %shift_left3A = arith.constant 1 : i32
            %shift_left3A_218 = vector.broadcast %shift_left3A : i32 to vector<16xi32>
            %shift_left3A_219 = arith.shli %while3A_214, %shift_left3A_218 : vector<16xi32>
            %jit3A_220 = arith.constant 1000000 : i64
            %convert_element_type3A_221 = arith.trunci %jit3A_220 : i64 to i32
            %eq3A_222 = arith.constant 0 : i32
            %eq3A_223 = arith.cmpi eq, %convert_element_type3A_221, %eq3A_222 : i32
            %jit3A_224 = arith.constant 1 : i32
            %select_n3A_225 = arith.select %eq3A_223, %jit3A_224, %convert_element_type3A_221 : i32
            %rem3A_226 = vector.broadcast %select_n3A_225 : i32 to vector<16xi32>
            %rem3A_227 = arith.remsi %shift_left3A_219, %rem3A_226 : vector<16xi32>
            %ne3A_228 = arith.constant 0 : i32
            %ne3A_229 = vector.broadcast %ne3A_228 : i32 to vector<16xi32>
            %ne3A_230 = arith.cmpi ne, %rem3A_227, %ne3A_229 : vector<16xi32>
            %lt3A_231 = arith.constant 0 : i32
            %lt3A_232 = vector.broadcast %lt3A_231 : i32 to vector<16xi32>
            %lt3A_233 = arith.cmpi slt, %rem3A_227, %lt3A_232 : vector<16xi32>
            %lt3A_234 = arith.constant 0 : i32
            %lt3A_235 = arith.cmpi slt, %select_n3A_225, %lt3A_234 : i32
            %ne3A_236 = vector.broadcast %lt3A_235 : i1 to vector<16xi1>
            %ne3A_237 = vector.broadcast %ne3A_236 : vector<16xi1> to vector<16xi1>
            %ne3A_238 = arith.xori %lt3A_233, %ne3A_237 : vector<16xi1>
            %and3A_239 = arith.andi %ne3A_238, %ne3A_230 : vector<16xi1>
            %add3A_240 = vector.broadcast %select_n3A_225 : i32 to vector<16xi32>
            %add3A_241 = arith.addi %rem3A_227, %add3A_240 : vector<16xi32>
            %select_n3A_242 = arith.select %and3A_239, %add3A_241, %rem3A_227 : vector<16xi1>, vector<16xi32>
            scf.yield %select_n3A_242 : vector<16xi32>
          }
        }
        %broadcast_in_dim3A_151 = arith.constant 0.000000e+00 : f32
        %broadcast_in_dim3A_152 = vector.broadcast %broadcast_in_dim3A_151 : f32 to vector<16xf32>
        %while3A_153 = arith.constant 0 : i64
        %while3A_154 = arith.constant 0 : i32
        %while3A_155 = arith.constant 0 : i32
        %while3A_156 = arith.constant 128 : i32
        %while3A_157 = arith.subi %while3A_156, %while3A_155 : i32
        %while3A_158 = arith.addi %while3A_155, %while3A_157 : i32
        %while3A_159 = arith.constant 1 : i32
        %while3A_160 = arith.divsi %while3A_157, %while3A_159 : i32
        %while3A_161 = arith.muli %while3A_160, %while3A_159 : i32
        %while3A_162 = arith.addi %while3A_155, %while3A_161 : i32
        %while3A_163 = arith.constant 1 : i32
        scf.for %while3A_177 = %while3A_155 to %while3A_162 step %while3A_163  : i32 {
          %swap3A = arith.index_cast %while3A_154 : i32 to index
          %swap3A_178 = arith.index_cast %while3A_177 : i32 to index
          %swap3A_179 = arith.constant 0 : index
          %swap3A_180 = tpu.vector_load %arg7[%swap3A, %swap3A_178, %swap3A_179] {strides = array<i32>} : memref<2x128x32xf32, #tpu.memory_space<vmem>>, vector<16xf32>,
          tpu.vector_store %arg7[%swap3A, %swap3A_178, %swap3A_179], %broadcast_in_dim3A_152 {strides = array<i32>} : memref<2x128x32xf32, #tpu.memory_space<vmem>>, vector<16xf32>,
          %swap3A_181 = arith.index_cast %while3A_154 : i32 to index
          %swap3A_182 = arith.index_cast %while3A_177 : i32 to index
          %swap3A_183 = arith.constant 16 : index
          %swap3A_184 = tpu.vector_load %arg7[%swap3A_181, %swap3A_182, %swap3A_183] {strides = array<i32>} : memref<2x128x32xf32, #tpu.memory_space<vmem>>, vector<16xf32>,
          tpu.vector_store %arg7[%swap3A_181, %swap3A_182, %swap3A_183], %broadcast_in_dim3A_152 {strides = array<i32>} : memref<2x128x32xf32, #tpu.memory_space<vmem>>, vector<16xf32>,
        }
        %while3A_164 = arith.constant 1 : i32
        scf.for %while3A_177 = %while3A_162 to %while3A_158 step %while3A_164  : i32 {
          %swap3A = arith.index_cast %while3A_154 : i32 to index
          %swap3A_178 = arith.index_cast %while3A_177 : i32 to index
          %swap3A_179 = arith.constant 0 : index
          %swap3A_180 = tpu.vector_load %arg7[%swap3A, %swap3A_178, %swap3A_179] {strides = array<i32>} : memref<2x128x32xf32, #tpu.memory_space<vmem>>, vector<16xf32>,
          tpu.vector_store %arg7[%swap3A, %swap3A_178, %swap3A_179], %broadcast_in_dim3A_152 {strides = array<i32>} : memref<2x128x32xf32, #tpu.memory_space<vmem>>, vector<16xf32>,
          %swap3A_181 = arith.index_cast %while3A_154 : i32 to index
          %swap3A_182 = arith.index_cast %while3A_177 : i32 to index
          %swap3A_183 = arith.constant 16 : index
          %swap3A_184 = tpu.vector_load %arg7[%swap3A_181, %swap3A_182, %swap3A_183] {strides = array<i32>} : memref<2x128x32xf32, #tpu.memory_space<vmem>>, vector<16xf32>,
          tpu.vector_store %arg7[%swap3A_181, %swap3A_182, %swap3A_183], %broadcast_in_dim3A_152 {strides = array<i32>} : memref<2x128x32xf32, #tpu.memory_space<vmem>>, vector<16xf32>,
        }
        %while3A_165 = arith.constant 0 : i64
        %while3A_166 = arith.constant 0 : i32
        %while3A_167 = arith.constant 0 : i32
        %while3A_168 = arith.constant 8 : i32
        %while3A_169 = arith.subi %while3A_168, %while3A_167 : i32
        %while3A_170 = arith.addi %while3A_167, %while3A_169 : i32
        %while3A_171 = arith.constant 1 : i32
        %while3A_172 = arith.divsi %while3A_169, %while3A_171 : i32
        %while3A_173 = arith.muli %while3A_172, %while3A_171 : i32
        %while3A_174 = arith.addi %while3A_167, %while3A_173 : i32
        %while3A_175 = arith.constant 1 : i32
        scf.for %while3A_177 = %while3A_167 to %while3A_174 step %while3A_175  : i32 {
          %dma_start3A = arith.constant 0 : i32
          %dma_start3A_178 = arith.constant 0 : i32
          %dma_start3A_179 = tpu.memref_slice %arg7[%while3A_166, %dma_start3A, %dma_start3A_178] : memref<2x128x32xf32, #tpu.memory_space<vmem>> -> memref<1x128x32xf32, #tpu.memory_space<vmem>>
          %dma_start3A_180 = tpu.memref_squeeze %dma_start3A_179 : memref<1x128x32xf32, #tpu.memory_space<vmem>> -> memref<128x32xf32, #tpu.memory_space<vmem>>
          %dma_start3A_181 = arith.constant 0 : i32
          %dma_start3A_182 = tpu.memref_slice %arg6[%while3A_166, %while3A_177, %dma_start3A_181] : memref<2x8x128xi32, #tpu.memory_space<vmem>> -> memref<1x1x128xi32, #tpu.memory_space<vmem>>
          %dma_start3A_183 = tpu.memref_squeeze %dma_start3A_182 : memref<1x1x128xi32, #tpu.memory_space<vmem>> -> memref<128xi32, #tpu.memory_space<vmem>>
          %dma_start3A_184 = arith.constant 0 : i32
          %dma_start3A_185 = arith.constant 0 : i32
          %dma_start3A_186 = tpu.memref_slice %arg3[%dma_start3A_184, %dma_start3A_185] : memref<1000000x32xf32, #tpu.memory_space<hbm>> -> memref<1000000x32xf32, #tpu.memory_space<hbm>>
          tpu.enqueue_indirect_dma source(%dma_start3A_186 : memref<1000000x32xf32, #tpu.memory_space<hbm>>) target(%dma_start3A_180 : memref<128x32xf32, #tpu.memory_space<vmem>>) offsets(%dma_start3A_183 : memref<128xi32, #tpu.memory_space<vmem>>) semaphore(%arg8 : memref<!tpu.dma_semaphore, #tpu.memory_space<semaphore_mem>>) {add = true}
        }
        %while3A_176 = arith.constant 1 : i32
        scf.for %while3A_177 = %while3A_174 to %while3A_170 step %while3A_176  : i32 {
          %dma_start3A = arith.constant 0 : i32
          %dma_start3A_178 = arith.constant 0 : i32
          %dma_start3A_179 = tpu.memref_slice %arg7[%while3A_166, %dma_start3A, %dma_start3A_178] : memref<2x128x32xf32, #tpu.memory_space<vmem>> -> memref<1x128x32xf32, #tpu.memory_space<vmem>>
          %dma_start3A_180 = tpu.memref_squeeze %dma_start3A_179 : memref<1x128x32xf32, #tpu.memory_space<vmem>> -> memref<128x32xf32, #tpu.memory_space<vmem>>
          %dma_start3A_181 = arith.constant 0 : i32
          %dma_start3A_182 = tpu.memref_slice %arg6[%while3A_166, %while3A_177, %dma_start3A_181] : memref<2x8x128xi32, #tpu.memory_space<vmem>> -> memref<1x1x128xi32, #tpu.memory_space<vmem>>
          %dma_start3A_183 = tpu.memref_squeeze %dma_start3A_182 : memref<1x1x128xi32, #tpu.memory_space<vmem>> -> memref<128xi32, #tpu.memory_space<vmem>>
          %dma_start3A_184 = arith.constant 0 : i32
          %dma_start3A_185 = arith.constant 0 : i32
          %dma_start3A_186 = tpu.memref_slice %arg3[%dma_start3A_184, %dma_start3A_185] : memref<1000000x32xf32, #tpu.memory_space<hbm>> -> memref<1000000x32xf32, #tpu.memory_space<hbm>>
          tpu.enqueue_indirect_dma source(%dma_start3A_186 : memref<1000000x32xf32, #tpu.memory_space<hbm>>) target(%dma_start3A_180 : memref<128x32xf32, #tpu.memory_space<vmem>>) offsets(%dma_start3A_183 : memref<128xi32, #tpu.memory_space<vmem>>) semaphore(%arg8 : memref<!tpu.dma_semaphore, #tpu.memory_space<semaphore_mem>>) {add = true}
        }
      } else {
      }
      %add3A_112 = arith.constant 1 : i32
      %add3A_113 = arith.addi %mul3A_92, %add3A_112 : i32
      %while3A_114 = arith.constant 0 : i64
      %while3A_115 = arith.constant 1 : i32
      %while3A_116 = arith.constant 0 : i32
      %while3A_117 = arith.constant 8 : i32
      %while3A_118 = arith.subi %while3A_117, %while3A_116 : i32
      %while3A_119 = arith.addi %while3A_116, %while3A_118 : i32
      %while3A_120 = arith.constant 1 : i32
      %while3A_121 = arith.divsi %while3A_118, %while3A_120 : i32
      %while3A_122 = arith.muli %while3A_121, %while3A_120 : i32
      %while3A_123 = arith.addi %while3A_116, %while3A_122 : i32
      %while3A_124 = arith.constant 1 : i32
      scf.for %while3A_137 = %while3A_116 to %while3A_123 step %while3A_124  : i32 {
        %dma_wait3A = arith.constant 0 : i32
        %dma_wait3A_138 = arith.constant 0 : i32
        %dma_wait3A_139 = tpu.memref_slice %arg7[%while3A_115, %dma_wait3A, %dma_wait3A_138] : memref<2x128x32xf32, #tpu.memory_space<vmem>> -> memref<1x128x32xf32, #tpu.memory_space<vmem>>
        %dma_wait3A_140 = tpu.memref_squeeze %dma_wait3A_139 : memref<1x128x32xf32, #tpu.memory_space<vmem>> -> memref<128x32xf32, #tpu.memory_space<vmem>>
        %dma_wait3A_141 = arith.constant 0 : i32
        %dma_wait3A_142 = tpu.memref_slice %arg6[%while3A_115, %while3A_137, %dma_wait3A_141] : memref<2x8x128xi32, #tpu.memory_space<vmem>> -> memref<1x1x128xi32, #tpu.memory_space<vmem>>
        %dma_wait3A_143 = tpu.memref_squeeze %dma_wait3A_142 : memref<1x1x128xi32, #tpu.memory_space<vmem>> -> memref<128xi32, #tpu.memory_space<vmem>>
        %dma_wait3A_144 = arith.constant 0 : i32
        %dma_wait3A_145 = arith.constant 0 : i32
        %dma_wait3A_146 = tpu.memref_slice %arg3[%dma_wait3A_144, %dma_wait3A_145] : memref<1000000x32xf32, #tpu.memory_space<hbm>> -> memref<1000000x32xf32, #tpu.memory_space<hbm>>
        tpu.wait_indirect_dma semaphore(%arg9 : memref<!tpu.dma_semaphore, #tpu.memory_space<semaphore_mem>>) src(%dma_wait3A_146 : memref<1000000x32xf32, #tpu.memory_space<hbm>>) dst(%dma_wait3A_140 : memref<128x32xf32, #tpu.memory_space<vmem>>)
      }
      %while3A_125 = arith.constant 1 : i32
      scf.for %while3A_137 = %while3A_123 to %while3A_119 step %while3A_125  : i32 {
        %dma_wait3A = arith.constant 0 : i32
        %dma_wait3A_138 = arith.constant 0 : i32
        %dma_wait3A_139 = tpu.memref_slice %arg7[%while3A_115, %dma_wait3A, %dma_wait3A_138] : memref<2x128x32xf32, #tpu.memory_space<vmem>> -> memref<1x128x32xf32, #tpu.memory_space<vmem>>
        %dma_wait3A_140 = tpu.memref_squeeze %dma_wait3A_139 : memref<1x128x32xf32, #tpu.memory_space<vmem>> -> memref<128x32xf32, #tpu.memory_space<vmem>>
        %dma_wait3A_141 = arith.constant 0 : i32
        %dma_wait3A_142 = tpu.memref_slice %arg6[%while3A_115, %while3A_137, %dma_wait3A_141] : memref<2x8x128xi32, #tpu.memory_space<vmem>> -> memref<1x1x128xi32, #tpu.memory_space<vmem>>
        %dma_wait3A_143 = tpu.memref_squeeze %dma_wait3A_142 : memref<1x1x128xi32, #tpu.memory_space<vmem>> -> memref<128xi32, #tpu.memory_space<vmem>>
        %dma_wait3A_144 = arith.constant 0 : i32
        %dma_wait3A_145 = arith.constant 0 : i32
        %dma_wait3A_146 = tpu.memref_slice %arg3[%dma_wait3A_144, %dma_wait3A_145] : memref<1000000x32xf32, #tpu.memory_space<hbm>> -> memref<1000000x32xf32, #tpu.memory_space<hbm>>
        tpu.wait_indirect_dma semaphore(%arg9 : memref<!tpu.dma_semaphore, #tpu.memory_space<semaphore_mem>>) src(%dma_wait3A_146 : memref<1000000x32xf32, #tpu.memory_space<hbm>>) dst(%dma_wait3A_140 : memref<128x32xf32, #tpu.memory_space<vmem>>)
      }
      %mul3A_126 = arith.constant 128 : i32
      %mul3A_127 = arith.muli %add3A_113, %mul3A_126 : i32
      %add3A_128 = arith.addi %mul3A_2, %mul3A_127 : i32
      %run_scoped3A_129 = arith.constant 1 : i32
      "tpu.region"() ({
        %run_scoped3A_137 = tpu.sem_alloc : memref<!tpu.dma_semaphore, #tpu.memory_space<semaphore_mem>>
        %dma_start3A = arith.constant 0 : i32
        %dma_start3A_138 = arith.constant 0 : i32
        %dma_start3A_139 = tpu.memref_slice %arg7[%run_scoped3A_129, %dma_start3A, %dma_start3A_138] : memref<2x128x32xf32, #tpu.memory_space<vmem>> -> memref<1x128x32xf32, #tpu.memory_space<vmem>>
        %dma_start3A_140 = tpu.memref_squeeze %dma_start3A_139 : memref<1x128x32xf32, #tpu.memory_space<vmem>> -> memref<128x32xf32, #tpu.memory_space<vmem>>
        %dma_start3A_141 = arith.constant 0 : i32
        %dma_start3A_142 = tpu.memref_slice %arg4[%add3A_128, %dma_start3A_141] : memref<106496x32xf32, #tpu.memory_space<hbm>> -> memref<128x32xf32, #tpu.memory_space<hbm>>
        %dma_start3A_143 = arith.constant 0 : i32
        %dma_start3A_144 = tpu.memref_slice %arg4[%add3A_128, %dma_start3A_143] : memref<106496x32xf32, #tpu.memory_space<hbm>> -> memref<128x32xf32, #tpu.memory_space<hbm>>
        %dma_start3A_145 = arith.constant 0 : i32
        %dma_start3A_146 = arith.constant 0 : i32
        %dma_start3A_147 = tpu.memref_slice %arg7[%run_scoped3A_129, %dma_start3A_145, %dma_start3A_146] : memref<2x128x32xf32, #tpu.memory_space<vmem>> -> memref<1x128x32xf32, #tpu.memory_space<vmem>>
        %dma_start3A_148 = tpu.memref_squeeze %dma_start3A_147 : memref<1x128x32xf32, #tpu.memory_space<vmem>> -> memref<128x32xf32, #tpu.memory_space<vmem>>
        tpu.enqueue_dma source(%dma_start3A_148 : memref<128x32xf32, #tpu.memory_space<vmem>>) target(%dma_start3A_144 : memref<128x32xf32, #tpu.memory_space<hbm>>) target_semaphore(%run_scoped3A_137 : memref<!tpu.dma_semaphore, #tpu.memory_space<semaphore_mem>>)
        %dma_wait3A = arith.constant 0 : i32
        %dma_wait3A_149 = arith.constant 0 : i32
        %dma_wait3A_150 = tpu.memref_slice %arg7[%run_scoped3A_129, %dma_wait3A, %dma_wait3A_149] : memref<2x128x32xf32, #tpu.memory_space<vmem>> -> memref<1x128x32xf32, #tpu.memory_space<vmem>>
        %dma_wait3A_151 = tpu.memref_squeeze %dma_wait3A_150 : memref<1x128x32xf32, #tpu.memory_space<vmem>> -> memref<128x32xf32, #tpu.memory_space<vmem>>
        %dma_wait3A_152 = arith.constant 0 : i32
        %dma_wait3A_153 = tpu.memref_slice %arg4[%add3A_128, %dma_wait3A_152] : memref<106496x32xf32, #tpu.memory_space<hbm>> -> memref<128x32xf32, #tpu.memory_space<hbm>>
        %dma_wait3A_154 = arith.constant 0 : i32
        %dma_wait3A_155 = tpu.memref_slice %arg4[%add3A_128, %dma_wait3A_154] : memref<106496x32xf32, #tpu.memory_space<hbm>> -> memref<128x32xf32, #tpu.memory_space<hbm>>
        %dma_wait3A_156 = arith.constant 0 : i32
        %dma_wait3A_157 = arith.constant 0 : i32
        %dma_wait3A_158 = tpu.memref_slice %arg7[%run_scoped3A_129, %dma_wait3A_156, %dma_wait3A_157] : memref<2x128x32xf32, #tpu.memory_space<vmem>> -> memref<1x128x32xf32, #tpu.memory_space<vmem>>
        %dma_wait3A_159 = tpu.memref_squeeze %dma_wait3A_158 : memref<1x128x32xf32, #tpu.memory_space<vmem>> -> memref<128x32xf32, #tpu.memory_space<vmem>>
        tpu.wait_dma2 semaphore(%run_scoped3A_137 : memref<!tpu.dma_semaphore, #tpu.memory_space<semaphore_mem>>) src(%dma_wait3A_159 : memref<128x32xf32, #tpu.memory_space<vmem>>) dst(%dma_wait3A_155 : memref<128x32xf32, #tpu.memory_space<hbm>>)
        tpu.yield
      }) : () -> ()
      %add3A_130 = arith.constant 3 : i32
      %add3A_131 = arith.addi %mul3A_92, %add3A_130 : i32
      %lt3A_132 = arith.constant 26 : i32
      %lt3A_133 = arith.cmpi slt, %add3A_131, %lt3A_132 : i32
      %convert_element_type3A_134 = arith.extui %lt3A_133 : i1 to i32
      %cond3A_135 = arith.constant 0 : i32
      %cond3A_136 = arith.cmpi ne, %convert_element_type3A_134, %cond3A_135 : i32
      scf.if %cond3A_136 {
        %add3A_137 = arith.constant 3 : i32
        %add3A_138 = arith.addi %mul3A_92, %add3A_137 : i32
        %while3A_139 = arith.constant 0 : i64
        %while3A_140 = arith.constant 1 : i32
        %while3A_141 = arith.constant 0 : i32
        %while3A_142 = arith.constant 8 : i32
        %while3A_143 = arith.subi %while3A_142, %while3A_141 : i32
        %while3A_144 = arith.addi %while3A_141, %while3A_143 : i32
        %while3A_145 = arith.constant 1 : i32
        %while3A_146 = arith.divsi %while3A_143, %while3A_145 : i32
        %while3A_147 = arith.muli %while3A_146, %while3A_145 : i32
        %while3A_148 = arith.addi %while3A_141, %while3A_147 : i32
        %while3A_149 = arith.constant 1 : i32
        scf.for %while3A_177 = %while3A_141 to %while3A_148 step %while3A_149  : i32 {
          %mul3A_178 = arith.constant 16 : i32
          %mul3A_179 = arith.muli %while3A_177, %mul3A_178 : i32
          %mul3A_180 = arith.constant 128 : i32
          %mul3A_181 = arith.muli %add3A_138, %mul3A_180 : i32
          %add3A_182 = arith.addi %mul3A_181, %mul3A_179 : i32
          %get3A = arith.index_cast %add3A_182 : i32 to index
          %get3A_183 = tpu.vector_load %arg5[%get3A] {strides = array<i32>} : memref<3328xi32, #tpu.memory_space<vmem>>, vector<16xi32>,
          %jit3A = arith.constant 1000000 : i64
          %convert_element_type3A_184 = arith.trunci %jit3A : i64 to i32
          %eq3A = arith.constant 0 : i32
          %eq3A_185 = arith.cmpi eq, %convert_element_type3A_184, %eq3A : i32
          %jit3A_186 = arith.constant 1 : i32
          %select_n3A = arith.select %eq3A_185, %jit3A_186, %convert_element_type3A_184 : i32
          %rem3A = vector.broadcast %select_n3A : i32 to vector<16xi32>
          %rem3A_187 = arith.remsi %get3A_183, %rem3A : vector<16xi32>
          %ne3A = arith.constant 0 : i32
          %ne3A_188 = vector.broadcast %ne3A : i32 to vector<16xi32>
          %ne3A_189 = arith.cmpi ne, %rem3A_187, %ne3A_188 : vector<16xi32>
          %lt3A_190 = arith.constant 0 : i32
          %lt3A_191 = vector.broadcast %lt3A_190 : i32 to vector<16xi32>
          %lt3A_192 = arith.cmpi slt, %rem3A_187, %lt3A_191 : vector<16xi32>
          %lt3A_193 = arith.constant 0 : i32
          %lt3A_194 = arith.cmpi slt, %select_n3A, %lt3A_193 : i32
          %ne3A_195 = vector.broadcast %lt3A_194 : i1 to vector<16xi1>
          %ne3A_196 = vector.broadcast %ne3A_195 : vector<16xi1> to vector<16xi1>
          %ne3A_197 = arith.xori %lt3A_192, %ne3A_196 : vector<16xi1>
          %and3A = arith.andi %ne3A_197, %ne3A_189 : vector<16xi1>
          %add3A_198 = vector.broadcast %select_n3A : i32 to vector<16xi32>
          %add3A_199 = arith.addi %rem3A_187, %add3A_198 : vector<16xi32>
          %select_n3A_200 = arith.select %and3A, %add3A_199, %rem3A_187 : vector<16xi1>, vector<16xi32>
          %while3A_201 = arith.constant 0 : i32
          %while3A_202 = arith.constant 8 : i32
          %while3A_203 = arith.subi %while3A_202, %while3A_201 : i32
          %while3A_204 = arith.addi %while3A_201, %while3A_203 : i32
          %while3A_205 = arith.constant 1 : i32
          %while3A_206 = arith.divsi %while3A_203, %while3A_205 : i32
          %while3A_207 = arith.muli %while3A_206, %while3A_205 : i32
          %while3A_208 = arith.addi %while3A_201, %while3A_207 : i32
          %while3A_209 = arith.constant 1 : i32
          %while3A_210 = scf.for %while3A_213 = %while3A_201 to %while3A_208 step %while3A_209 iter_args(%while3A_214 = %select_n3A_200) -> (vector<16xi32>)  : i32 {
            %swap3A = arith.index_cast %while3A_140 : i32 to index
            %swap3A_215 = arith.index_cast %while3A_213 : i32 to index
            %swap3A_216 = arith.index_cast %mul3A_179 : i32 to index
            %swap3A_217 = tpu.vector_load %arg6[%swap3A, %swap3A_215, %swap3A_216] {strides = array<i32>} : memref<2x8x128xi32, #tpu.memory_space<vmem>>, vector<16xi32>,
            tpu.vector_store %arg6[%swap3A, %swap3A_215, %swap3A_216], %while3A_214 {strides = array<i32>} : memref<2x8x128xi32, #tpu.memory_space<vmem>>, vector<16xi32>,
            %shift_left3A = arith.constant 1 : i32
            %shift_left3A_218 = vector.broadcast %shift_left3A : i32 to vector<16xi32>
            %shift_left3A_219 = arith.shli %while3A_214, %shift_left3A_218 : vector<16xi32>
            %jit3A_220 = arith.constant 1000000 : i64
            %convert_element_type3A_221 = arith.trunci %jit3A_220 : i64 to i32
            %eq3A_222 = arith.constant 0 : i32
            %eq3A_223 = arith.cmpi eq, %convert_element_type3A_221, %eq3A_222 : i32
            %jit3A_224 = arith.constant 1 : i32
            %select_n3A_225 = arith.select %eq3A_223, %jit3A_224, %convert_element_type3A_221 : i32
            %rem3A_226 = vector.broadcast %select_n3A_225 : i32 to vector<16xi32>
            %rem3A_227 = arith.remsi %shift_left3A_219, %rem3A_226 : vector<16xi32>
            %ne3A_228 = arith.constant 0 : i32
            %ne3A_229 = vector.broadcast %ne3A_228 : i32 to vector<16xi32>
            %ne3A_230 = arith.cmpi ne, %rem3A_227, %ne3A_229 : vector<16xi32>
            %lt3A_231 = arith.constant 0 : i32
            %lt3A_232 = vector.broadcast %lt3A_231 : i32 to vector<16xi32>
            %lt3A_233 = arith.cmpi slt, %rem3A_227, %lt3A_232 : vector<16xi32>
            %lt3A_234 = arith.constant 0 : i32
            %lt3A_235 = arith.cmpi slt, %select_n3A_225, %lt3A_234 : i32
            %ne3A_236 = vector.broadcast %lt3A_235 : i1 to vector<16xi1>
            %ne3A_237 = vector.broadcast %ne3A_236 : vector<16xi1> to vector<16xi1>
            %ne3A_238 = arith.xori %lt3A_233, %ne3A_237 : vector<16xi1>
            %and3A_239 = arith.andi %ne3A_238, %ne3A_230 : vector<16xi1>
            %add3A_240 = vector.broadcast %select_n3A_225 : i32 to vector<16xi32>
            %add3A_241 = arith.addi %rem3A_227, %add3A_240 : vector<16xi32>
            %select_n3A_242 = arith.select %and3A_239, %add3A_241, %rem3A_227 : vector<16xi1>, vector<16xi32>
            scf.yield %select_n3A_242 : vector<16xi32>
          }
          %while3A_211 = arith.constant 1 : i32
          %while3A_212 = scf.for %while3A_213 = %while3A_208 to %while3A_204 step %while3A_211 iter_args(%while3A_214 = %while3A_210) -> (vector<16xi32>)  : i32 {
            %swap3A = arith.index_cast %while3A_140 : i32 to index
            %swap3A_215 = arith.index_cast %while3A_213 : i32 to index
            %swap3A_216 = arith.index_cast %mul3A_179 : i32 to index
            %swap3A_217 = tpu.vector_load %arg6[%swap3A, %swap3A_215, %swap3A_216] {strides = array<i32>} : memref<2x8x128xi32, #tpu.memory_space<vmem>>, vector<16xi32>,
            tpu.vector_store %arg6[%swap3A, %swap3A_215, %swap3A_216], %while3A_214 {strides = array<i32>} : memref<2x8x128xi32, #tpu.memory_space<vmem>>, vector<16xi32>,
            %shift_left3A = arith.constant 1 : i32
            %shift_left3A_218 = vector.broadcast %shift_left3A : i32 to vector<16xi32>
            %shift_left3A_219 = arith.shli %while3A_214, %shift_left3A_218 : vector<16xi32>
            %jit3A_220 = arith.constant 1000000 : i64
            %convert_element_type3A_221 = arith.trunci %jit3A_220 : i64 to i32
            %eq3A_222 = arith.constant 0 : i32
            %eq3A_223 = arith.cmpi eq, %convert_element_type3A_221, %eq3A_222 : i32
            %jit3A_224 = arith.constant 1 : i32
            %select_n3A_225 = arith.select %eq3A_223, %jit3A_224, %convert_element_type3A_221 : i32
            %rem3A_226 = vector.broadcast %select_n3A_225 : i32 to vector<16xi32>
            %rem3A_227 = arith.remsi %shift_left3A_219, %rem3A_226 : vector<16xi32>
            %ne3A_228 = arith.constant 0 : i32
            %ne3A_229 = vector.broadcast %ne3A_228 : i32 to vector<16xi32>
            %ne3A_230 = arith.cmpi ne, %rem3A_227, %ne3A_229 : vector<16xi32>
            %lt3A_231 = arith.constant 0 : i32
            %lt3A_232 = vector.broadcast %lt3A_231 : i32 to vector<16xi32>
            %lt3A_233 = arith.cmpi slt, %rem3A_227, %lt3A_232 : vector<16xi32>
            %lt3A_234 = arith.constant 0 : i32
            %lt3A_235 = arith.cmpi slt, %select_n3A_225, %lt3A_234 : i32
            %ne3A_236 = vector.broadcast %lt3A_235 : i1 to vector<16xi1>
            %ne3A_237 = vector.broadcast %ne3A_236 : vector<16xi1> to vector<16xi1>
            %ne3A_238 = arith.xori %lt3A_233, %ne3A_237 : vector<16xi1>
            %and3A_239 = arith.andi %ne3A_238, %ne3A_230 : vector<16xi1>
            %add3A_240 = vector.broadcast %select_n3A_225 : i32 to vector<16xi32>
            %add3A_241 = arith.addi %rem3A_227, %add3A_240 : vector<16xi32>
            %select_n3A_242 = arith.select %and3A_239, %add3A_241, %rem3A_227 : vector<16xi1>, vector<16xi32>
            scf.yield %select_n3A_242 : vector<16xi32>
          }
        }
        %while3A_150 = arith.constant 1 : i32
        scf.for %while3A_177 = %while3A_148 to %while3A_144 step %while3A_150  : i32 {
          %mul3A_178 = arith.constant 16 : i32
          %mul3A_179 = arith.muli %while3A_177, %mul3A_178 : i32
          %mul3A_180 = arith.constant 128 : i32
          %mul3A_181 = arith.muli %add3A_138, %mul3A_180 : i32
          %add3A_182 = arith.addi %mul3A_181, %mul3A_179 : i32
          %get3A = arith.index_cast %add3A_182 : i32 to index
          %get3A_183 = tpu.vector_load %arg5[%get3A] {strides = array<i32>} : memref<3328xi32, #tpu.memory_space<vmem>>, vector<16xi32>,
          %jit3A = arith.constant 1000000 : i64
          %convert_element_type3A_184 = arith.trunci %jit3A : i64 to i32
          %eq3A = arith.constant 0 : i32
          %eq3A_185 = arith.cmpi eq, %convert_element_type3A_184, %eq3A : i32
          %jit3A_186 = arith.constant 1 : i32
          %select_n3A = arith.select %eq3A_185, %jit3A_186, %convert_element_type3A_184 : i32
          %rem3A = vector.broadcast %select_n3A : i32 to vector<16xi32>
          %rem3A_187 = arith.remsi %get3A_183, %rem3A : vector<16xi32>
          %ne3A = arith.constant 0 : i32
          %ne3A_188 = vector.broadcast %ne3A : i32 to vector<16xi32>
          %ne3A_189 = arith.cmpi ne, %rem3A_187, %ne3A_188 : vector<16xi32>
          %lt3A_190 = arith.constant 0 : i32
          %lt3A_191 = vector.broadcast %lt3A_190 : i32 to vector<16xi32>
          %lt3A_192 = arith.cmpi slt, %rem3A_187, %lt3A_191 : vector<16xi32>
          %lt3A_193 = arith.constant 0 : i32
          %lt3A_194 = arith.cmpi slt, %select_n3A, %lt3A_193 : i32
          %ne3A_195 = vector.broadcast %lt3A_194 : i1 to vector<16xi1>
          %ne3A_196 = vector.broadcast %ne3A_195 : vector<16xi1> to vector<16xi1>
          %ne3A_197 = arith.xori %lt3A_192, %ne3A_196 : vector<16xi1>
          %and3A = arith.andi %ne3A_197, %ne3A_189 : vector<16xi1>
          %add3A_198 = vector.broadcast %select_n3A : i32 to vector<16xi32>
          %add3A_199 = arith.addi %rem3A_187, %add3A_198 : vector<16xi32>
          %select_n3A_200 = arith.select %and3A, %add3A_199, %rem3A_187 : vector<16xi1>, vector<16xi32>
          %while3A_201 = arith.constant 0 : i32
          %while3A_202 = arith.constant 8 : i32
          %while3A_203 = arith.subi %while3A_202, %while3A_201 : i32
          %while3A_204 = arith.addi %while3A_201, %while3A_203 : i32
          %while3A_205 = arith.constant 1 : i32
          %while3A_206 = arith.divsi %while3A_203, %while3A_205 : i32
          %while3A_207 = arith.muli %while3A_206, %while3A_205 : i32
          %while3A_208 = arith.addi %while3A_201, %while3A_207 : i32
          %while3A_209 = arith.constant 1 : i32
          %while3A_210 = scf.for %while3A_213 = %while3A_201 to %while3A_208 step %while3A_209 iter_args(%while3A_214 = %select_n3A_200) -> (vector<16xi32>)  : i32 {
            %swap3A = arith.index_cast %while3A_140 : i32 to index
            %swap3A_215 = arith.index_cast %while3A_213 : i32 to index
            %swap3A_216 = arith.index_cast %mul3A_179 : i32 to index
            %swap3A_217 = tpu.vector_load %arg6[%swap3A, %swap3A_215, %swap3A_216] {strides = array<i32>} : memref<2x8x128xi32, #tpu.memory_space<vmem>>, vector<16xi32>,
            tpu.vector_store %arg6[%swap3A, %swap3A_215, %swap3A_216], %while3A_214 {strides = array<i32>} : memref<2x8x128xi32, #tpu.memory_space<vmem>>, vector<16xi32>,
            %shift_left3A = arith.constant 1 : i32
            %shift_left3A_218 = vector.broadcast %shift_left3A : i32 to vector<16xi32>
            %shift_left3A_219 = arith.shli %while3A_214, %shift_left3A_218 : vector<16xi32>
            %jit3A_220 = arith.constant 1000000 : i64
            %convert_element_type3A_221 = arith.trunci %jit3A_220 : i64 to i32
            %eq3A_222 = arith.constant 0 : i32
            %eq3A_223 = arith.cmpi eq, %convert_element_type3A_221, %eq3A_222 : i32
            %jit3A_224 = arith.constant 1 : i32
            %select_n3A_225 = arith.select %eq3A_223, %jit3A_224, %convert_element_type3A_221 : i32
            %rem3A_226 = vector.broadcast %select_n3A_225 : i32 to vector<16xi32>
            %rem3A_227 = arith.remsi %shift_left3A_219, %rem3A_226 : vector<16xi32>
            %ne3A_228 = arith.constant 0 : i32
            %ne3A_229 = vector.broadcast %ne3A_228 : i32 to vector<16xi32>
            %ne3A_230 = arith.cmpi ne, %rem3A_227, %ne3A_229 : vector<16xi32>
            %lt3A_231 = arith.constant 0 : i32
            %lt3A_232 = vector.broadcast %lt3A_231 : i32 to vector<16xi32>
            %lt3A_233 = arith.cmpi slt, %rem3A_227, %lt3A_232 : vector<16xi32>
            %lt3A_234 = arith.constant 0 : i32
            %lt3A_235 = arith.cmpi slt, %select_n3A_225, %lt3A_234 : i32
            %ne3A_236 = vector.broadcast %lt3A_235 : i1 to vector<16xi1>
            %ne3A_237 = vector.broadcast %ne3A_236 : vector<16xi1> to vector<16xi1>
            %ne3A_238 = arith.xori %lt3A_233, %ne3A_237 : vector<16xi1>
            %and3A_239 = arith.andi %ne3A_238, %ne3A_230 : vector<16xi1>
            %add3A_240 = vector.broadcast %select_n3A_225 : i32 to vector<16xi32>
            %add3A_241 = arith.addi %rem3A_227, %add3A_240 : vector<16xi32>
            %select_n3A_242 = arith.select %and3A_239, %add3A_241, %rem3A_227 : vector<16xi1>, vector<16xi32>
            scf.yield %select_n3A_242 : vector<16xi32>
          }
          %while3A_211 = arith.constant 1 : i32
          %while3A_212 = scf.for %while3A_213 = %while3A_208 to %while3A_204 step %while3A_211 iter_args(%while3A_214 = %while3A_210) -> (vector<16xi32>)  : i32 {
            %swap3A = arith.index_cast %while3A_140 : i32 to index
            %swap3A_215 = arith.index_cast %while3A_213 : i32 to index
            %swap3A_216 = arith.index_cast %mul3A_179 : i32 to index
            %swap3A_217 = tpu.vector_load %arg6[%swap3A, %swap3A_215, %swap3A_216] {strides = array<i32>} : memref<2x8x128xi32, #tpu.memory_space<vmem>>, vector<16xi32>,
            tpu.vector_store %arg6[%swap3A, %swap3A_215, %swap3A_216], %while3A_214 {strides = array<i32>} : memref<2x8x128xi32, #tpu.memory_space<vmem>>, vector<16xi32>,
            %shift_left3A = arith.constant 1 : i32
            %shift_left3A_218 = vector.broadcast %shift_left3A : i32 to vector<16xi32>
            %shift_left3A_219 = arith.shli %while3A_214, %shift_left3A_218 : vector<16xi32>
            %jit3A_220 = arith.constant 1000000 : i64
            %convert_element_type3A_221 = arith.trunci %jit3A_220 : i64 to i32
            %eq3A_222 = arith.constant 0 : i32
            %eq3A_223 = arith.cmpi eq, %convert_element_type3A_221, %eq3A_222 : i32
            %jit3A_224 = arith.constant 1 : i32
            %select_n3A_225 = arith.select %eq3A_223, %jit3A_224, %convert_element_type3A_221 : i32
            %rem3A_226 = vector.broadcast %select_n3A_225 : i32 to vector<16xi32>
            %rem3A_227 = arith.remsi %shift_left3A_219, %rem3A_226 : vector<16xi32>
            %ne3A_228 = arith.constant 0 : i32
            %ne3A_229 = vector.broadcast %ne3A_228 : i32 to vector<16xi32>
            %ne3A_230 = arith.cmpi ne, %rem3A_227, %ne3A_229 : vector<16xi32>
            %lt3A_231 = arith.constant 0 : i32
            %lt3A_232 = vector.broadcast %lt3A_231 : i32 to vector<16xi32>
            %lt3A_233 = arith.cmpi slt, %rem3A_227, %lt3A_232 : vector<16xi32>
            %lt3A_234 = arith.constant 0 : i32
            %lt3A_235 = arith.cmpi slt, %select_n3A_225, %lt3A_234 : i32
            %ne3A_236 = vector.broadcast %lt3A_235 : i1 to vector<16xi1>
            %ne3A_237 = vector.broadcast %ne3A_236 : vector<16xi1> to vector<16xi1>
            %ne3A_238 = arith.xori %lt3A_233, %ne3A_237 : vector<16xi1>
            %and3A_239 = arith.andi %ne3A_238, %ne3A_230 : vector<16xi1>
            %add3A_240 = vector.broadcast %select_n3A_225 : i32 to vector<16xi32>
            %add3A_241 = arith.addi %rem3A_227, %add3A_240 : vector<16xi32>
            %select_n3A_242 = arith.select %and3A_239, %add3A_241, %rem3A_227 : vector<16xi1>, vector<16xi32>
            scf.yield %select_n3A_242 : vector<16xi32>
          }
        }
        %broadcast_in_dim3A_151 = arith.constant 0.000000e+00 : f32
        %broadcast_in_dim3A_152 = vector.broadcast %broadcast_in_dim3A_151 : f32 to vector<16xf32>
        %while3A_153 = arith.constant 0 : i64
        %while3A_154 = arith.constant 1 : i32
        %while3A_155 = arith.constant 0 : i32
        %while3A_156 = arith.constant 128 : i32
        %while3A_157 = arith.subi %while3A_156, %while3A_155 : i32
        %while3A_158 = arith.addi %while3A_155, %while3A_157 : i32
        %while3A_159 = arith.constant 1 : i32
        %while3A_160 = arith.divsi %while3A_157, %while3A_159 : i32
        %while3A_161 = arith.muli %while3A_160, %while3A_159 : i32
        %while3A_162 = arith.addi %while3A_155, %while3A_161 : i32
        %while3A_163 = arith.constant 1 : i32
        scf.for %while3A_177 = %while3A_155 to %while3A_162 step %while3A_163  : i32 {
          %swap3A = arith.index_cast %while3A_154 : i32 to index
          %swap3A_178 = arith.index_cast %while3A_177 : i32 to index
          %swap3A_179 = arith.constant 0 : index
          %swap3A_180 = tpu.vector_load %arg7[%swap3A, %swap3A_178, %swap3A_179] {strides = array<i32>} : memref<2x128x32xf32, #tpu.memory_space<vmem>>, vector<16xf32>,
          tpu.vector_store %arg7[%swap3A, %swap3A_178, %swap3A_179], %broadcast_in_dim3A_152 {strides = array<i32>} : memref<2x128x32xf32, #tpu.memory_space<vmem>>, vector<16xf32>,
          %swap3A_181 = arith.index_cast %while3A_154 : i32 to index
          %swap3A_182 = arith.index_cast %while3A_177 : i32 to index
          %swap3A_183 = arith.constant 16 : index
          %swap3A_184 = tpu.vector_load %arg7[%swap3A_181, %swap3A_182, %swap3A_183] {strides = array<i32>} : memref<2x128x32xf32, #tpu.memory_space<vmem>>, vector<16xf32>,
          tpu.vector_store %arg7[%swap3A_181, %swap3A_182, %swap3A_183], %broadcast_in_dim3A_152 {strides = array<i32>} : memref<2x128x32xf32, #tpu.memory_space<vmem>>, vector<16xf32>,
        }
        %while3A_164 = arith.constant 1 : i32
        scf.for %while3A_177 = %while3A_162 to %while3A_158 step %while3A_164  : i32 {
          %swap3A = arith.index_cast %while3A_154 : i32 to index
          %swap3A_178 = arith.index_cast %while3A_177 : i32 to index
          %swap3A_179 = arith.constant 0 : index
          %swap3A_180 = tpu.vector_load %arg7[%swap3A, %swap3A_178, %swap3A_179] {strides = array<i32>} : memref<2x128x32xf32, #tpu.memory_space<vmem>>, vector<16xf32>,
          tpu.vector_store %arg7[%swap3A, %swap3A_178, %swap3A_179], %broadcast_in_dim3A_152 {strides = array<i32>} : memref<2x128x32xf32, #tpu.memory_space<vmem>>, vector<16xf32>,
          %swap3A_181 = arith.index_cast %while3A_154 : i32 to index
          %swap3A_182 = arith.index_cast %while3A_177 : i32 to index
          %swap3A_183 = arith.constant 16 : index
          %swap3A_184 = tpu.vector_load %arg7[%swap3A_181, %swap3A_182, %swap3A_183] {strides = array<i32>} : memref<2x128x32xf32, #tpu.memory_space<vmem>>, vector<16xf32>,
          tpu.vector_store %arg7[%swap3A_181, %swap3A_182, %swap3A_183], %broadcast_in_dim3A_152 {strides = array<i32>} : memref<2x128x32xf32, #tpu.memory_space<vmem>>, vector<16xf32>,
        }
        %while3A_165 = arith.constant 0 : i64
        %while3A_166 = arith.constant 1 : i32
        %while3A_167 = arith.constant 0 : i32
        %while3A_168 = arith.constant 8 : i32
        %while3A_169 = arith.subi %while3A_168, %while3A_167 : i32
        %while3A_170 = arith.addi %while3A_167, %while3A_169 : i32
        %while3A_171 = arith.constant 1 : i32
        %while3A_172 = arith.divsi %while3A_169, %while3A_171 : i32
        %while3A_173 = arith.muli %while3A_172, %while3A_171 : i32
        %while3A_174 = arith.addi %while3A_167, %while3A_173 : i32
        %while3A_175 = arith.constant 1 : i32
        scf.for %while3A_177 = %while3A_167 to %while3A_174 step %while3A_175  : i32 {
          %dma_start3A = arith.constant 0 : i32
          %dma_start3A_178 = arith.constant 0 : i32
          %dma_start3A_179 = tpu.memref_slice %arg7[%while3A_166, %dma_start3A, %dma_start3A_178] : memref<2x128x32xf32, #tpu.memory_space<vmem>> -> memref<1x128x32xf32, #tpu.memory_space<vmem>>
          %dma_start3A_180 = tpu.memref_squeeze %dma_start3A_179 : memref<1x128x32xf32, #tpu.memory_space<vmem>> -> memref<128x32xf32, #tpu.memory_space<vmem>>
          %dma_start3A_181 = arith.constant 0 : i32
          %dma_start3A_182 = tpu.memref_slice %arg6[%while3A_166, %while3A_177, %dma_start3A_181] : memref<2x8x128xi32, #tpu.memory_space<vmem>> -> memref<1x1x128xi32, #tpu.memory_space<vmem>>
          %dma_start3A_183 = tpu.memref_squeeze %dma_start3A_182 : memref<1x1x128xi32, #tpu.memory_space<vmem>> -> memref<128xi32, #tpu.memory_space<vmem>>
          %dma_start3A_184 = arith.constant 0 : i32
          %dma_start3A_185 = arith.constant 0 : i32
          %dma_start3A_186 = tpu.memref_slice %arg3[%dma_start3A_184, %dma_start3A_185] : memref<1000000x32xf32, #tpu.memory_space<hbm>> -> memref<1000000x32xf32, #tpu.memory_space<hbm>>
          tpu.enqueue_indirect_dma source(%dma_start3A_186 : memref<1000000x32xf32, #tpu.memory_space<hbm>>) target(%dma_start3A_180 : memref<128x32xf32, #tpu.memory_space<vmem>>) offsets(%dma_start3A_183 : memref<128xi32, #tpu.memory_space<vmem>>) semaphore(%arg9 : memref<!tpu.dma_semaphore, #tpu.memory_space<semaphore_mem>>) {add = true}
        }
        %while3A_176 = arith.constant 1 : i32
        scf.for %while3A_177 = %while3A_174 to %while3A_170 step %while3A_176  : i32 {
          %dma_start3A = arith.constant 0 : i32
          %dma_start3A_178 = arith.constant 0 : i32
          %dma_start3A_179 = tpu.memref_slice %arg7[%while3A_166, %dma_start3A, %dma_start3A_178] : memref<2x128x32xf32, #tpu.memory_space<vmem>> -> memref<1x128x32xf32, #tpu.memory_space<vmem>>
          %dma_start3A_180 = tpu.memref_squeeze %dma_start3A_179 : memref<1x128x32xf32, #tpu.memory_space<vmem>> -> memref<128x32xf32, #tpu.memory_space<vmem>>
          %dma_start3A_181 = arith.constant 0 : i32
          %dma_start3A_182 = tpu.memref_slice %arg6[%while3A_166, %while3A_177, %dma_start3A_181] : memref<2x8x128xi32, #tpu.memory_space<vmem>> -> memref<1x1x128xi32, #tpu.memory_space<vmem>>
          %dma_start3A_183 = tpu.memref_squeeze %dma_start3A_182 : memref<1x1x128xi32, #tpu.memory_space<vmem>> -> memref<128xi32, #tpu.memory_space<vmem>>
          %dma_start3A_184 = arith.constant 0 : i32
          %dma_start3A_185 = arith.constant 0 : i32
          %dma_start3A_186 = tpu.memref_slice %arg3[%dma_start3A_184, %dma_start3A_185] : memref<1000000x32xf32, #tpu.memory_space<hbm>> -> memref<1000000x32xf32, #tpu.memory_space<hbm>>
          tpu.enqueue_indirect_dma source(%dma_start3A_186 : memref<1000000x32xf32, #tpu.memory_space<hbm>>) target(%dma_start3A_180 : memref<128x32xf32, #tpu.memory_space<vmem>>) offsets(%dma_start3A_183 : memref<128xi32, #tpu.memory_space<vmem>>) semaphore(%arg9 : memref<!tpu.dma_semaphore, #tpu.memory_space<semaphore_mem>>) {add = true}
        }
      } else {
      }
    }
    return
  }
}

module attributes {stable_mosaic.version = 14 : i64} {
  func.func @_transpose_body(%arg0: i32, %arg1: memref<32x16384xf32, #tpu.memory_space<vmem>>, %arg2: memref<4096x128xf32, #tpu.memory_space<vmem>>, %arg3: memref<16384x32xf32, #tpu.memory_space<vmem>>) attributes {dimension_semantics = [#tpu.dimension_semantics<arbitrary>], iteration_bounds = array<i64: 62>, scalar_prefetch = 0 : i64, scratch_operands = 1 : i64, tpu.core_type = #tpu.core_type<tc>, window_params = [{transform_indices = @transform_0, window_bounds = array<i64: 32, 16384>}, {transform_indices = @transform_1, window_bounds = array<i64: 4096, 128>}]} {
    %get3A = arith.constant 0 : index
    %get3A_0 = arith.constant 0 : index
    %get3A_1 = vector.load %arg1[%get3A, %get3A_0] : memref<32x16384xf32, #tpu.memory_space<vmem>>, vector<32x16384xf32>
    %transpose3A = tpu.transpose %get3A_1, [1, 0] : vector<32x16384xf32> -> vector<16384x32xf32>
    %swap3A = arith.constant 0 : index
    %swap3A_2 = arith.constant 0 : index
    %swap3A_3 = vector.load %arg3[%swap3A, %swap3A_2] : memref<16384x32xf32, #tpu.memory_space<vmem>>, vector<16384x32xf32>
    tpu.vector_store %arg3[%swap3A, %swap3A_2], %transpose3A {strides = array<i32>} : memref<16384x32xf32, #tpu.memory_space<vmem>>, vector<16384x32xf32>,
    %get3A_4 = arith.constant 0 : index
    %get3A_5 = arith.constant 0 : index
    %get3A_6 = tpu.strided_load %arg3[%get3A_4, %get3A_5] {strides = array<i32: 4, 1>} : memref<16384x32xf32, #tpu.memory_space<vmem>>, vector<4096x32xf32>
    %swap3A_7 = arith.constant 0 : index
    %swap3A_8 = arith.constant 0 : index
    %swap3A_9 = vector.load %arg2[%swap3A_7, %swap3A_8] : memref<4096x128xf32, #tpu.memory_space<vmem>>, vector<4096x32xf32>
    tpu.vector_store %arg2[%swap3A_7, %swap3A_8], %get3A_6 {strides = array<i32>} : memref<4096x128xf32, #tpu.memory_space<vmem>>, vector<4096x32xf32>,
    %get3A_10 = arith.constant 1 : index
    %get3A_11 = arith.constant 0 : index
    %get3A_12 = tpu.strided_load %arg3[%get3A_10, %get3A_11] {strides = array<i32: 4, 1>} : memref<16384x32xf32, #tpu.memory_space<vmem>>, vector<4096x32xf32>
    %swap3A_13 = arith.constant 0 : index
    %swap3A_14 = arith.constant 32 : index
    %swap3A_15 = vector.load %arg2[%swap3A_13, %swap3A_14] : memref<4096x128xf32, #tpu.memory_space<vmem>>, vector<4096x32xf32>
    tpu.vector_store %arg2[%swap3A_13, %swap3A_14], %get3A_12 {strides = array<i32>} : memref<4096x128xf32, #tpu.memory_space<vmem>>, vector<4096x32xf32>,
    %get3A_16 = arith.constant 2 : index
    %get3A_17 = arith.constant 0 : index
    %get3A_18 = tpu.strided_load %arg3[%get3A_16, %get3A_17] {strides = array<i32: 4, 1>} : memref<16384x32xf32, #tpu.memory_space<vmem>>, vector<4096x32xf32>
    %swap3A_19 = arith.constant 0 : index
    %swap3A_20 = arith.constant 64 : index
    %swap3A_21 = vector.load %arg2[%swap3A_19, %swap3A_20] : memref<4096x128xf32, #tpu.memory_space<vmem>>, vector<4096x32xf32>
    tpu.vector_store %arg2[%swap3A_19, %swap3A_20], %get3A_18 {strides = array<i32>} : memref<4096x128xf32, #tpu.memory_space<vmem>>, vector<4096x32xf32>,
    %get3A_22 = arith.constant 3 : index
    %get3A_23 = arith.constant 0 : index
    %get3A_24 = tpu.strided_load %arg3[%get3A_22, %get3A_23] {strides = array<i32: 4, 1>} : memref<16384x32xf32, #tpu.memory_space<vmem>>, vector<4096x32xf32>
    %swap3A_25 = arith.constant 0 : index
    %swap3A_26 = arith.constant 96 : index
    %swap3A_27 = vector.load %arg2[%swap3A_25, %swap3A_26] : memref<4096x128xf32, #tpu.memory_space<vmem>>, vector<4096x32xf32>
    tpu.vector_store %arg2[%swap3A_25, %swap3A_26], %get3A_24 {strides = array<i32>} : memref<4096x128xf32, #tpu.memory_space<vmem>>, vector<4096x32xf32>,
    return
  }
  func.func @transform_0(%arg0: i32) -> (i32, i32) {
    %c0_i32 = arith.constant 0 : i32
    %c0_i32_0 = arith.constant 0 : i32
    return %c0_i32, %arg0 : i32, i32
  }
  func.func @transform_1(%arg0: i32) -> (i32, i32) {
    %c0_i32 = arith.constant 0 : i32
    %c0_i32_0 = arith.constant 0 : i32
    return %arg0, %c0_i32 : i32, i32
  }
}

module attributes {stable_mosaic.version = 14 : i64} {
  func.func @_norm_body(%arg0: i32, %arg1: memref<2048x128xf32, #tpu.memory_space<vmem>>, %arg2: memref<2048x128xf32, #tpu.memory_space<vmem>>) attributes {dimension_semantics = [#tpu.dimension_semantics<arbitrary>], iteration_bounds = array<i64: 13>, scalar_prefetch = 0 : i64, scratch_operands = 0 : i64, tpu.core_type = #tpu.core_type<tc>, window_params = [{transform_indices = @transform_0, window_bounds = array<i64: 2048, 128>}, {transform_indices = @transform_1, window_bounds = array<i64: 2048, 128>}]} {
    %get3A = arith.constant 0 : index
    %get3A_0 = arith.constant 0 : index
    %get3A_1 = vector.load %arg1[%get3A, %get3A_0] : memref<2048x128xf32, #tpu.memory_space<vmem>>, vector<2048x128xf32>
    %iota3A = tpu.iota {dimensions = array<i32: 0>} : vector<128x128xi32>
    %jit3A = arith.constant 32 : i64
    %convert_element_type3A = arith.trunci %jit3A : i64 to i32
    %div3A = vector.broadcast %convert_element_type3A : i32 to vector<128x128xi32>
    %div3A_2 = arith.divsi %iota3A, %div3A : vector<128x128xi32>
    %sign3A = arith.constant 0 : i32
    %sign3A_3 = vector.broadcast %sign3A : i32 to vector<128x128xi32>
    %sign3A_4 = arith.cmpi sgt, %iota3A, %sign3A_3 : vector<128x128xi32>
    %sign3A_5 = arith.extui %sign3A_4 : vector<128x128xi1> to vector<128x128xi32>
    %sign3A_6 = arith.constant 0 : i32
    %sign3A_7 = vector.broadcast %sign3A_6 : i32 to vector<128x128xi32>
    %sign3A_8 = arith.cmpi slt, %iota3A, %sign3A_7 : vector<128x128xi32>
    %sign3A_9 = arith.extui %sign3A_8 : vector<128x128xi1> to vector<128x128xi32>
    %sign3A_10 = arith.subi %sign3A_5, %sign3A_9 : vector<128x128xi32>
    %sign3A_11 = arith.constant 0 : i32
    %sign3A_12 = arith.cmpi sgt, %convert_element_type3A, %sign3A_11 : i32
    %sign3A_13 = arith.extui %sign3A_12 : i1 to i32
    %sign3A_14 = arith.constant 0 : i32
    %sign3A_15 = arith.cmpi slt, %convert_element_type3A, %sign3A_14 : i32
    %sign3A_16 = arith.extui %sign3A_15 : i1 to i32
    %sign3A_17 = arith.subi %sign3A_13, %sign3A_16 : i32
    %ne3A = vector.broadcast %sign3A_17 : i32 to vector<128x128xi32>
    %ne3A_18 = arith.cmpi ne, %sign3A_10, %ne3A : vector<128x128xi32>
    %rem3A = vector.broadcast %convert_element_type3A : i32 to vector<128x128xi32>
    %rem3A_19 = arith.remsi %iota3A, %rem3A : vector<128x128xi32>
    %ne3A_20 = arith.constant 0 : i32
    %ne3A_21 = vector.broadcast %ne3A_20 : i32 to vector<128x128xi32>
    %ne3A_22 = arith.cmpi ne, %rem3A_19, %ne3A_21 : vector<128x128xi32>
    %and3A = arith.andi %ne3A_18, %ne3A_22 : vector<128x128xi1>
    %sub3A = arith.constant 1 : i32
    %sub3A_23 = vector.broadcast %sub3A : i32 to vector<128x128xi32>
    %sub3A_24 = arith.subi %div3A_2, %sub3A_23 : vector<128x128xi32>
    %select_n3A = arith.select %and3A, %sub3A_24, %div3A_2 : vector<128x128xi1>, vector<128x128xi32>
    %iota3A_25 = tpu.iota {dimensions = array<i32: 1>} : vector<128x128xi32>
    %jit3A_26 = arith.constant 32 : i64
    %convert_element_type3A_27 = arith.trunci %jit3A_26 : i64 to i32
    %div3A_28 = vector.broadcast %convert_element_type3A_27 : i32 to vector<128x128xi32>
    %div3A_29 = arith.divsi %iota3A_25, %div3A_28 : vector<128x128xi32>
    %sign3A_30 = arith.constant 0 : i32
    %sign3A_31 = vector.broadcast %sign3A_30 : i32 to vector<128x128xi32>
    %sign3A_32 = arith.cmpi sgt, %iota3A_25, %sign3A_31 : vector<128x128xi32>
    %sign3A_33 = arith.extui %sign3A_32 : vector<128x128xi1> to vector<128x128xi32>
    %sign3A_34 = arith.constant 0 : i32
    %sign3A_35 = vector.broadcast %sign3A_34 : i32 to vector<128x128xi32>
    %sign3A_36 = arith.cmpi slt, %iota3A_25, %sign3A_35 : vector<128x128xi32>
    %sign3A_37 = arith.extui %sign3A_36 : vector<128x128xi1> to vector<128x128xi32>
    %sign3A_38 = arith.subi %sign3A_33, %sign3A_37 : vector<128x128xi32>
    %sign3A_39 = arith.constant 0 : i32
    %sign3A_40 = arith.cmpi sgt, %convert_element_type3A_27, %sign3A_39 : i32
    %sign3A_41 = arith.extui %sign3A_40 : i1 to i32
    %sign3A_42 = arith.constant 0 : i32
    %sign3A_43 = arith.cmpi slt, %convert_element_type3A_27, %sign3A_42 : i32
    %sign3A_44 = arith.extui %sign3A_43 : i1 to i32
    %sign3A_45 = arith.subi %sign3A_41, %sign3A_44 : i32
    %ne3A_46 = vector.broadcast %sign3A_45 : i32 to vector<128x128xi32>
    %ne3A_47 = arith.cmpi ne, %sign3A_38, %ne3A_46 : vector<128x128xi32>
    %rem3A_48 = vector.broadcast %convert_element_type3A_27 : i32 to vector<128x128xi32>
    %rem3A_49 = arith.remsi %iota3A_25, %rem3A_48 : vector<128x128xi32>
    %ne3A_50 = arith.constant 0 : i32
    %ne3A_51 = vector.broadcast %ne3A_50 : i32 to vector<128x128xi32>
    %ne3A_52 = arith.cmpi ne, %rem3A_49, %ne3A_51 : vector<128x128xi32>
    %and3A_53 = arith.andi %ne3A_47, %ne3A_52 : vector<128x128xi1>
    %sub3A_54 = arith.constant 1 : i32
    %sub3A_55 = vector.broadcast %sub3A_54 : i32 to vector<128x128xi32>
    %sub3A_56 = arith.subi %div3A_29, %sub3A_55 : vector<128x128xi32>
    %select_n3A_57 = arith.select %and3A_53, %sub3A_56, %div3A_29 : vector<128x128xi1>, vector<128x128xi32>
    %eq3A = arith.cmpi eq, %select_n3A, %select_n3A_57 : vector<128x128xi32>
    %convert_element_type3A_58 = arith.extui %eq3A : vector<128x128xi1> to vector<128x128xi32>
    %convert_element_type3A_59 = arith.sitofp %convert_element_type3A_58 : vector<128x128xi32> to vector<128x128xf32>
    %mul3A = arith.mulf %get3A_1, %get3A_1 : vector<2048x128xf32>
    %dot_general3A = arith.constant dense<0.000000e+00> : vector<2048x128xf32>
    %dot_general3A_60 = tpu.matmul %mul3A, %convert_element_type3A_59, %dot_general3A {dimension_numbers = #tpu.dot_dimension_numbers<[1], [0], [0], [1], [0, 0, 1, 1], [], []>, precision = #tpu.contract_precision<fp32>, transpose_lhs_hint = false} : vector<2048x128xf32>, vector<128x128xf32>, vector<2048x128xf32> -> vector<2048x128xf32>
    %sqrt3A = math.sqrt %dot_general3A_60 : vector<2048x128xf32>
    %max3A = arith.constant 9.99999996E-13 : f32
    %max3A_61 = vector.broadcast %max3A : f32 to vector<2048x128xf32>
    %max3A_62 = arith.maximumf %sqrt3A, %max3A_61 : vector<2048x128xf32>
    %div3A_63 = arith.divf %get3A_1, %max3A_62 : vector<2048x128xf32>
    %swap3A = arith.constant 0 : index
    %swap3A_64 = arith.constant 0 : index
    %swap3A_65 = vector.load %arg2[%swap3A, %swap3A_64] : memref<2048x128xf32, #tpu.memory_space<vmem>>, vector<2048x128xf32>
    tpu.vector_store %arg2[%swap3A, %swap3A_64], %div3A_63 {strides = array<i32>} : memref<2048x128xf32, #tpu.memory_space<vmem>>, vector<2048x128xf32>,
    return
  }
  func.func @transform_0(%arg0: i32) -> (i32, i32) {
    %c0_i32 = arith.constant 0 : i32
    %c0_i32_0 = arith.constant 0 : i32
    return %arg0, %c0_i32 : i32, i32
  }
  func.func @transform_1(%arg0: i32) -> (i32, i32) {
    %c0_i32 = arith.constant 0 : i32
    %c0_i32_0 = arith.constant 0 : i32
    return %arg0, %c0_i32 : i32, i32
  }
}

</mosaic_0001>

<sc_bundles>
// kernel: kernel.5.cloned.1.call-start
scs
__scs_entry_jumppad:
0x0: {  	(pc) =	sbr.rel $0x88, $3  }
0x1: {  	(tag) =	ssettag $0x0;
	lr =	simm.s32 $0x1  }
0x2: {  	[smem:$0x3F9F] =	sst lr;
	_ =	strace $0xD0000000  }
0x3: {  	_ = 	snop  }
0x4: {  	_ = 	snop  }
0x5: {  	_ = 	snop  }
0x6: {  	_ = 	snop  }
0x7: {  	_ = 	snop  }
__scs_overlays_trampoline_lowered:
0x8: {  	[smem:$0x3FAE] =	sst s0  }
0x9: {  	[smem:$0x3FAF] =	sst s1  }
0xa: {  	[smem:$0x3FB0] =	sst s2  }
0xb: {  	[smem:$0x3FB1] =	sst s3  }
0xc: {  	[smem:$0x3FB2] =	sst s4  }
0xd: {  	[smem:$0x3FB3] =	sst s5  }
0xe: {  	[smem:$0x3FB4] =	sst s6  }
0xf: {  	[smem:$0x3FB5] =	sst s7  }
0x10: {  	[smem:$0x3FB6] =	sst s8  }
0x11: {  	[smem:$0x3FB7] =	sst s9;
	s0 =	simm.s32 @!p0 $0x0  }
0x12: {  	s1 =	sld [smem:$0x3F9D];
	s0 =	simm.s32 @p0 $0x1  }
0x13: {  	[smem:$0x3FB8] =	sst s0;
	s0 =	simm.s32 @!p1 $0x0  }
0x14: {  	s2 =	sld [smem:$0x3F9C];
	s0 =	simm.s32 @p1 $0x1  }
0x15: {  	[smem:$0x3FB9] =	sst s0;
	s0 =	simm.s32 @!p2 $0x0  }
0x16: {  	s3 =	sld [smem:$0x3FDB];
	s0 =	simm.s32 @p2 $0x1  }
0x17: {  	s4 =	simm.s32 $0x1BF5;
	[smem:$0x3FBB] =	sst s0  }
0x18: {  	s0 =	sld [smem:$0x3F9E];
	_ =	swait.ge [sflag:s4], $0x0  }
0x19: {  	s7 =	sld [smem:$0x3F9F]  }
0x1a: {  	s8 =	sadd.s32 $0xFFFFE003, lr  }
0x1b: {  	s9 =	sadd.s32 $0xFFFFFEF7, lr;
	s5 =	simm.s32 $0xFFFFFFFF;
	p2 =	slt.u32 s8, $0xFFFFF086  }
0x1c: {  	p1 =	slt.u32 s9, $0xF7A;
	s5 =	simm.s32 @!p2 $0x0  }
0x1d: {  	s5 =	simm.s32 @p1 $0x1;
	p0 =	seq.s32 s7, s2  }
0x1e: {  	s7 =	smul.u32 @!p0 $0xF7A, s2;
	p2 =	seq.s32 @!p0 s5, $0x0  }
0x1f: {  	s9 =	smul.u32 $0xF7A, s1;
	s8 =	simm.s32 @!p0 $0x1BF5;
	p2 =	por !p2, p0  }
0x20: {  	[sflag:s8] =	ssyncset.s32 @!p0 $0xFFFFF086;
	s6 =	sadd.s32 @!p0 s3, s7;
	s7 =	simm.s32 @!p0 $0x108  }
0x21: {  	s3 =	sadd.s32 s3, s9;
	s6 =	sadd.s32 @!p0 $0x88, s6;
	s7 =	simm.s32 @p2 $0x1082  }
0x22: {  	[simem:s7], [sflag:s8] =	dma.local @!p0 [hbm:s6], $0xF7A  }
0x23: {  	s9 =	sor.u32 $0xD0000000, s2;
	s6 =	simm.s32 $0x108;
	_ =	swait.ge @!p0 [sflag:s8], $0x0  }
0x24: {  	s3 =	sadd.s32 $0x88, s3;
	s6 =	simm.s32 @!p1 $0x1082;
	[sflag:s4] =	ssyncset.s32 $0xFFFFF086  }
0x25: {  	[simem:s6], [sflag:s4] =	dma.local [hbm:s3], $0xF7A  }
0x26: {  	[smem:$0x3F9F] =	sst s1;
	(tag) =	ssettag s2;
	_ =	strace s9  }
0x27: {  	s1 =	sld [smem:$0x3FAF]  }
0x28: {  	s2 =	sld [smem:$0x3FB0]  }
0x29: {  	s4 =	sld [smem:$0x3FB2]  }
0x2a: {  	p0 =	seq.s32 s5, $0x0;
	s5 =	sld [smem:$0x3FB3]  }
0x2b: {  	s6 =	sld [smem:$0x3FB4]  }
0x2c: {  	s7 =	sld [smem:$0x3FB5]  }
0x2d: {  	s3 =	simm.s32 $0x108;
	s8 =	sld [smem:$0x3FB6]  }
0x2e: {  	s3 =	simm.s32 @!p0 $0x1082;
	s9 =	sld [smem:$0x3FB7]  }
0x2f: {  	lr =	sadd.s32 s0, s3;
	s0 =	sld [smem:$0x3FAE]  }
0x30: {  	s3 =	sld [smem:$0x3FB1]  }
0x31: {  	[smem:$0x3FBA] =	sst s10  }
0x32: {  	s10 =	sld [smem:$0x3FB8];
	_ =	sdelay $0x3  }
0x33: {  	p0 =	seq.s32 s10, $0x1;
	s10 =	sld [smem:$0x3FBA];
	_ =	sdelay $0x3  }
0x34: {  	[smem:$0x3FBA] =	sst s10  }
0x35: {  	s10 =	sld [smem:$0x3FB9];
	_ =	sdelay $0x3  }
0x36: {  	p1 =	seq.s32 s10, $0x1;
	s10 =	sld [smem:$0x3FBA];
	_ =	sdelay $0x3  }
0x37: {  	[smem:$0x3FBA] =	sst s10  }
0x38: {  	s10 =	sld [smem:$0x3FBB]  }
0x39: {  	_ = 	snop;
	(pc) =	sbr.ind lr, $3  }
0x3a: {  	_ = 	snop  }
0x3b: {  	_ = 	snop  }
0x3c: {  	p2 =	seq.s32 s10, $0x1;
	s10 =	sld [smem:$0x3FBA]  }
0x3d: {  	_ =	shalt  }
0x3e: {  	_ =	shalt  }
0x3f: {  	_ =	shalt  }
0x40: {  	_ =	shalt  }
0x41: {  	_ =	shalt  }
0x42: {  	_ =	shalt  }
0x43: {  	_ =	shalt  }
0x44: {  	_ =	shalt  }
0x45: {  	_ =	shalt  }
0x46: {  	_ =	shalt  }
0x47: {  	_ =	shalt  }
0x48: {  	_ =	shalt  }
0x49: {  	_ =	shalt  }
0x4a: {  	_ =	shalt  }
0x4b: {  	_ =	shalt  }
0x4c: {  	_ =	shalt  }
0x4d: {  	_ =	shalt  }
0x4e: {  	_ =	shalt  }
0x4f: {  	_ =	shalt  }
0x50: {  	_ =	shalt  }
0x51: {  	_ =	shalt  }
0x52: {  	_ =	shalt  }
0x53: {  	_ =	shalt  }
0x54: {  	_ =	shalt  }
0x55: {  	_ =	shalt  }
0x56: {  	_ =	shalt  }
0x57: {  	_ =	shalt  }
0x58: {  	_ =	shalt  }
0x59: {  	_ =	shalt  }
0x5a: {  	_ =	shalt  }
0x5b: {  	_ =	shalt  }
0x5c: {  	_ =	shalt  }
0x5d: {  	_ =	shalt  }
0x5e: {  	_ =	shalt  }
0x5f: {  	_ =	shalt  }
0x60: {  	_ =	shalt  }
0x61: {  	_ =	shalt  }
0x62: {  	_ =	shalt  }
0x63: {  	_ =	shalt  }
0x64: {  	_ =	shalt  }
0x65: {  	_ =	shalt  }
0x66: {  	_ =	shalt  }
0x67: {  	_ =	shalt  }
0x68: {  	_ =	shalt  }
0x69: {  	_ =	shalt  }
0x6a: {  	_ =	shalt  }
0x6b: {  	_ =	shalt  }
0x6c: {  	_ =	shalt  }
0x6d: {  	_ =	shalt  }
0x6e: {  	_ =	shalt  }
0x6f: {  	_ =	shalt  }
0x70: {  	_ =	shalt  }
0x71: {  	_ =	shalt  }
0x72: {  	_ =	shalt  }
0x73: {  	_ =	shalt  }
0x74: {  	_ =	shalt  }
0x75: {  	_ =	shalt  }
0x76: {  	_ =	shalt  }
0x77: {  	_ =	shalt  }
0x78: {  	_ =	shalt  }
0x79: {  	_ =	shalt  }
0x7a: {  	_ =	shalt  }
0x7b: {  	_ =	shalt  }
0x7c: {  	_ =	shalt  }
0x7d: {  	_ =	shalt  }
0x7e: {  	_ =	shalt  }
0x7f: {  	_ =	shalt  }
0x80: {  	_ =	shalt  }
0x81: {  	_ =	shalt  }
0x82: {  	_ =	shalt  }
0x83: {  	_ =	shalt  }
0x84: {  	_ =	shalt  }
0x85: {  	_ =	shalt  }
0x86: {  	_ =	shalt  }
0x87: {  	_ =	shalt  }
.Lfunc_end0:
.L_simem_size_0:
called_computation_lowered:
.L_overlay_start_0:
0x88: {  	s2 =	sld [smem:$0x3FD9]  }
0x89: {  	s3 =	sld [smem:$0x3FFE];
	_ =	sdelay $0x1  }
0x8a: {  	s1 =	srdreg.scid  }
0x8b: {  	s0 =	sand.u32 $0x1, s1  }
0x8c: {  	s17 =	sshll.u32 s0, $0xA;
	s2 =	sadd.s32 s3, s2  }
0x8d: {  	s2 =	sadd.s32 s2, s17  }
0x8e: {  	[smem:$0x3FC6] =	sst s2  }
0x8f: {  	_ = 	snop  }
0x90: {  	s2 =	sld [smem:$0x3FD0];
	(tm) =	ssettm $0x1  }
0x91: {  	s18 =	sld [smem:$0x3FFB];
	_ =	sdelay $0x3  }
0x92: {  	_ =	strace s18  }
0x93: {  	s3 =	sld [smem:$0x3FFC];
	_ =	sdelay $0x3  }
0x94: {  	_ =	strace s3  }
0x95: {  	s3 =	sld [smem:$0x3FFD];
	_ =	sdelay $0x3  }
0x96: {  	_ =	strace s3  }
0x97: {  	_ =	strace $0x8FFFFFFF  }
0x98: {  	s19 =	sld [smem:$0x3FDB];
	_ =	sdelay $0x1  }
0x99: {  	s4 =	simm.s32 $_scs_section_size  }
0x9a: {  	s5 =	simm.s32 $_size__tile_overlayer_lowered;
	s6 =	simm.s32 $_tile_overlayer_lowered  }
0x9b: {  	s22 =	simm.s32 $0x1BFF;
	s21 =	sshll.u32 s6, $0x1;
	s3 =	sadd.s32 s4, s19  }
0x9c: {  	s7 =	simm.s32 $0x0;
	s20 =	sshll.u32 s5, $0x1;
	s5 =	sadd.s32 s21, s3  }
0x9d: {  	[timem:s7], [sflag:s22] =	dma.local [hbm:s5], s20  }
0x9e: {  	_ =	swait.ge [sflag:s22], s20  }
0x9f: {  	s4 =	ssub.s32 $0x0, s20;
	[sflag:s22] =	ssyncset.done $0x0  }
0xa0: {  	[sflag:s22] =	ssyncadd.s32 s4;
	_ =	sdelay $0x1  }
0xa1: {  	s23 =	simm.s32 $0x1B8B  }
0xa2: {  	_ =	swait.ge [sflag:s23], $0x1  }
0xa3: {  	[sflag:s23] =	ssyncset.done $0x0  }
0xa4: {  	s25 =	simm.s32 $0x1B8E;
	s24 =	sld [smem:$0x3FFE];
	[sflag:s23] =	ssyncadd.s32 $0xFFFFFFFF  }
0xa5: {  	s26 =	simm.s32 $execute0_lowered;
	[smem:$0x3FD2] =	sst s25  }
0xa6: {  	s5 =	sshll.u32 s26, $0x1;
	_ =	strace $0x80000046;
	[dreg:$0x1] =	wrdreg $0xFFFFFFFF  }
0xa7: {  	s28 =	simm.s32 $_size_execute0_lowered;
	s3 =	sadd.s32 s3, s5;
	[dreg:$0x0] =	wrdreg $0x0  }
0xa8: {  	s5 =	sshll.u32 s28, $0x1;
	[dreg:$0x2] =	wrdreg s3  }
0xa9: {  	[dreg:$0x3] =	wrdreg s5  }
0xaa: {  	[dreg:$0x4] =	wrdreg $0xC0  }
0xab: {  	_ =	task [dreg:s7], $0x5FFFF  }
0xac: {  	[dreg:$0x1] =	wrdreg $0xFFFFFFFF  }
0xad: {  	[dreg:$0x0] =	wrdreg $0x60  }
0xae: {  	[dreg:$0x2] =	wrdreg s24  }
0xaf: {  	[dreg:$0x3] =	wrdreg s2  }
0xb0: {  	[dreg:$0x4] =	wrdreg $0x9  }
0xb1: {  	_ =	task.clear_ibuf [dreg:s7], $0x5FFFF;
	_ =	strace $0x90000046  }
0xb2: {  	s29 =	simm.s32 $0x9;
	_ =	strace $0x80000048  }
0xb3: {  	_ =	swait.ge [sflag:s29], $0x1  }
0xb4: {  	[sflag:s29] =	ssyncadd.s32 $0xFFFFFFFF  }
0xb5: {  	_ =	strace $0x90000048  }
0xb6: {  	_ =	sfence  }
0xb7: {  	s30 =	sld [smem:$0x0];
	_ =	sdelay $0x2  }
0xb8: {  	s31 =	sshll.u32 s1, $0xD;
	s1 =	sshrl.u32 s1, $0x2  }
0xb9: {  	s3 =	sand.u32 $0x4000, s31;
	s1 =	sadd.s32 s1, s30  }
0xba: {  	s0 =	sor.u32 s3, s0;
	s1 =	sshll.u32 s1, $0x11  }
0xbb: {  	s0 =	sor.u32 s1, s0  }
0xbc: {  	s0 =	sadd.s32 $0x8F2B, s0  }
0xbd: {  	[sflag:s0] =	ssyncadd.remote.s32 $0x1  }
0xbe: {  	_ =	sfence.sel $0xFFFF  }
0xbf: {  	[dreg:$0x0] =	wrdreg $0xFFFFFFFF;
	(pc) =	sbr.abs _section_cstart, $3  }
0xc0: {  	[dreg:$0x1] =	wrdreg $0xFFFFFFFF  }
0xc1: {  	_ =	task.clear_ibuf [dreg:s7], $0x2FFFF;
	_ =	strace $0x9FFFFFFF  }
0xc2: {  	(tm) =	ssettm $0x7FFFFFFF  }
0xc3: {  	_ =	shalt  }
tec
execute0_lowered:
.L_overlay_start_1:
0x0: {  	(tag) =	ssettag $0x1  }
0x1: {  	s1 =	srdreg.scid;
	s2 =	stileid.u32  }
0x2: {  	s0 =	rddreg [dreg:$0x0];
	s1 =	sand.u32 $0x1, s1;
	s2 =	sshll.u32 s2, $0x1  }
0x3: {  	s3 =	rddreg [dreg:$0x1];
	s4 =	simm.s32 $0x0;
	s2 =	sor.u32 s1, s2  }
0x4: {  	v0 =	vimm.s32 $0xECA86420;
	[smem:$0x7FF] =	sst s4;
	s26 =	smul.u32 $0x1A0, s2  }
0x5: {  	vm0 =	vcmask $0xB08;
	vm1 =	vcmask $0x1310;
	_ =	strace $0x80000047;
	s1 =	ssub.s32 $0x2, s1;
	s30 =	smul.u32 $0x1A000, s2  }
0x6: {  	vm2 =	vcmask $0x1B18;
	vm3 =	vcmask $0x300;
	vm4 =	vcmask $0x2320;
	s6 =	sshrl.u32 s1, $0x1;
	s7 =	smul.u32 $0x3400, s2;
	s5 =	sadd.s32 s26, s0  }
.Ltmp0:
0x7: {  	vm5 =	vcmask $0x2B28;
	v1 =	vlaneseq.u32;
	vm6 =	vcmask $0x3330;
	s0 =	sadd.s32 $0x3800, s0;
	[dreg:$0x5] =	wrdreg s30;
	(pc) =	sbr.rel .LBB2_1-.Ltmp0, $4  }
0x8: {  	vm7 =	vcmask $0x3B38;
	vm8 =	vmmov $0xff;
	vm9 =	vcmask $0x704;
	s28 =	ssub.s32 s1, s6;
	[dreg:$0x3] =	wrdreg s0;
	s29 =	sadd.s32 $0x400, s5  }
0x9: {  	vm11 =	vcmask $0x1714;
	vm12 =	vcmask $0x1F1C;
	v0 =	vunpack.c.l.s4.s8 v0;
	s31 =	sadd.s32 s7, s3;
	s0 =	smax.u32 s28, $0x1;
	[dreg:$0x4] =	wrdreg s29  }
0xa: {  	vm13 =	vcmask $0x2724;
	vm14 =	vcmask $0x2F2C;
	vm15 =	vcmask $0x3734;
	[dreg:$0x6] =	wrdreg s0;
	s0 =	sadd.s32 $0x200, s31  }
0xb: {  	v2 =	vimm.f32 $0.0e+00;
	v1 =	vmul.u32 $0x2, v1;
	v0 =	vunpack.c.0.s8.s32 v0;
	s1 =	simm.s32 $0x0;
	[dreg:$0x7] =	wrdreg s0  }
.LBB2_30:
0xc: {  	s1 =	rddreg [dreg:$0x8]  }
0xd: {  	s0 =	rddreg [dreg:$0x6];
	s1 =	sadd.s32 $0x1, s1  }
0xe: {  	p0 =	sne.s32 s1, s0  }
.Ltmp1:
0xf: {  	_ = 	snop;
	(pc) =	sbr.rel @!p0 .LBB2_31-.Ltmp1, $1  }
0x10: {  	_ =	sdelay $0x3  }
.LBB2_1:
0x11: {  	[dreg:$0x8] =	wrdreg s1  }
0x12: {  	s0 =	simm.s32 $0x0;
	s30 =	rddreg [dreg:$0x4];
	s31 =	simm.s32 $0x3  }
0x13: {  	[tilespmem:s0], [sflag:$0x3] =	stream.linear.gather [hbm4b:s30+s0], $0xD00, $0x38;
	[tilespmem:$0x3500] =	vst v63  }
0x14: {  	_ =	swait.ge [sflag:s31], $0xD00  }
0x15: {  	[sflag:s31] =	ssyncset.done $0x0  }
0x16: {  	s5 =	simm.s32 $0x0;
	s0 =	simm.s32 $0xD00;
	[sflag:s31] =	ssyncadd.s32 $0xFFFFF300  }
.LBB2_2:
0x17: {  	s1 =	sshll.u32 s5, $0x4  }
0x18: {  	v3 =	vld [tilespmem:s1+$0x0];
	_ =	sdelay $0x4  }
0x19: {  	(v2sf) =	vpush v3, $0xD;
	_ =	sdelay $0x1  }
0x1a: {  	(v2sf) =	vpush v3, $0xC;
	_ =	sdelay $0x1  }
0x1b: {  	(v2sf) =	vpush v3, $0xE;
	_ =	sdelay $0x1  }
0x1c: {  	(v2sf) =	vpush v3, $0xF;
	_ =	sdelay $0x1  }
0x1d: {  	(v2sf) =	vpush v3, $0x9;
	_ =	sdelay $0x1  }
0x1e: {  	(v2sf) =	vpush v3, $0x8;
	_ =	sdelay $0x1  }
0x1f: {  	(v2sf) =	vpush v3, $0xA;
	_ =	sdelay $0x1  }
0x20: {  	(v2sf) =	vpush v3, $0xB  }
0x21: {  	s9 =	spop (v2sf)  }
0x22: {  	(v2sf) =	vpush v3, $0x0;
	s2 =	smulhi.u32 $0x431BDE83, s9;
	s1 =	sshra.s32 s9, $0x1F  }
0x23: {  	s7 =	spop (v2sf);
	s1 =	smul.u32 $0x431BDE83, s1  }
0x24: {  	(v2sf) =	vpush v3, $0x1;
	s11 =	smulhi.u32 $0x431BDE83, s7;
	s7 =	sshra.s32 s7, $0x1F  }
0x25: {  	s10 =	spop (v2sf);
	s13 =	smul.u32 $0x431BDE83, s7  }
0x26: {  	(v2sf) =	vpush v3, $0x2;
	s15 =	smulhi.u32 $0x431BDE83, s10;
	s7 =	sshra.s32 s10, $0x1F  }
0x27: {  	(v2sf) =	vpush v3, $0x3;
	s14 =	spop (v2sf);
	s16 =	smul.u32 $0x431BDE83, s7  }
0x28: {  	(v2sf) =	vpush v3, $0x4;
	s12 =	smulhi.u32 $0x431BDE83, s14;
	s14 =	sshra.s32 s14, $0x1F  }
0x29: {  	s18 =	spop (v2sf);
	(v2sf) =	vpush v3, $0x5;
	s17 =	smul.u32 $0x431BDE83, s14  }
0x2a: {  	s19 =	smulhi.u32 $0x431BDE83, s18;
	s18 =	sshra.s32 s18, $0x1F;
	(v2sf) =	vpush v3, $0x6  }
0x2b: {  	s20 =	spop (v2sf);
	s18 =	smul.u32 $0x431BDE83, s18;
	(v2sf) =	vpush v3, $0x7  }
0x2c: {  	s14 =	sadd.s32 s13, s11;
	s21 =	smulhi.u32 $0x431BDE83, s20;
	s13 =	sshra.s32 s20, $0x1F  }
0x2d: {  	s26 =	spop (v2sf);
	s24 =	smul.u32 $0x431BDE83, s13  }
0x2e: {  	s13 =	sadd.s32 s17, s12;
	s17 =	smulhi.u32 $0x431BDE83, s26;
	s28 =	sshra.s32 s26, $0x1F  }
0x2f: {  	s29 =	spop (v2sf);
	s25 =	smul.u32 $0x431BDE83, s28  }
0x30: {  	s26 =	smulhi.u32 $0x431BDE83, s29;
	s30 =	sshra.s32 s29, $0x1F  }
0x31: {  	s7 =	sadd.s32 s1, s2;
	s28 =	smul.u32 $0x431BDE83, s30;
	s31 =	spop (v2sf)  }
0x32: {  	s1 =	sshrl.u32 s7, $0x1F;
	s29 =	smulhi.u32 $0x431BDE83, s31;
	s3 =	sshra.s32 s31, $0x1F  }
0x33: {  	s7 =	sshra.s32 s7, $0x12;
	s6 =	spop (v2sf);
	s4 =	smul.u32 $0x431BDE83, s3  }
0x34: {  	s11 =	sadd.s32 s16, s15;
	s8 =	smulhi.u32 $0x431BDE83, s6;
	s6 =	sshra.s32 s6, $0x1F  }
0x35: {  	s15 =	sadd.s32 s18, s19;
	s19 =	spop (v2sf);
	s6 =	smul.u32 $0x431BDE83, s6  }
0x36: {  	s18 =	sadd.s32 s24, s21;
	s3 =	spop (v2sf);
	s21 =	smulhi.u32 $0x431BDE83, s19  }
0x37: {  	s16 =	sshra.s32 s19, $0x1F;
	s19 =	sadd.s32 s25, s17;
	s9 =	spop (v2sf)  }
0x38: {  	s30 =	smul.u32 $0x431BDE83, s16;
	s16 =	sadd.s32 s28, s26;
	s10 =	spop (v2sf)  }
0x39: {  	s26 =	smulhi.u32 $0x431BDE83, s3;
	s3 =	sshra.s32 s3, $0x1F;
	s25 =	spop (v2sf)  }
0x3a: {  	s23 =	sshrl.u32 s14, $0x1F;
	s3 =	smul.u32 $0x431BDE83, s3;
	s31 =	spop (v2sf)  }
0x3b: {  	s24 =	sadd.s32 s4, s29;
	s4 =	smulhi.u32 $0x431BDE83, s31;
	s28 =	sshra.s32 s31, $0x1F  }
0x3c: {  	s20 =	sshrl.u32 s11, $0x1F;
	s22 =	sshrl.u32 s13, $0x1F;
	s31 =	smul.u32 $0x431BDE83, s28  }
0x3d: {  	s2 =	sshrl.u32 s15, $0x1F;
	s12 =	sshrl.u32 s18, $0x1F;
	s6 =	sadd.s32 s6, s8  }
0x3e: {  	s8 =	sshrl.u32 s24, $0x1F;
	s3 =	sadd.s32 s3, s26;
	s17 =	sadd.s32 s31, s4  }
0x3f: {  	s26 =	smulhi.u32 $0x431BDE83, s9;
	s9 =	sshra.s32 s9, $0x1F;
	s29 =	sshra.s32 s17, $0x1F  }
0x40: {  	v5 =	vmov s23;
	s21 =	sadd.s32 s30, s21;
	s9 =	smul.u32 $0x431BDE83, s9;
	s31 =	sshra.s32 s24, $0x12;
	v4 =	vmov s29  }
0x41: {  	vm10 =	vcmask $0xF0C;
	v5 =	vsel vm0, s1, v5;
	s30 =	sshrl.u32 s16, $0x1F;
	s1 =	smulhi.u32 $0x431BDE83, s10;
	s4 =	sshra.s32 s24, $0x1F;
	v4 =	vsel vm3, s31, v4  }
0x42: {  	v5 =	vsel vm1, s20, v5;
	v6 =	vmov s8;
	s23 =	sshrl.u32 s3, $0x1F;
	s9 =	sadd.s32 s9, s26;
	v4 =	vsel vm9, s4, v4;
	s4 =	sshra.s32 s6, $0x12  }
0x43: {  	v5 =	vsel vm2, s22, v5;
	v6 =	vnsel vm3, $0x0, v6;
	s29 =	sshrl.u32 s6, $0x1F;
	s31 =	sshra.s32 s10, $0x1F;
	s6 =	sshra.s32 s6, $0x1F;
	v4 =	vsel vm0, s4, v4  }
0x44: {  	v7 =	vmov s12;
	s24 =	sshrl.u32 s21, $0x1F;
	v6 =	vsel vm0, s29, v6;
	s8 =	smul.u32 $0x431BDE83, s31;
	s31 =	sshra.s32 s21, $0x12;
	v4 =	vsel vm10, s6, v4  }
0x45: {  	v7 =	vsel vm0, s2, v7;
	s28 =	sshrl.u32 s19, $0x1F;
	s22 =	sshrl.u32 s9, $0x1F;
	v6 =	vsel vm1, s24, v6;
	s21 =	sshra.s32 s21, $0x1F;
	v4 =	vsel vm1, s31, v4  }
0x46: {  	v7 =	vsel vm1, s28, v7;
	s10 =	smulhi.u32 $0x431BDE83, s25;
	s29 =	sshra.s32 s25, $0x1F;
	v6 =	vsel vm2, s23, v6;
	s23 =	sshra.s32 s3, $0x12;
	v4 =	vsel vm11, s21, v4  }
0x47: {  	v7 =	vsel vm2, s30, v7;
	s30 =	sshra.s32 s18, $0x12;
	s4 =	smul.u32 $0x431BDE83, s29;
	s3 =	sshra.s32 s3, $0x1F;
	v4 =	vsel vm2, s23, v4  }
0x48: {  	s28 =	sshra.s32 s9, $0x12;
	v5 =	vcombine.low v7, v5;
	v8 =	vmov s30;
	s29 =	sshra.s32 s14, $0x12;
	s1 =	sadd.s32 s8, s1;
	v4 =	vsel vm12, s3, v4  }
0x49: {  	v6 =	vsel vm4, s22, v6;
	v7 =	vmov s29;
	s24 =	sshrl.u32 s1, $0x1F;
	s25 =	sadd.s32 s4, s10;
	s31 =	sshra.s32 s9, $0x1F;
	v4 =	vsel vm4, s28, v4  }
0x4a: {  	s4 =	sshra.s32 s15, $0x12;
	s6 =	sshra.s32 s1, $0x12;
	v7 =	vsel vm0, s7, v7;
	s9 =	sshra.s32 s11, $0x12;
	v6 =	vsel vm5, s24, v6;
	v4 =	vsel vm13, s31, v4  }
0x4b: {  	s10 =	sshra.s32 s19, $0x12;
	s1 =	sshra.s32 s1, $0x1F;
	s26 =	sshrl.u32 s25, $0x1F;
	v8 =	vsel vm0, s4, v8;
	v7 =	vsel vm1, s9, v7;
	v4 =	vsel vm5, s6, v4  }
0x4c: {  	s12 =	sshra.s32 s16, $0x12;
	s11 =	sshra.s32 s13, $0x12;
	s13 =	sshra.s32 s25, $0x12;
	v6 =	vsel vm6, s26, v6;
	v8 =	vsel vm1, s10, v8;
	v4 =	vsel vm14, s1, v4  }
0x4d: {  	s14 =	sshrl.u32 s17, $0x1F;
	s15 =	sshra.s32 s25, $0x1F;
	v7 =	vsel vm2, s11, v7;
	v8 =	vsel vm2, s12, v8;
	v4 =	vsel vm6, s13, v4  }
0x4e: {  	s16 =	sshra.s32 s17, $0x12;
	v6 =	vsel vm7, s14, v6;
	v7 =	vcombine.low v8, v7;
	v4 =	vsel vm15, s15, v4  }
0x4f: {  	v5 =	vperm.xlane v5, v0;
	v6 =	vperm.xlane v6, v1;
	v4 =	vsel vm7, s16, v4  }
0x50: {  	v7 =	vperm.xlane v7, v0;
	v4 =	vperm.xlane v4, v1;
	_ =	sdelay $0x1  }
0x51: {  	v5 =	vsel vm8, v6, v5;
	v4 =	vsel vm8, v4, v7  }
0x52: {  	v4 =	vadd.s32 v5, v4  }
0x53: {  	v4 =	vmul.u32 $0xF4240, v4;
	_ =	sdelay $0x1  }
0x54: {  	v3 =	vsub.s32 v3, v4  }
0x55: {  	v4 =	vimm.s32 $0x0;
	vm10 =	vlt.s32 v3, $0x0  }
0x56: {  	v4 =	vsel vm10, $0xFFFFFFFF, v4  }
0x57: {  	[tilespmem:$0x1FFF0] =	vst v4  }
0x58: {  	v5 =	vld [tilespmem:$0x1FFF0];
	_ =	sdelay $0x4  }
0x59: {  	v4 =	vadd.s32 $0xF4240, v3;
	vm10 =	vnez.u8 v5  }
0x5a: {  	v5 =	vsel vm10, v4, v3  }
0x5b: {  	v3 =	vshll.u32 v5, $0x1  }
0x5c: {  	(v2sf) =	vpush v3, $0x1  }
0x5d: {  	(v2sf) =	vpush v3, $0x0;
	_ =	sdelay $0x2  }
0x5e: {  	(v2sf) =	vpush v3, $0x7  }
0x5f: {  	(v2sf) =	vpush v3, $0x2;
	_ =	sdelay $0x1  }
0x60: {  	(v2sf) =	vpush v3, $0xE  }
0x61: {  	(v2sf) =	vpush v3, $0x3;
	_ =	sdelay $0x1  }
0x62: {  	(v2sf) =	vpush v3, $0x4;
	_ =	sdelay $0x1  }
0x63: {  	(v2sf) =	vpush v3, $0xC;
	_ =	sdelay $0x1  }
0x64: {  	(v2sf) =	vpush v3, $0x8  }
0x65: {  	(v2sf) =	vpush v3, $0x9;
	s17 =	spop (v2sf)  }
0x66: {  	(v2sf) =	vpush v3, $0xF;
	s18 =	spop (v2sf);
	s29 =	smulhi.u32 $0x431BDE83, s17  }
0x67: {  	(v2sf) =	vpush v3, $0xD;
	s21 =	sshra.s32 s17, $0x1F;
	s19 =	smulhi.u32 $0x431BDE83, s18  }
0x68: {  	(v2sf) =	vpush v3, $0xA;
	s2 =	sshra.s32 s18, $0x1F;
	s8 =	smul.u32 $0x431BDE83, s21  }
0x69: {  	s7 =	simm.s32 $0x200;
	s20 =	spop (v2sf);
	s2 =	smul.u32 $0x431BDE83, s2  }
0x6a: {  	s22 =	spop (v2sf);
	s25 =	smulhi.u32 $0x431BDE83, s20;
	s6 =	sshra.s32 s20, $0x1F  }
0x6b: {  	s16 =	simm.s32 $0x0;
	s24 =	sshra.s32 s22, $0x1F;
	s6 =	smul.u32 $0x431BDE83, s6  }
0x6c: {  	s26 =	spop (v2sf);
	s9 =	smulhi.u32 $0x431BDE83, s22;
	s8 =	sadd.s32 s8, s29  }
0x6d: {  	s28 =	smulhi.u32 $0x431BDE83, s26;
	s12 =	sshra.s32 s26, $0x1F;
	s14 =	spop (v2sf)  }
0x6e: {  	s2 =	sadd.s32 s2, s19;
	s10 =	smul.u32 $0x431BDE83, s24;
	s24 =	sshra.s32 s8, $0x1F  }
0x6f: {  	s30 =	sshra.s32 s14, $0x1F;
	s18 =	spop (v2sf);
	s31 =	smul.u32 $0x431BDE83, s12  }
0x70: {  	s11 =	sadd.s32 s6, s25;
	s29 =	sshra.s32 s2, $0x12;
	s14 =	smulhi.u32 $0x431BDE83, s14  }
0x71: {  	s4 =	sshra.s32 s18, $0x1F;
	s19 =	spop (v2sf);
	s17 =	smul.u32 $0x431BDE83, s30  }
0x72: {  	s26 =	sshra.s32 s11, $0x1F;
	s30 =	sshra.s32 s2, $0x1F;
	s13 =	sadd.s32 s10, s9  }
0x73: {  	(v2sf) =	vpush v3, $0xB;
	s9 =	sshra.s32 s8, $0x12;
	s18 =	smulhi.u32 $0x431BDE83, s18;
	s3 =	spop (v2sf)  }
0x74: {  	s8 =	sshrl.u32 s8, $0x1F;
	s23 =	sshra.s32 s19, $0x1F;
	s22 =	spop (v2sf)  }
0x75: {  	s1 =	sadd.s32 s31, s28;
	s12 =	smul.u32 $0x431BDE83, s4;
	s15 =	spop (v2sf)  }
0x76: {  	(v2sf) =	vpush v3, $0x5;
	s6 =	smulhi.u32 $0x431BDE83, s19;
	s19 =	sshrl.u32 s2, $0x1F;
	v4 =	vmov s26;
	s4 =	spop (v2sf)  }
0x77: {  	s31 =	sshra.s32 s13, $0x12;
	s10 =	smul.u32 $0x431BDE83, s23;
	v4 =	vsel vm3, s29, v4;
	s29 =	spop (v2sf);
	(v2sf) =	vpush v3, $0x6  }
0x78: {  	s21 =	sshra.s32 s3, $0x1F;
	s14 =	sadd.s32 s17, s14;
	s3 =	smulhi.u32 $0x431BDE83, s3  }
0x79: {  	s26 =	sshrl.u32 s1, $0x1F;
	s25 =	sshra.s32 s22, $0x1F;
	s22 =	smulhi.u32 $0x431BDE83, s22  }
0x7a: {  	s1 =	sshra.s32 s1, $0x12;
	s12 =	sadd.s32 s12, s18;
	s21 =	smul.u32 $0x431BDE83, s21  }
0x7b: {  	v4 =	vsel vm9, s30, v4;
	s30 =	sshra.s32 s13, $0x1F;
	s20 =	smulhi.u32 $0x431BDE83, s15;
	s6 =	sadd.s32 s10, s6  }
0x7c: {  	vm10 =	vcmask $0xF0C;
	s10 =	sshra.s32 s15, $0x1F;
	v4 =	vsel vm0, s9, v4;
	s28 =	sshra.s32 s4, $0x1F;
	s4 =	smulhi.u32 $0x431BDE83, s4  }
0x7d: {  	s9 =	sshra.s32 s14, $0x12;
	s15 =	sshra.s32 s6, $0x12;
	v4 =	vsel vm10, s24, v4;
	s28 =	smul.u32 $0x431BDE83, s28  }
0x7e: {  	s6 =	sshrl.u32 s6, $0x1F;
	s10 =	smul.u32 $0x431BDE83, s10;
	s24 =	sadd.s32 s21, s3;
	v6 =	vsel vm1, s31, v4;
	v4 =	vmov s0  }
0x7f: {  	s31 =	smul.u32 $0x431BDE83, s25;
	v6 =	vsel vm11, s30, v6;
	s30 =	sshra.s32 s12, $0x12;
	s2 =	sadd.s32 s28, s4  }
0x80: {  	v6 =	vsel vm2, s9, v6;
	s17 =	smulhi.u32 $0x431BDE83, s29;
	s18 =	sshra.s32 s29, $0x1F;
	s29 =	sshra.s32 s14, $0x1F  }
0x81: {  	v7 =	vmov s19;
	v8 =	vmov s6;
	s20 =	sadd.s32 s10, s20;
	s19 =	sadd.s32 s31, s22;
	s4 =	sshrl.u32 s2, $0x1F;
	v6 =	vsel vm12, s29, v6  }
0x82: {  	v7 =	vnsel vm3, $0x0, v7;
	s22 =	sshrl.u32 s12, $0x1F;
	s31 =	sshra.s32 s12, $0x1F;
	s25 =	spop (v2sf);
	v8 =	vsel vm0, s4, v8;
	v6 =	vsel vm4, s30, v6  }
0x83: {  	v7 =	vsel vm0, s8, v7;
	s2 =	sshra.s32 s2, $0x12;
	s23 =	smulhi.u32 $0x431BDE83, s25;
	[tilespmem:v4+s16+$0x0 ss:$0x1] =	vst.idx.msk $0xffff, v5;
	v5 =	vsel vm1, s26, v8;
	s26 =	sshrl.u32 s24, $0x1F;
	v6 =	vsel vm13, s31, v6  }
.LBB2_3:
0x84: {  	s3 =	smul.u32 $0x431BDE83, s18  }
0x85: {  	s6 =	sshra.s32 s25, $0x1F;
	s8 =	spop (v2sf);
	s16 =	smov.u32 s7  }
0x86: {  	s9 =	smulhi.u32 $0x431BDE83, s8;
	s8 =	sshra.s32 s8, $0x1F;
	s10 =	spop (v2sf)  }
0x87: {  	s12 =	sshra.s32 s24, $0x12;
	s6 =	smul.u32 $0x431BDE83, s6;
	s3 =	sadd.s32 s3, s17  }
0x88: {  	v8 =	vmov s26;
	s13 =	sshrl.u32 s13, $0x1F;
	s8 =	smul.u32 $0x431BDE83, s8;
	s17 =	sshra.s32 s19, $0x12  }
0x89: {  	v9 =	vmov s15;
	v7 =	vsel vm1, s13, v7;
	s13 =	sshrl.u32 s14, $0x1F;
	v10 =	vmov s12;
	s14 =	smulhi.u32 $0x431BDE83, s10;
	s10 =	sshra.s32 s10, $0x1F  }
0x8a: {  	v9 =	vsel vm0, s2, v9;
	v7 =	vsel vm2, s13, v7;
	s6 =	sadd.s32 s6, s23;
	s10 =	smul.u32 $0x431BDE83, s10;
	v10 =	vsel vm0, s17, v10;
	s2 =	sshra.s32 s3, $0x12  }
0x8b: {  	v9 =	vsel vm1, s1, v9;
	s1 =	sshra.s32 s20, $0x12;
	v7 =	vsel vm4, s22, v7;
	s8 =	sadd.s32 s8, s9;
	v10 =	vsel vm1, s2, v10;
	s2 =	sshra.s32 s6, $0x12  }
0x8c: {  	v9 =	vsel vm2, s1, v9;
	s9 =	sshrl.u32 s19, $0x1F;
	s10 =	sadd.s32 s10, s14;
	v10 =	vsel vm2, s2, v10;
	s1 =	sshra.s32 s8, $0x1F  }
0x8d: {  	v8 =	vsel vm0, s9, v8;
	s2 =	sshrl.u32 s3, $0x1F;
	s3 =	sshra.s32 s8, $0x12;
	v9 =	vcombine.low v10, v9;
	s9 =	sshra.s32 s10, $0x12  }
0x8e: {  	s12 =	sshrl.u32 s20, $0x1F;
	v8 =	vsel vm1, s2, v8;
	s2 =	sshrl.u32 s6, $0x1F;
	s6 =	sshrl.u32 s8, $0x1F;
	v6 =	vsel vm5, s3, v6  }
0x8f: {  	p0 =	sne.s32 s7, $0xE00;
	v5 =	vsel vm2, s12, v5;
	v8 =	vsel vm2, s2, v8;
	s2 =	sshrl.u32 s10, $0x1F;
	v6 =	vsel vm14, s1, v6;
	s1 =	sshra.s32 s11, $0x12  }
0x90: {  	s7 =	sadd.s32 $0x200, s7;
	s3 =	sshrl.u32 s11, $0x1F;
	v7 =	vsel vm5, s6, v7;
	s6 =	sshra.s32 s10, $0x1F;
	v5 =	vcombine.low v8, v5;
	v6 =	vsel vm6, s9, v6  }
0x91: {  	v7 =	vsel vm6, s2, v7;
	v8 =	vperm.xlane v9, v0;
	v6 =	vsel vm15, s6, v6  }
0x92: {  	v7 =	vsel vm7, s3, v7;
	v5 =	vperm.xlane v5, v0;
	v6 =	vsel vm7, s1, v6  }
0x93: {  	v7 =	vperm.xlane v7, v1;
	v6 =	vperm.xlane v6, v1;
	_ =	sdelay $0x1  }
0x94: {  	v5 =	vsel vm8, v7, v5;
	v6 =	vsel vm8, v6, v8  }
0x95: {  	v5 =	vadd.s32 v5, v6  }
0x96: {  	v5 =	vmul.u32 $0xF4240, v5;
	_ =	sdelay $0x1  }
0x97: {  	v3 =	vsub.s32 v3, v5  }
0x98: {  	vm9 =	vlt.s32 v3, $0x0;
	v5 =	vadd.s32 $0xF4240, v3  }
0x99: {  	s1 =	sshra.s32 s16, $0x2;
	v3 =	vsel vm9, v5, v3;
	vm9 =	vcmask $0x704  }
0x9a: {  	[tilespmem:v4+s1+$0x0 ss:$0x1] =	vst.idx.msk $0xffff, v3;
	v3 =	vshll.u32 v3, $0x1  }
0x9b: {  	(v2sf) =	vpush v3, $0x1  }
0x9c: {  	(v2sf) =	vpush v3, $0x0  }
0x9d: {  	(v2sf) =	vpush v3, $0x7  }
0x9e: {  	(v2sf) =	vpush v3, $0x2  }
0x9f: {  	(v2sf) =	vpush v3, $0xE  }
0xa0: {  	(v2sf) =	vpush v3, $0x3  }
0xa1: {  	(v2sf) =	vpush v3, $0x4;
	_ =	sdelay $0x1  }
0xa2: {  	(v2sf) =	vpush v3, $0xC;
	_ =	sdelay $0x1  }
0xa3: {  	(v2sf) =	vpush v3, $0x8  }
0xa4: {  	(v2sf) =	vpush v3, $0x9  }
0xa5: {  	(v2sf) =	vpush v3, $0xF;
	_ =	sdelay $0x1  }
0xa6: {  	(v2sf) =	vpush v3, $0xD  }
0xa7: {  	s1 =	spop (v2sf)  }
0xa8: {  	s2 =	spop (v2sf);
	s8 =	sshra.s32 s1, $0x1F;
	s1 =	smulhi.u32 $0x431BDE83, s1  }
0xa9: {  	s3 =	smulhi.u32 $0x431BDE83, s2  }
0xaa: {  	s2 =	sshra.s32 s2, $0x1F;
	s8 =	smul.u32 $0x431BDE83, s8  }
0xab: {  	s6 =	spop (v2sf);
	s2 =	smul.u32 $0x431BDE83, s2  }
0xac: {  	s9 =	spop (v2sf);
	s11 =	smulhi.u32 $0x431BDE83, s6  }
0xad: {  	s10 =	sshra.s32 s9, $0x1F;
	s12 =	spop (v2sf);
	s9 =	smulhi.u32 $0x431BDE83, s9  }
0xae: {  	s6 =	sshra.s32 s6, $0x1F;
	s13 =	smulhi.u32 $0x431BDE83, s12  }
0xaf: {  	s12 =	sshra.s32 s12, $0x1F;
	s14 =	spop (v2sf);
	s3 =	sadd.s32 s2, s3  }
0xb0: {  	s2 =	smul.u32 $0x431BDE83, s6;
	s15 =	sshra.s32 s14, $0x1F;
	s17 =	spop (v2sf)  }
0xb1: {  	s12 =	smul.u32 $0x431BDE83, s12;
	s18 =	sshra.s32 s17, $0x1F;
	(v2sf) =	vpush v3, $0xA  }
0xb2: {  	s8 =	sadd.s32 s8, s1;
	s10 =	smul.u32 $0x431BDE83, s10;
	s6 =	spop (v2sf)  }
0xb3: {  	s14 =	smulhi.u32 $0x431BDE83, s14;
	s16 =	sadd.s32 s12, s13;
	s19 =	sshra.s32 s6, $0x1F  }
0xb4: {  	s11 =	sadd.s32 s2, s11;
	s15 =	smul.u32 $0x431BDE83, s15;
	s12 =	spop (v2sf)  }
0xb5: {  	s18 =	smul.u32 $0x431BDE83, s18;
	s2 =	sshra.s32 s12, $0x1F;
	s20 =	spop (v2sf);
	(v2sf) =	vpush v3, $0xB  }
0xb6: {  	s13 =	sshra.s32 s11, $0x1F;
	s6 =	smulhi.u32 $0x431BDE83, s6;
	s21 =	spop (v2sf)  }
0xb7: {  	s22 =	sshra.s32 s8, $0x1F;
	s26 =	sshra.s32 s3, $0x12;
	v5 =	vmov s13;
	s1 =	smulhi.u32 $0x431BDE83, s21  }
0xb8: {  	v5 =	vsel vm3, s26, v5;
	s26 =	sshra.s32 s3, $0x1F;
	s23 =	sshra.s32 s20, $0x1F;
	s24 =	spop (v2sf)  }
0xb9: {  	s19 =	smul.u32 $0x431BDE83, s19;
	s3 =	sshrl.u32 s3, $0x1F;
	s25 =	sshra.s32 s24, $0x1F;
	(v2sf) =	vpush v3, $0x5  }
0xba: {  	s28 =	sshra.s32 s8, $0x12;
	v6 =	vmov s3;
	s3 =	smulhi.u32 $0x431BDE83, s17;
	(v2sf) =	vpush v3, $0x6  }
0xbb: {  	s13 =	sadd.s32 s10, s9;
	v5 =	vsel vm9, s26, v5;
	s12 =	smulhi.u32 $0x431BDE83, s12  }
0xbc: {  	s14 =	sadd.s32 s15, s14;
	s9 =	sshra.s32 s13, $0x12;
	v5 =	vsel vm0, s28, v5;
	s20 =	smulhi.u32 $0x431BDE83, s20  }
0xbd: {  	s6 =	sadd.s32 s19, s6;
	s19 =	sshra.s32 s21, $0x1F;
	v5 =	vsel vm10, s22, v5;
	s10 =	smulhi.u32 $0x431BDE83, s24  }
0xbe: {  	s3 =	sadd.s32 s18, s3;
	s15 =	sshra.s32 s6, $0x12;
	s6 =	sshrl.u32 s6, $0x1F;
	v5 =	vsel vm1, s9, v5  }
0xbf: {  	s9 =	sshrl.u32 s16, $0x1F;
	v8 =	vmov s6;
	s6 =	smul.u32 $0x431BDE83, s2  }
0xc0: {  	s22 =	sshra.s32 s14, $0x12;
	s21 =	smul.u32 $0x431BDE83, s25;
	s18 =	spop (v2sf)  }
0xc1: {  	s24 =	sshra.s32 s13, $0x1F;
	s17 =	smulhi.u32 $0x431BDE83, s18;
	s18 =	sshra.s32 s18, $0x1F  }
0xc2: {  	s8 =	sshrl.u32 s8, $0x1F;
	v6 =	vnsel vm3, $0x0, v6;
	s10 =	sadd.s32 s21, s10;
	s21 =	smul.u32 $0x431BDE83, s23  }
.Ltmp2:
0xc3: {  	v7 =	vsel vm0, s8, v6;
	v5 =	vsel vm11, s24, v5;
	s23 =	sshrl.u32 s10, $0x1F;
	s2 =	sshra.s32 s10, $0x12;
	(pc) =	sbr.rel @p0 .LBB2_3-.Ltmp2, $4  }
0xc4: {  	s8 =	smul.u32 $0x431BDE83, s19;
	s10 =	sshra.s32 s14, $0x1F;
	v6 =	vsel vm0, s23, v8;
	v8 =	vsel vm2, s22, v5;
	s25 =	spop (v2sf)  }
0xc5: {  	s24 =	sadd.s32 s6, s12;
	s6 =	sshra.s32 s3, $0x12;
	s19 =	sadd.s32 s21, s20;
	v5 =	vsel vm1, s9, v6;
	v6 =	vsel vm12, s10, v8  }
0xc6: {  	s22 =	sshrl.u32 s3, $0x1F;
	s3 =	sshra.s32 s3, $0x1F;
	v6 =	vsel vm4, s6, v6;
	s23 =	smulhi.u32 $0x431BDE83, s25  }
0xc7: {  	s26 =	sshrl.u32 s24, $0x1F;
	s20 =	sadd.s32 s8, s1;
	s1 =	sshra.s32 s16, $0x12;
	v6 =	vsel vm13, s3, v6  }
0xc8: {  	s5 =	sadd.s32 $0x1, s5  }
0xc9: {  	p0 =	sne.s32 s5, $0x8  }
.Ltmp3:
0xca: {  	_ = 	snop;
	(pc) =	sbr.rel @p0 .LBB2_2-.Ltmp3, $3  }
0xcb: {  	_ =	sdelay $0x1  }
0xcc: {  	s1 =	spop (v2sf)  }
0xcd: {  	s0 =	sadd.s32 $0x10, s0;
	s1 =	spop (v2sf)  }
0xce: {  	s0 =	simm.s32 $0x80;
	s1 =	simm.s32 $0x0  }
.LBB2_6:
0xcf: {  	p0 =	sne.s32 s0, $0x3F80;
	[tilespmem:s1+$0x1500] =	vst v2;
	s2 =	smov.u32 s0;
	s0 =	sadd.s32 $0x80, s0  }
.Ltmp4:
0xd0: {  	[tilespmem:s1+$0x1510] =	vst v2;
	(pc) =	sbr.rel @p0 .LBB2_6-.Ltmp4, $2  }
0xd1: {  	_ =	sdelay $0x2  }
0xd2: {  	s1 =	sshra.s32 s2, $0x2  }
0xd3: {  	[tilespmem:s1+$0x1500] =	vst v2;
	s0 =	rddreg [dreg:$0x3]  }
0xd4: {  	[tilespmem:s1+$0x1510] =	vst v2;
	s23 =	simm.s32 $0x80;
	s2 =	simm.s32 $0xD00;
	s3 =	simm.s32 $0x1500  }
0xd5: {  	[tilespmem:s3], [sflag:$0x1] =	stream.indirect.gather.add.f32 [hbm:s0], $0x20, s2, s23, $0xb8;
	[tilespmem:$0x3500] =	vst v63  }
0xd6: {  	s24 =	simm.s32 $0xD80  }
0xd7: {  	[tilespmem:s3], [sflag:$0x1] =	stream.indirect.gather.add.f32 [hbm:s0], $0x20, s24, s23, $0xb8;
	[tilespmem:$0x3500] =	vst v63  }
0xd8: {  	s25 =	simm.s32 $0xE00  }
0xd9: {  	[tilespmem:s3], [sflag:$0x1] =	stream.indirect.gather.add.f32 [hbm:s0], $0x20, s25, s23, $0xb8;
	[tilespmem:$0x3500] =	vst v63  }
0xda: {  	s26 =	simm.s32 $0xE80  }
0xdb: {  	[tilespmem:s3], [sflag:$0x1] =	stream.indirect.gather.add.f32 [hbm:s0], $0x20, s26, s23, $0xb8;
	[tilespmem:$0x3500] =	vst v63  }
0xdc: {  	s28 =	simm.s32 $0xF00  }
0xdd: {  	[tilespmem:s3], [sflag:$0x1] =	stream.indirect.gather.add.f32 [hbm:s0], $0x20, s28, s23, $0xb8;
	[tilespmem:$0x3500] =	vst v63  }
0xde: {  	s29 =	simm.s32 $0xF80  }
0xdf: {  	[tilespmem:s3], [sflag:$0x1] =	stream.indirect.gather.add.f32 [hbm:s0], $0x20, s29, s23, $0xb8;
	[tilespmem:$0x3500] =	vst v63  }
0xe0: {  	s30 =	simm.s32 $0x1000  }
0xe1: {  	[tilespmem:s3], [sflag:$0x1] =	stream.indirect.gather.add.f32 [hbm:s0], $0x20, s30, s23, $0xb8;
	[tilespmem:$0x3500] =	vst v63  }
0xe2: {  	s31 =	simm.s32 $0x1080  }
0xe3: {  	[tilespmem:s3], [sflag:$0x1] =	stream.indirect.gather.add.f32 [hbm:s0], $0x20, s31, s23, $0xb8;
	[tilespmem:$0x3500] =	vst v63  }
0xe4: {  	s5 =	simm.s32 $0x1100;
	s0 =	simm.s32 $0x0  }
.LBB2_8:
0xe5: {  	s1 =	sshll.u32 s0, $0x4  }
0xe6: {  	v3 =	vld [tilespmem:s1+$0x80];
	_ =	sdelay $0x4  }
0xe7: {  	(v2sf) =	vpush v3, $0xD;
	_ =	sdelay $0x1  }
0xe8: {  	(v2sf) =	vpush v3, $0xC;
	_ =	sdelay $0x1  }
0xe9: {  	(v2sf) =	vpush v3, $0xE;
	_ =	sdelay $0x1  }
0xea: {  	(v2sf) =	vpush v3, $0xF;
	_ =	sdelay $0x1  }
0xeb: {  	(v2sf) =	vpush v3, $0x9;
	_ =	sdelay $0x1  }
0xec: {  	(v2sf) =	vpush v3, $0x8;
	_ =	sdelay $0x1  }
0xed: {  	(v2sf) =	vpush v3, $0xA;
	_ =	sdelay $0x1  }
0xee: {  	(v2sf) =	vpush v3, $0xB  }
0xef: {  	s22 =	spop (v2sf)  }
0xf0: {  	(v2sf) =	vpush v3, $0x0;
	s2 =	smulhi.u32 $0x431BDE83, s22;
	s1 =	sshra.s32 s22, $0x1F  }
0xf1: {  	s3 =	spop (v2sf);
	(v2sf) =	vpush v3, $0x1;
	s1 =	smul.u32 $0x431BDE83, s1  }
0xf2: {  	s6 =	smulhi.u32 $0x431BDE83, s3;
	s3 =	sshra.s32 s3, $0x1F;
	(v2sf) =	vpush v3, $0x2  }
0xf3: {  	s7 =	spop (v2sf);
	s3 =	smul.u32 $0x431BDE83, s3;
	(v2sf) =	vpush v3, $0x3  }
0xf4: {  	s8 =	smulhi.u32 $0x431BDE83, s7;
	s7 =	sshra.s32 s7, $0x1F;
	(v2sf) =	vpush v3, $0x4  }
0xf5: {  	s10 =	spop (v2sf);
	s9 =	smul.u32 $0x431BDE83, s7;
	(v2sf) =	vpush v3, $0x5  }
0xf6: {  	s23 =	smulhi.u32 $0x431BDE83, s10;
	s10 =	sshra.s32 s10, $0x1F;
	(v2sf) =	vpush v3, $0x6  }
0xf7: {  	s7 =	sadd.s32 s1, s2;
	s11 =	spop (v2sf);
	s10 =	smul.u32 $0x431BDE83, s10;
	(v2sf) =	vpush v3, $0x7  }
0xf8: {  	s1 =	sshrl.u32 s7, $0x1F;
	s24 =	smulhi.u32 $0x431BDE83, s11;
	s25 =	sshra.s32 s11, $0x1F  }
0xf9: {  	s14 =	sadd.s32 s3, s6;
	s13 =	spop (v2sf);
	s6 =	smul.u32 $0x431BDE83, s25  }
0xfa: {  	s7 =	sshra.s32 s7, $0x12;
	s26 =	smulhi.u32 $0x431BDE83, s13;
	s28 =	sshra.s32 s13, $0x1F  }
0xfb: {  	s11 =	sadd.s32 s9, s8;
	s15 =	spop (v2sf);
	s9 =	smul.u32 $0x431BDE83, s28  }
0xfc: {  	s13 =	sadd.s32 s10, s23;
	s10 =	smulhi.u32 $0x431BDE83, s15;
	s29 =	sshra.s32 s15, $0x1F  }
0xfd: {  	s12 =	sshrl.u32 s14, $0x1F;
	s30 =	spop (v2sf);
	s16 =	smul.u32 $0x431BDE83, s29  }
0xfe: {  	s20 =	sshrl.u32 s11, $0x1F;
	s31 =	smulhi.u32 $0x431BDE83, s30;
	s4 =	sshra.s32 s30, $0x1F  }
0xff: {  	s15 =	sadd.s32 s6, s24;
	s6 =	smul.u32 $0x431BDE83, s4;
	s17 =	spop (v2sf)  }
0x100: {  	s21 =	smulhi.u32 $0x431BDE83, s17;
	s17 =	sshra.s32 s17, $0x1F;
	s19 =	spop (v2sf)  }
0x101: {  	s22 =	sshrl.u32 s13, $0x1F;
	s17 =	smul.u32 $0x431BDE83, s17;
	s29 =	spop (v2sf)  }
0x102: {  	s30 =	smulhi.u32 $0x431BDE83, s19;
	s19 =	sshra.s32 s19, $0x1F;
	s23 =	spop (v2sf)  }
0x103: {  	s18 =	sadd.s32 s9, s26;
	s25 =	smul.u32 $0x431BDE83, s19;
	s26 =	spop (v2sf)  }
0x104: {  	s28 =	smulhi.u32 $0x431BDE83, s29;
	s9 =	sshra.s32 s29, $0x1F;
	s29 =	spop (v2sf)  }
0x105: {  	s19 =	sadd.s32 s16, s10;
	s9 =	smul.u32 $0x431BDE83, s9;
	s10 =	spop (v2sf)  }
0x106: {  	s16 =	sadd.s32 s6, s31;
	s3 =	smulhi.u32 $0x431BDE83, s23;
	s31 =	spop (v2sf)  }
0x107: {  	s2 =	sshrl.u32 s15, $0x1F;
	s4 =	smulhi.u32 $0x431BDE83, s31;
	s6 =	sshra.s32 s31, $0x1F  }
0x108: {  	s24 =	sshrl.u32 s18, $0x1F;
	s8 =	sadd.s32 s17, s21;
	s6 =	smul.u32 $0x431BDE83, s6  }
0x109: {  	s25 =	sadd.s32 s25, s30;
	s30 =	sshra.s32 s23, $0x1F;
	s21 =	smulhi.u32 $0x431BDE83, s26  }
0x10a: {  	s23 =	sshrl.u32 s19, $0x1F;
	s31 =	smul.u32 $0x431BDE83, s30;
	s17 =	sadd.s32 s6, s4  }
0x10b: {  	s26 =	sshra.s32 s26, $0x1F;
	s9 =	sadd.s32 s9, s28;
	s4 =	sshra.s32 s17, $0x1F  }
0x10c: {  	s28 =	sshrl.u32 s25, $0x1F;
	s3 =	sadd.s32 s31, s3;
	s31 =	sshra.s32 s8, $0x12;
	v4 =	vmov s4  }
0x10d: {  	v5 =	vmov s12;
	v7 =	vmov s24;
	s12 =	smul.u32 $0x431BDE83, s26;
	s6 =	sshrl.u32 s8, $0x1F;
	s8 =	sshra.s32 s8, $0x1F;
	v4 =	vsel vm3, s31, v4  }
0x10e: {  	v5 =	vsel vm0, s1, v5;
	v7 =	vsel vm0, s2, v7;
	s1 =	smulhi.u32 $0x431BDE83, s29;
	s26 =	sshrl.u32 s9, $0x1F;
	s4 =	sshra.s32 s25, $0x12;
	v4 =	vsel vm9, s8, v4  }
0x10f: {  	vm10 =	vcmask $0xF0C;
	v7 =	vsel vm1, s23, v7;
	s30 =	sshrl.u32 s16, $0x1F;
	s31 =	sshra.s32 s29, $0x1F;
	s29 =	sshra.s32 s25, $0x1F;
	v4 =	vsel vm0, s4, v4  }
0x110: {  	s12 =	sadd.s32 s12, s21;
	v7 =	vsel vm2, s30, v7;
	s30 =	sshra.s32 s18, $0x12;
	v6 =	vmov s6;
	s4 =	sshra.s32 s9, $0x12;
	v4 =	vsel vm10, s29, v4  }
0x111: {  	v5 =	vsel vm1, s20, v5;
	s20 =	sshrl.u32 s3, $0x1F;
	v6 =	vnsel vm3, $0x0, v6;
	s6 =	smul.u32 $0x431BDE83, s31;
	s9 =	sshra.s32 s9, $0x1F;
	v4 =	vsel vm1, s4, v4  }
0x112: {  	v5 =	vsel vm2, s22, v5;
	s21 =	sshra.s32 s3, $0x12;
	v6 =	vsel vm0, s28, v6;
	s31 =	smulhi.u32 $0x431BDE83, s10;
	s10 =	sshra.s32 s10, $0x1F;
	v4 =	vsel vm11, s9, v4  }
0x113: {  	v5 =	vcombine.low v7, v5;
	s3 =	sshra.s32 s3, $0x1F;
	s28 =	sshra.s32 s12, $0x12;
	v6 =	vsel vm1, s26, v6;
	s10 =	smul.u32 $0x431BDE83, s10;
	v4 =	vsel vm2, s21, v4  }
0x114: {  	v8 =	vmov s30;
	v6 =	vsel vm2, s20, v6;
	s20 =	sshrl.u32 s12, $0x1F;
	s1 =	sadd.s32 s6, s1;
	s29 =	sshra.s32 s14, $0x12;
	v4 =	vsel vm12, s3, v4  }
0x115: {  	v6 =	vsel vm4, s20, v6;
	s24 =	sshrl.u32 s1, $0x1F;
	s25 =	sadd.s32 s10, s31;
	s31 =	sshra.s32 s12, $0x1F;
	v7 =	vmov s29;
	v4 =	vsel vm4, s28, v4  }
0x116: {  	s4 =	sshra.s32 s15, $0x12;
	s6 =	sshra.s32 s1, $0x12;
	v6 =	vsel vm5, s24, v6;
	s26 =	sshrl.u32 s25, $0x1F;
	v7 =	vsel vm0, s7, v7;
	v4 =	vsel vm13, s31, v4  }
0x117: {  	s10 =	sshra.s32 s19, $0x12;
	s1 =	sshra.s32 s1, $0x1F;
	s9 =	sshra.s32 s11, $0x12;
	v8 =	vsel vm0, s4, v8;
	v6 =	vsel vm6, s26, v6;
	v4 =	vsel vm5, s6, v4  }
0x118: {  	s12 =	sshra.s32 s16, $0x12;
	s11 =	sshra.s32 s13, $0x12;
	s13 =	sshra.s32 s25, $0x12;
	v7 =	vsel vm1, s9, v7;
	v8 =	vsel vm1, s10, v8;
	v4 =	vsel vm14, s1, v4  }
0x119: {  	s14 =	sshrl.u32 s17, $0x1F;
	s15 =	sshra.s32 s25, $0x1F;
	v7 =	vsel vm2, s11, v7;
	v8 =	vsel vm2, s12, v8;
	v4 =	vsel vm6, s13, v4  }
0x11a: {  	s16 =	sshra.s32 s17, $0x12;
	v6 =	vsel vm7, s14, v6;
	v7 =	vcombine.low v8, v7;
	v4 =	vsel vm15, s15, v4  }
0x11b: {  	v5 =	vperm.xlane v5, v0;
	v6 =	vperm.xlane v6, v1;
	v4 =	vsel vm7, s16, v4  }
0x11c: {  	v7 =	vperm.xlane v7, v0;
	v4 =	vperm.xlane v4, v1;
	_ =	sdelay $0x1  }
0x11d: {  	v5 =	vsel vm8, v6, v5;
	v4 =	vsel vm8, v4, v7  }
0x11e: {  	v4 =	vadd.s32 v5, v4  }
0x11f: {  	v4 =	vmul.u32 $0xF4240, v4;
	_ =	sdelay $0x1  }
0x120: {  	v3 =	vsub.s32 v3, v4  }
0x121: {  	vm9 =	vlt.s32 v3, $0x0;
	v4 =	vadd.s32 $0xF4240, v3  }
0x122: {  	v5 =	vsel vm9, v4, v3  }
0x123: {  	v3 =	vshll.u32 v5, $0x1  }
0x124: {  	(v2sf) =	vpush v3, $0x1  }
0x125: {  	(v2sf) =	vpush v3, $0x0;
	_ =	sdelay $0x2  }
0x126: {  	(v2sf) =	vpush v3, $0x7  }
0x127: {  	(v2sf) =	vpush v3, $0x2;
	_ =	sdelay $0x1  }
0x128: {  	(v2sf) =	vpush v3, $0xE  }
0x129: {  	(v2sf) =	vpush v3, $0x3;
	_ =	sdelay $0x1  }
0x12a: {  	(v2sf) =	vpush v3, $0x4;
	_ =	sdelay $0x1  }
0x12b: {  	(v2sf) =	vpush v3, $0xC;
	_ =	sdelay $0x1  }
0x12c: {  	(v2sf) =	vpush v3, $0x8  }
0x12d: {  	(v2sf) =	vpush v3, $0x9;
	s17 =	spop (v2sf)  }
0x12e: {  	(v2sf) =	vpush v3, $0xF;
	s18 =	spop (v2sf);
	s29 =	smulhi.u32 $0x431BDE83, s17  }
0x12f: {  	(v2sf) =	vpush v3, $0xD;
	s21 =	sshra.s32 s17, $0x1F;
	s19 =	smulhi.u32 $0x431BDE83, s18  }
0x130: {  	(v2sf) =	vpush v3, $0xA;
	s2 =	sshra.s32 s18, $0x1F;
	s8 =	smul.u32 $0x431BDE83, s21  }
0x131: {  	s7 =	simm.s32 $0x200;
	s20 =	spop (v2sf);
	s2 =	smul.u32 $0x431BDE83, s2  }
0x132: {  	s22 =	spop (v2sf);
	s25 =	smulhi.u32 $0x431BDE83, s20;
	s6 =	sshra.s32 s20, $0x1F  }
0x133: {  	s16 =	simm.s32 $0x0;
	s24 =	sshra.s32 s22, $0x1F;
	s6 =	smul.u32 $0x431BDE83, s6  }
0x134: {  	s26 =	spop (v2sf);
	s9 =	smulhi.u32 $0x431BDE83, s22;
	s8 =	sadd.s32 s8, s29  }
0x135: {  	s28 =	smulhi.u32 $0x431BDE83, s26;
	s12 =	sshra.s32 s26, $0x1F;
	s14 =	spop (v2sf)  }
0x136: {  	s2 =	sadd.s32 s2, s19;
	s10 =	smul.u32 $0x431BDE83, s24;
	s24 =	sshra.s32 s8, $0x1F  }
0x137: {  	s30 =	sshra.s32 s14, $0x1F;
	s18 =	spop (v2sf);
	s31 =	smul.u32 $0x431BDE83, s12  }
0x138: {  	s11 =	sadd.s32 s6, s25;
	s29 =	sshra.s32 s2, $0x12;
	s14 =	smulhi.u32 $0x431BDE83, s14  }
0x139: {  	s4 =	sshra.s32 s18, $0x1F;
	s19 =	spop (v2sf);
	s17 =	smul.u32 $0x431BDE83, s30  }
0x13a: {  	s26 =	sshra.s32 s11, $0x1F;
	s30 =	sshra.s32 s2, $0x1F;
	s13 =	sadd.s32 s10, s9  }
0x13b: {  	(v2sf) =	vpush v3, $0xB;
	s9 =	sshra.s32 s8, $0x12;
	s18 =	smulhi.u32 $0x431BDE83, s18;
	s3 =	spop (v2sf)  }
0x13c: {  	s8 =	sshrl.u32 s8, $0x1F;
	s23 =	sshra.s32 s19, $0x1F;
	s22 =	spop (v2sf)  }
0x13d: {  	s1 =	sadd.s32 s31, s28;
	s12 =	smul.u32 $0x431BDE83, s4;
	s15 =	spop (v2sf)  }
0x13e: {  	(v2sf) =	vpush v3, $0x5;
	s6 =	smulhi.u32 $0x431BDE83, s19;
	s19 =	sshrl.u32 s2, $0x1F;
	v4 =	vmov s26;
	s4 =	spop (v2sf)  }
0x13f: {  	s31 =	sshra.s32 s13, $0x12;
	s10 =	smul.u32 $0x431BDE83, s23;
	v4 =	vsel vm3, s29, v4;
	s29 =	spop (v2sf);
	(v2sf) =	vpush v3, $0x6  }
0x140: {  	s21 =	sshra.s32 s3, $0x1F;
	s14 =	sadd.s32 s17, s14;
	s3 =	smulhi.u32 $0x431BDE83, s3  }
0x141: {  	s26 =	sshrl.u32 s1, $0x1F;
	s25 =	sshra.s32 s22, $0x1F;
	s22 =	smulhi.u32 $0x431BDE83, s22  }
0x142: {  	vm9 =	vcmask $0x704;
	s1 =	sshra.s32 s1, $0x12;
	s12 =	sadd.s32 s12, s18;
	s21 =	smul.u32 $0x431BDE83, s21  }
0x143: {  	v4 =	vsel vm9, s30, v4;
	s30 =	sshra.s32 s13, $0x1F;
	s20 =	smulhi.u32 $0x431BDE83, s15;
	s6 =	sadd.s32 s10, s6  }
0x144: {  	s10 =	sshra.s32 s15, $0x1F;
	v4 =	vsel vm0, s9, v4;
	s28 =	sshra.s32 s4, $0x1F;
	s4 =	smulhi.u32 $0x431BDE83, s4  }
0x145: {  	s9 =	sshra.s32 s14, $0x12;
	s15 =	sshra.s32 s6, $0x12;
	v4 =	vsel vm10, s24, v4;
	s28 =	smul.u32 $0x431BDE83, s28  }
0x146: {  	s6 =	sshrl.u32 s6, $0x1F;
	s10 =	smul.u32 $0x431BDE83, s10;
	s24 =	sadd.s32 s21, s3;
	v6 =	vsel vm1, s31, v4;
	v4 =	vmov s5  }
0x147: {  	s31 =	smul.u32 $0x431BDE83, s25;
	v6 =	vsel vm11, s30, v6;
	s30 =	sshra.s32 s12, $0x12;
	s2 =	sadd.s32 s28, s4  }
0x148: {  	v6 =	vsel vm2, s9, v6;
	s17 =	smulhi.u32 $0x431BDE83, s29;
	s18 =	sshra.s32 s29, $0x1F;
	s29 =	sshra.s32 s14, $0x1F  }
0x149: {  	v7 =	vmov s19;
	v8 =	vmov s6;
	s20 =	sadd.s32 s10, s20;
	s19 =	sadd.s32 s31, s22;
	s4 =	sshrl.u32 s2, $0x1F;
	v6 =	vsel vm12, s29, v6  }
0x14a: {  	v7 =	vnsel vm3, $0x0, v7;
	s22 =	sshrl.u32 s12, $0x1F;
	s31 =	sshra.s32 s12, $0x1F;
	s25 =	spop (v2sf);
	v8 =	vsel vm0, s4, v8;
	v6 =	vsel vm4, s30, v6  }
0x14b: {  	v7 =	vsel vm0, s8, v7;
	s2 =	sshra.s32 s2, $0x12;
	s23 =	smulhi.u32 $0x431BDE83, s25;
	[tilespmem:v4+s16+$0x0 ss:$0x1] =	vst.idx.msk $0xffff, v5;
	v5 =	vsel vm1, s26, v8;
	s26 =	sshrl.u32 s24, $0x1F;
	v6 =	vsel vm13, s31, v6  }
.LBB2_9:
0x14c: {  	s3 =	smul.u32 $0x431BDE83, s18  }
0x14d: {  	s6 =	sshra.s32 s25, $0x1F;
	s8 =	spop (v2sf);
	s16 =	smov.u32 s7  }
0x14e: {  	s9 =	smulhi.u32 $0x431BDE83, s8;
	s8 =	sshra.s32 s8, $0x1F;
	s10 =	spop (v2sf)  }
0x14f: {  	s12 =	sshra.s32 s24, $0x12;
	s6 =	smul.u32 $0x431BDE83, s6;
	s3 =	sadd.s32 s3, s17  }
0x150: {  	v8 =	vmov s26;
	s13 =	sshrl.u32 s13, $0x1F;
	s8 =	smul.u32 $0x431BDE83, s8;
	s17 =	sshra.s32 s19, $0x12  }
0x151: {  	v9 =	vmov s15;
	v7 =	vsel vm1, s13, v7;
	s13 =	sshrl.u32 s14, $0x1F;
	v10 =	vmov s12;
	s14 =	smulhi.u32 $0x431BDE83, s10;
	s10 =	sshra.s32 s10, $0x1F  }
0x152: {  	v9 =	vsel vm0, s2, v9;
	v7 =	vsel vm2, s13, v7;
	s6 =	sadd.s32 s6, s23;
	s10 =	smul.u32 $0x431BDE83, s10;
	v10 =	vsel vm0, s17, v10;
	s2 =	sshra.s32 s3, $0x12  }
0x153: {  	v9 =	vsel vm1, s1, v9;
	s1 =	sshra.s32 s20, $0x12;
	v7 =	vsel vm4, s22, v7;
	s8 =	sadd.s32 s8, s9;
	v10 =	vsel vm1, s2, v10;
	s2 =	sshra.s32 s6, $0x12  }
0x154: {  	v9 =	vsel vm2, s1, v9;
	s9 =	sshrl.u32 s19, $0x1F;
	s10 =	sadd.s32 s10, s14;
	v10 =	vsel vm2, s2, v10;
	s1 =	sshra.s32 s8, $0x1F  }
0x155: {  	v8 =	vsel vm0, s9, v8;
	s2 =	sshrl.u32 s3, $0x1F;
	s3 =	sshra.s32 s8, $0x12;
	v9 =	vcombine.low v10, v9;
	s9 =	sshra.s32 s10, $0x12  }
0x156: {  	s12 =	sshrl.u32 s20, $0x1F;
	v8 =	vsel vm1, s2, v8;
	s2 =	sshrl.u32 s6, $0x1F;
	s6 =	sshrl.u32 s8, $0x1F;
	v6 =	vsel vm5, s3, v6  }
0x157: {  	p0 =	sne.s32 s7, $0xE00;
	v5 =	vsel vm2, s12, v5;
	v8 =	vsel vm2, s2, v8;
	s2 =	sshrl.u32 s10, $0x1F;
	v6 =	vsel vm14, s1, v6;
	s1 =	sshra.s32 s11, $0x12  }
0x158: {  	s7 =	sadd.s32 $0x200, s7;
	s3 =	sshrl.u32 s11, $0x1F;
	v7 =	vsel vm5, s6, v7;
	s6 =	sshra.s32 s10, $0x1F;
	v5 =	vcombine.low v8, v5;
	v6 =	vsel vm6, s9, v6  }
0x159: {  	v7 =	vsel vm6, s2, v7;
	v8 =	vperm.xlane v9, v0;
	v6 =	vsel vm15, s6, v6  }
0x15a: {  	v7 =	vsel vm7, s3, v7;
	v5 =	vperm.xlane v5, v0;
	v6 =	vsel vm7, s1, v6  }
0x15b: {  	v7 =	vperm.xlane v7, v1;
	v6 =	vperm.xlane v6, v1;
	_ =	sdelay $0x1  }
0x15c: {  	v5 =	vsel vm8, v7, v5;
	v6 =	vsel vm8, v6, v8  }
0x15d: {  	v5 =	vadd.s32 v5, v6  }
0x15e: {  	v5 =	vmul.u32 $0xF4240, v5;
	_ =	sdelay $0x1  }
0x15f: {  	v3 =	vsub.s32 v3, v5  }
0x160: {  	vm9 =	vlt.s32 v3, $0x0;
	v5 =	vadd.s32 $0xF4240, v3  }
0x161: {  	s1 =	sshra.s32 s16, $0x2;
	v3 =	vsel vm9, v5, v3;
	vm9 =	vcmask $0x704  }
0x162: {  	[tilespmem:v4+s1+$0x0 ss:$0x1] =	vst.idx.msk $0xffff, v3;
	v3 =	vshll.u32 v3, $0x1  }
0x163: {  	(v2sf) =	vpush v3, $0x1  }
0x164: {  	(v2sf) =	vpush v3, $0x0  }
0x165: {  	(v2sf) =	vpush v3, $0x7  }
0x166: {  	(v2sf) =	vpush v3, $0x2  }
0x167: {  	(v2sf) =	vpush v3, $0xE  }
0x168: {  	(v2sf) =	vpush v3, $0x3  }
0x169: {  	(v2sf) =	vpush v3, $0x4;
	_ =	sdelay $0x1  }
0x16a: {  	(v2sf) =	vpush v3, $0xC;
	_ =	sdelay $0x1  }
0x16b: {  	(v2sf) =	vpush v3, $0x8  }
0x16c: {  	(v2sf) =	vpush v3, $0x9  }
0x16d: {  	(v2sf) =	vpush v3, $0xF;
	_ =	sdelay $0x1  }
0x16e: {  	(v2sf) =	vpush v3, $0xD  }
0x16f: {  	s1 =	spop (v2sf)  }
0x170: {  	s2 =	spop (v2sf);
	s8 =	sshra.s32 s1, $0x1F;
	s1 =	smulhi.u32 $0x431BDE83, s1  }
0x171: {  	s3 =	smulhi.u32 $0x431BDE83, s2  }
0x172: {  	s2 =	sshra.s32 s2, $0x1F;
	s8 =	smul.u32 $0x431BDE83, s8  }
0x173: {  	s6 =	spop (v2sf);
	s2 =	smul.u32 $0x431BDE83, s2  }
0x174: {  	s9 =	spop (v2sf);
	s11 =	smulhi.u32 $0x431BDE83, s6  }
0x175: {  	s10 =	sshra.s32 s9, $0x1F;
	s12 =	spop (v2sf);
	s9 =	smulhi.u32 $0x431BDE83, s9  }
0x176: {  	s6 =	sshra.s32 s6, $0x1F;
	s13 =	smulhi.u32 $0x431BDE83, s12  }
0x177: {  	s12 =	sshra.s32 s12, $0x1F;
	s14 =	spop (v2sf);
	s3 =	sadd.s32 s2, s3  }
0x178: {  	s2 =	smul.u32 $0x431BDE83, s6;
	s15 =	sshra.s32 s14, $0x1F;
	s17 =	spop (v2sf)  }
0x179: {  	s12 =	smul.u32 $0x431BDE83, s12;
	s18 =	sshra.s32 s17, $0x1F;
	(v2sf) =	vpush v3, $0xA  }
0x17a: {  	s8 =	sadd.s32 s8, s1;
	s10 =	smul.u32 $0x431BDE83, s10;
	s6 =	spop (v2sf)  }
0x17b: {  	s14 =	smulhi.u32 $0x431BDE83, s14;
	s16 =	sadd.s32 s12, s13;
	s19 =	sshra.s32 s6, $0x1F  }
0x17c: {  	s11 =	sadd.s32 s2, s11;
	s15 =	smul.u32 $0x431BDE83, s15;
	s12 =	spop (v2sf)  }
0x17d: {  	s18 =	smul.u32 $0x431BDE83, s18;
	s2 =	sshra.s32 s12, $0x1F;
	s20 =	spop (v2sf);
	(v2sf) =	vpush v3, $0xB  }
0x17e: {  	s13 =	sshra.s32 s11, $0x1F;
	s6 =	smulhi.u32 $0x431BDE83, s6;
	s21 =	spop (v2sf)  }
0x17f: {  	s22 =	sshra.s32 s8, $0x1F;
	s26 =	sshra.s32 s3, $0x12;
	v5 =	vmov s13;
	s1 =	smulhi.u32 $0x431BDE83, s21  }
0x180: {  	v5 =	vsel vm3, s26, v5;
	s26 =	sshra.s32 s3, $0x1F;
	s23 =	sshra.s32 s20, $0x1F;
	s24 =	spop (v2sf)  }
0x181: {  	s19 =	smul.u32 $0x431BDE83, s19;
	s3 =	sshrl.u32 s3, $0x1F;
	s25 =	sshra.s32 s24, $0x1F;
	(v2sf) =	vpush v3, $0x5  }
0x182: {  	s28 =	sshra.s32 s8, $0x12;
	v6 =	vmov s3;
	s3 =	smulhi.u32 $0x431BDE83, s17;
	(v2sf) =	vpush v3, $0x6  }
0x183: {  	s13 =	sadd.s32 s10, s9;
	v5 =	vsel vm9, s26, v5;
	s12 =	smulhi.u32 $0x431BDE83, s12  }
0x184: {  	s14 =	sadd.s32 s15, s14;
	s9 =	sshra.s32 s13, $0x12;
	v5 =	vsel vm0, s28, v5;
	s20 =	smulhi.u32 $0x431BDE83, s20  }
0x185: {  	s6 =	sadd.s32 s19, s6;
	s19 =	sshra.s32 s21, $0x1F;
	v5 =	vsel vm10, s22, v5;
	s10 =	smulhi.u32 $0x431BDE83, s24  }
0x186: {  	s3 =	sadd.s32 s18, s3;
	s15 =	sshra.s32 s6, $0x12;
	s6 =	sshrl.u32 s6, $0x1F;
	v5 =	vsel vm1, s9, v5  }
0x187: {  	s9 =	sshrl.u32 s16, $0x1F;
	v8 =	vmov s6;
	s6 =	smul.u32 $0x431BDE83, s2  }
0x188: {  	s22 =	sshra.s32 s14, $0x12;
	s21 =	smul.u32 $0x431BDE83, s25;
	s18 =	spop (v2sf)  }
0x189: {  	s24 =	sshra.s32 s13, $0x1F;
	s17 =	smulhi.u32 $0x431BDE83, s18;
	s18 =	sshra.s32 s18, $0x1F  }
0x18a: {  	s8 =	sshrl.u32 s8, $0x1F;
	v6 =	vnsel vm3, $0x0, v6;
	s10 =	sadd.s32 s21, s10;
	s21 =	smul.u32 $0x431BDE83, s23  }
.Ltmp5:
0x18b: {  	v7 =	vsel vm0, s8, v6;
	v5 =	vsel vm11, s24, v5;
	s23 =	sshrl.u32 s10, $0x1F;
	s2 =	sshra.s32 s10, $0x12;
	(pc) =	sbr.rel @p0 .LBB2_9-.Ltmp5, $4  }
0x18c: {  	s8 =	smul.u32 $0x431BDE83, s19;
	s10 =	sshra.s32 s14, $0x1F;
	v6 =	vsel vm0, s23, v8;
	v8 =	vsel vm2, s22, v5;
	s25 =	spop (v2sf)  }
0x18d: {  	s24 =	sadd.s32 s6, s12;
	s6 =	sshra.s32 s3, $0x12;
	s19 =	sadd.s32 s21, s20;
	v5 =	vsel vm1, s9, v6;
	v6 =	vsel vm12, s10, v8  }
0x18e: {  	s22 =	sshrl.u32 s3, $0x1F;
	s3 =	sshra.s32 s3, $0x1F;
	v6 =	vsel vm4, s6, v6;
	s23 =	smulhi.u32 $0x431BDE83, s25  }
0x18f: {  	s26 =	sshrl.u32 s24, $0x1F;
	s20 =	sadd.s32 s8, s1;
	s1 =	sshra.s32 s16, $0x12;
	v6 =	vsel vm13, s3, v6  }
0x190: {  	s0 =	sadd.s32 $0x1, s0  }
0x191: {  	p0 =	sne.s32 s0, $0x8  }
.Ltmp6:
0x192: {  	_ = 	snop;
	(pc) =	sbr.rel @p0 .LBB2_8-.Ltmp6, $3  }
0x193: {  	_ =	sdelay $0x1  }
0x194: {  	s1 =	spop (v2sf)  }
0x195: {  	s5 =	sadd.s32 $0x10, s5;
	s1 =	spop (v2sf)  }
0x196: {  	s0 =	simm.s32 $0x80;
	s1 =	simm.s32 $0x0  }
.LBB2_12:
0x197: {  	p0 =	sne.s32 s0, $0x3F80;
	[tilespmem:s1+$0x2500] =	vst v2;
	s2 =	smov.u32 s0;
	s0 =	sadd.s32 $0x80, s0  }
.Ltmp7:
0x198: {  	[tilespmem:s1+$0x2510] =	vst v2;
	(pc) =	sbr.rel @p0 .LBB2_12-.Ltmp7, $2  }
0x199: {  	_ =	sdelay $0x2  }
0x19a: {  	s1 =	sshra.s32 s2, $0x2  }
0x19b: {  	[tilespmem:s1+$0x2500] =	vst v2;
	s0 =	rddreg [dreg:$0x3]  }
0x19c: {  	[tilespmem:s1+$0x2510] =	vst v2;
	s23 =	simm.s32 $0x80;
	s2 =	simm.s32 $0x1100;
	s3 =	simm.s32 $0x2500  }
0x19d: {  	[tilespmem:s3], [sflag:$0x2] =	stream.indirect.gather.add.f32 [hbm:s0], $0x20, s2, s23, $0xb8;
	[tilespmem:$0x3500] =	vst v63  }
0x19e: {  	s24 =	simm.s32 $0x1180  }
0x19f: {  	[tilespmem:s3], [sflag:$0x2] =	stream.indirect.gather.add.f32 [hbm:s0], $0x20, s24, s23, $0xb8;
	[tilespmem:$0x3500] =	vst v63  }
0x1a0: {  	s25 =	simm.s32 $0x1200  }
0x1a1: {  	[tilespmem:s3], [sflag:$0x2] =	stream.indirect.gather.add.f32 [hbm:s0], $0x20, s25, s23, $0xb8;
	[tilespmem:$0x3500] =	vst v63  }
0x1a2: {  	s26 =	simm.s32 $0x1280  }
0x1a3: {  	[tilespmem:s3], [sflag:$0x2] =	stream.indirect.gather.add.f32 [hbm:s0], $0x20, s26, s23, $0xb8;
	[tilespmem:$0x3500] =	vst v63  }
0x1a4: {  	s28 =	simm.s32 $0x1300  }
0x1a5: {  	[tilespmem:s3], [sflag:$0x2] =	stream.indirect.gather.add.f32 [hbm:s0], $0x20, s28, s23, $0xb8;
	[tilespmem:$0x3500] =	vst v63  }
0x1a6: {  	s29 =	simm.s32 $0x1380  }
0x1a7: {  	[tilespmem:s3], [sflag:$0x2] =	stream.indirect.gather.add.f32 [hbm:s0], $0x20, s29, s23, $0xb8;
	[tilespmem:$0x3500] =	vst v63  }
0x1a8: {  	s30 =	simm.s32 $0x1400  }
0x1a9: {  	[tilespmem:s3], [sflag:$0x2] =	stream.indirect.gather.add.f32 [hbm:s0], $0x20, s30, s23, $0xb8;
	[tilespmem:$0x3500] =	vst v63  }
0x1aa: {  	s31 =	simm.s32 $0x1480  }
0x1ab: {  	[tilespmem:s3], [sflag:$0x2] =	stream.indirect.gather.add.f32 [hbm:s0], $0x20, s31, s23, $0xb8;
	[tilespmem:$0x3500] =	vst v63  }
0x1ac: {  	s3 =	simm.s32 $0x0  }
.LBB2_14:
0x1ad: {  	s2 =	simm.s32 $0x1  }
0x1ae: {  	_ =	swait.ge [sflag:s2], $0x1000  }
0x1af: {  	[sflag:s2] =	ssyncset.done $0x0  }
0x1b0: {  	[sflag:s2] =	ssyncadd.s32 $0xFFFFF000  }
0x1b1: {  	_ =	swait.ge [sflag:s2], $0x1000  }
0x1b2: {  	[sflag:s2] =	ssyncset.done $0x0  }
0x1b3: {  	[sflag:s2] =	ssyncadd.s32 $0xFFFFF000  }
0x1b4: {  	_ =	swait.ge [sflag:s2], $0x1000  }
0x1b5: {  	[sflag:s2] =	ssyncset.done $0x0  }
0x1b6: {  	[sflag:s2] =	ssyncadd.s32 $0xFFFFF000  }
0x1b7: {  	_ =	swait.ge [sflag:s2], $0x1000  }
0x1b8: {  	[sflag:s2] =	ssyncset.done $0x0  }
0x1b9: {  	[sflag:s2] =	ssyncadd.s32 $0xFFFFF000  }
0x1ba: {  	_ =	swait.ge [sflag:s2], $0x1000  }
0x1bb: {  	[sflag:s2] =	ssyncset.done $0x0  }
0x1bc: {  	[sflag:s2] =	ssyncadd.s32 $0xFFFFF000  }
0x1bd: {  	_ =	swait.ge [sflag:s2], $0x1000  }
0x1be: {  	[sflag:s2] =	ssyncset.done $0x0  }
0x1bf: {  	[sflag:s2] =	ssyncadd.s32 $0xFFFFF000  }
0x1c0: {  	_ =	swait.ge [sflag:s2], $0x1000  }
0x1c1: {  	[sflag:s2] =	ssyncset.done $0x0  }
0x1c2: {  	[sflag:s2] =	ssyncadd.s32 $0xFFFFF000  }
0x1c3: {  	s1 =	sshll.u32 s3, $0xD;
	_ =	swait.ge [sflag:s2], $0x1000  }
0x1c4: {  	s29 =	simm.s32 $0x0;
	s0 =	rddreg [dreg:$0x5];
	[sflag:s2] =	ssyncset.done $0x0  }
0x1c5: {  	s30 =	simm.s32 $0x1500;
	s1 =	sadd.s32 s0, s1;
	[sflag:s2] =	ssyncadd.s32 $0xFFFFF000  }
0x1c6: {  	p0 =	seq.s32 s3, $0xC;
	s1 =	sshrl.u32 s1, $0x3;
	s28 =	rddreg [dreg:$0x1]  }
.Ltmp8:
0x1c7: {  	s31 =	simm.s32 $0x3;
	s1 =	sadd.s32 s28, s1;
	(pc) =	sbr.rel @p0 .LBB2_22-.Ltmp8, $4  }
0x1c8: {  	[hbm4b:s1+s29] =	stream.linear.scatter [tilespmem:s30], [sflag:$0x3], $0x1000, $0x38;
	[tilespmem:$0x3500] =	vst v63  }
0x1c9: {  	_ =	swait.ge [sflag:s31], $0x1000  }
0x1ca: {  	[sflag:s31] =	ssyncset.done $0x0  }
0x1cb: {  	s4 =	sshll.u32 s3, $0xA;
	[dreg:$0x9] =	wrdreg s3;
	[sflag:s31] =	ssyncadd.s32 $0xFFFFF000  }
0x1cc: {  	s1 =	sshra.s32 s4, $0x2  }
0x1cd: {  	s1 =	sadd.s32 $0x100, s1  }
0x1ce: {  	[dreg:$0xa] =	wrdreg s4;
	s7 =	simm.s32 $0x0;
	s11 =	simm.s32 $0xD00;
	v3 =	vmov s1  }
.LBB2_16:
0x1cf: {  	_ =	sdelay $0x2  }
0x1d0: {  	s1 =	sshll.u32 s7, $0x4  }
0x1d1: {  	v4 =	vld.idx.msk [tilespmem:v3+s1+$0x0 ss:$0x1], $0xffff;
	_ =	sdelay $0x4  }
0x1d2: {  	(v2sf) =	vpush v4, $0xD;
	_ =	sdelay $0x1  }
0x1d3: {  	(v2sf) =	vpush v4, $0xC;
	_ =	sdelay $0x1  }
0x1d4: {  	(v2sf) =	vpush v4, $0xE;
	_ =	sdelay $0x1  }
0x1d5: {  	(v2sf) =	vpush v4, $0xF;
	_ =	sdelay $0x1  }
0x1d6: {  	(v2sf) =	vpush v4, $0x9;
	_ =	sdelay $0x1  }
0x1d7: {  	(v2sf) =	vpush v4, $0x8;
	_ =	sdelay $0x1  }
0x1d8: {  	(v2sf) =	vpush v4, $0xA;
	_ =	sdelay $0x1  }
0x1d9: {  	(v2sf) =	vpush v4, $0xB  }
0x1da: {  	s21 =	spop (v2sf)  }
0x1db: {  	(v2sf) =	vpush v4, $0x0;
	s2 =	smulhi.u32 $0x431BDE83, s21;
	s1 =	sshra.s32 s21, $0x1F  }
0x1dc: {  	s3 =	spop (v2sf);
	(v2sf) =	vpush v4, $0x1;
	s1 =	smul.u32 $0x431BDE83, s1  }
0x1dd: {  	s6 =	smulhi.u32 $0x431BDE83, s3;
	s3 =	sshra.s32 s3, $0x1F;
	(v2sf) =	vpush v4, $0x2  }
0x1de: {  	s8 =	spop (v2sf);
	s3 =	smul.u32 $0x431BDE83, s3;
	(v2sf) =	vpush v4, $0x3  }
0x1df: {  	s9 =	smulhi.u32 $0x431BDE83, s8;
	s8 =	sshra.s32 s8, $0x1F;
	(v2sf) =	vpush v4, $0x4  }
0x1e0: {  	s10 =	spop (v2sf);
	s8 =	smul.u32 $0x431BDE83, s8;
	(v2sf) =	vpush v4, $0x5  }
0x1e1: {  	s22 =	smulhi.u32 $0x431BDE83, s10;
	s23 =	sshra.s32 s10, $0x1F;
	(v2sf) =	vpush v4, $0x6  }
0x1e2: {  	s13 =	sadd.s32 s1, s2;
	s24 =	spop (v2sf);
	s2 =	smul.u32 $0x431BDE83, s23;
	(v2sf) =	vpush v4, $0x7  }
0x1e3: {  	s20 =	sshrl.u32 s13, $0x1F;
	s25 =	smulhi.u32 $0x431BDE83, s24;
	s26 =	sshra.s32 s24, $0x1F  }
0x1e4: {  	s16 =	sadd.s32 s3, s6;
	s12 =	spop (v2sf);
	s6 =	smul.u32 $0x431BDE83, s26  }
0x1e5: {  	s10 =	sshrl.u32 s16, $0x1F;
	s30 =	smulhi.u32 $0x431BDE83, s12;
	s31 =	sshra.s32 s12, $0x1F  }
0x1e6: {  	s14 =	sadd.s32 s8, s9;
	s0 =	spop (v2sf);
	s9 =	smul.u32 $0x431BDE83, s31  }
0x1e7: {  	s15 =	sadd.s32 s2, s22;
	s2 =	smulhi.u32 $0x431BDE83, s0;
	s4 =	sshra.s32 s0, $0x1F  }
0x1e8: {  	s23 =	sshrl.u32 s14, $0x1F;
	s5 =	spop (v2sf);
	s12 =	smul.u32 $0x431BDE83, s4  }
0x1e9: {  	s17 =	sadd.s32 s6, s25;
	s6 =	smulhi.u32 $0x431BDE83, s5;
	s1 =	sshra.s32 s5, $0x1F  }
0x1ea: {  	s24 =	sshrl.u32 s15, $0x1F;
	s0 =	smul.u32 $0x431BDE83, s1;
	s4 =	spop (v2sf)  }
0x1eb: {  	s19 =	smulhi.u32 $0x431BDE83, s4;
	s18 =	sshra.s32 s4, $0x1F;
	s21 =	spop (v2sf)  }
0x1ec: {  	s22 =	sshrl.u32 s17, $0x1F;
	s8 =	smul.u32 $0x431BDE83, s18;
	s5 =	spop (v2sf)  }
0x1ed: {  	s25 =	smulhi.u32 $0x431BDE83, s21;
	s31 =	sshra.s32 s21, $0x1F;
	s21 =	spop (v2sf)  }
0x1ee: {  	s1 =	sadd.s32 s9, s30;
	s28 =	smul.u32 $0x431BDE83, s31;
	s29 =	spop (v2sf)  }
0x1ef: {  	s30 =	smulhi.u32 $0x431BDE83, s5;
	s9 =	sshra.s32 s5, $0x1F;
	s31 =	spop (v2sf)  }
0x1f0: {  	s2 =	sadd.s32 s12, s2;
	s9 =	smul.u32 $0x431BDE83, s9;
	s12 =	spop (v2sf)  }
0x1f1: {  	s18 =	sadd.s32 s0, s6;
	s0 =	smulhi.u32 $0x431BDE83, s21;
	s4 =	spop (v2sf)  }
0x1f2: {  	s26 =	sshrl.u32 s1, $0x1F;
	s5 =	smulhi.u32 $0x431BDE83, s4;
	s6 =	sshra.s32 s4, $0x1F  }
0x1f3: {  	s1 =	sshra.s32 s1, $0x12;
	s8 =	sadd.s32 s8, s19;
	s6 =	smul.u32 $0x431BDE83, s6  }
0x1f4: {  	s21 =	sshra.s32 s21, $0x1F;
	s25 =	sadd.s32 s28, s25;
	s28 =	sshrl.u32 s2, $0x1F  }
0x1f5: {  	v6 =	vmov s10;
	s21 =	smul.u32 $0x431BDE83, s21;
	s10 =	sshra.s32 s8, $0x1F;
	s19 =	sadd.s32 s6, s5  }
0x1f6: {  	vm10 =	vcmask $0xF0C;
	vm12 =	vcmask $0x1714;
	s9 =	sadd.s32 s9, s30;
	s30 =	sshrl.u32 s18, $0x1F;
	s4 =	sshra.s32 s19, $0x1F  }
0x1f7: {  	vm13 =	vcmask $0x1F1C;
	v6 =	vsel vm0, s20, v6;
	s3 =	sadd.s32 s21, s0;
	s21 =	smulhi.u32 $0x431BDE83, s29;
	s5 =	sshra.s32 s8, $0x12;
	v5 =	vmov s4  }
0x1f8: {  	vm14 =	vcmask $0x2724;
	v6 =	vsel vm1, s23, v6;
	s20 =	sshra.s32 s25, $0x12;
	s0 =	sshra.s32 s29, $0x1F;
	s23 =	smulhi.u32 $0x431BDE83, s12;
	v5 =	vsel vm3, s5, v5  }
0x1f9: {  	vm15 =	vcmask $0x2F2C;
	vm11 =	vcmask $0x3734;
	s6 =	sshrl.u32 s8, $0x1F;
	s4 =	smul.u32 $0x431BDE83, s0;
	s0 =	sshra.s32 s31, $0x1F;
	v5 =	vsel vm9, s10, v5  }
0x1fa: {  	v6 =	vsel vm2, s24, v6;
	s29 =	sshrl.u32 s25, $0x1F;
	v7 =	vmov s6;
	s10 =	smul.u32 $0x431BDE83, s0;
	s0 =	sshra.s32 s25, $0x1F;
	v5 =	vsel vm0, s20, v5  }
0x1fb: {  	v8 =	vmov s26;
	s12 =	sshra.s32 s12, $0x1F;
	s24 =	sshra.s32 s9, $0x12;
	s26 =	sshra.s32 s9, $0x1F;
	v7 =	vnsel vm3, $0x0, v7;
	v5 =	vsel vm10, s0, v5  }
0x1fc: {  	v8 =	vsel vm0, s22, v8;
	s8 =	sshrl.u32 s9, $0x1F;
	s6 =	smulhi.u32 $0x431BDE83, s31;
	s31 =	sshrl.u32 s3, $0x1F;
	v7 =	vsel vm0, s29, v7;
	v5 =	vsel vm1, s24, v5  }
0x1fd: {  	v8 =	vsel vm1, s28, v8;
	v7 =	vsel vm1, s8, v7;
	s4 =	sadd.s32 s4, s21;
	s25 =	smul.u32 $0x431BDE83, s12;
	s0 =	sshra.s32 s3, $0x12;
	v5 =	vsel vm12, s26, v5  }
0x1fe: {  	v8 =	vsel vm2, s30, v8;
	s21 =	sshra.s32 s16, $0x12;
	v7 =	vsel vm2, s31, v7;
	s31 =	sshrl.u32 s4, $0x1F;
	s3 =	sshra.s32 s3, $0x1F;
	v5 =	vsel vm2, s0, v5  }
0x1ff: {  	v9 =	vmov s1;
	v6 =	vcombine.low v8, v6;
	s20 =	sshra.s32 s4, $0x12;
	s22 =	sshra.s32 s4, $0x1F;
	s6 =	sadd.s32 s10, s6;
	v5 =	vsel vm13, s3, v5  }
0x200: {  	v8 =	vmov s21;
	v7 =	vsel vm4, s31, v7;
	s8 =	sadd.s32 s25, s23;
	s23 =	sshra.s32 s13, $0x12;
	s10 =	sshrl.u32 s6, $0x1F;
	v5 =	vsel vm4, s20, v5  }
0x201: {  	s12 =	sshrl.u32 s8, $0x1F;
	s24 =	sshra.s32 s17, $0x12;
	s25 =	sshra.s32 s6, $0x12;
	v8 =	vsel vm0, s23, v8;
	v7 =	vsel vm5, s10, v7;
	v5 =	vsel vm14, s22, v5  }
0x202: {  	s2 =	sshra.s32 s2, $0x12;
	s30 =	sshra.s32 s6, $0x1F;
	s26 =	sshra.s32 s14, $0x12;
	v9 =	vsel vm0, s24, v9;
	v7 =	vsel vm6, s12, v7;
	v5 =	vsel vm5, s25, v5  }
0x203: {  	s31 =	sshra.s32 s15, $0x12;
	s4 =	sshra.s32 s8, $0x12;
	v8 =	vsel vm1, s26, v8;
	v9 =	vsel vm1, s2, v9;
	s0 =	sshra.s32 s18, $0x12;
	v5 =	vsel vm15, s30, v5  }
0x204: {  	s5 =	sshrl.u32 s19, $0x1F;
	s6 =	sshra.s32 s8, $0x1F;
	v8 =	vsel vm2, s31, v8;
	v9 =	vsel vm2, s0, v9;
	v5 =	vsel vm6, s4, v5  }
0x205: {  	s8 =	sshra.s32 s19, $0x12;
	v7 =	vsel vm7, s5, v7;
	v8 =	vcombine.low v9, v8;
	v5 =	vsel vm11, s6, v5  }
0x206: {  	v6 =	vperm.xlane v6, v0;
	v7 =	vperm.xlane v7, v1;
	v5 =	vsel vm7, s8, v5  }
0x207: {  	v8 =	vperm.xlane v8, v0;
	v5 =	vperm.xlane v5, v1;
	_ =	sdelay $0x1  }
0x208: {  	v6 =	vsel vm8, v7, v6;
	v5 =	vsel vm8, v5, v8  }
0x209: {  	v5 =	vadd.s32 v6, v5  }
0x20a: {  	v5 =	vmul.u32 $0xF4240, v5;
	_ =	sdelay $0x1  }
0x20b: {  	v4 =	vsub.s32 v4, v5  }
0x20c: {  	vm9 =	vlt.s32 v4, $0x0;
	v5 =	vadd.s32 $0xF4240, v4  }
0x20d: {  	v6 =	vsel vm9, v5, v4  }
0x20e: {  	v4 =	vshll.u32 v6, $0x1  }
0x20f: {  	(v2sf) =	vpush v4, $0x1  }
0x210: {  	(v2sf) =	vpush v4, $0x0;
	_ =	sdelay $0x2  }
0x211: {  	(v2sf) =	vpush v4, $0x7  }
0x212: {  	(v2sf) =	vpush v4, $0x2;
	_ =	sdelay $0x1  }
0x213: {  	(v2sf) =	vpush v4, $0xE  }
0x214: {  	(v2sf) =	vpush v4, $0x3;
	_ =	sdelay $0x1  }
0x215: {  	(v2sf) =	vpush v4, $0x4  }
0x216: {  	(v2sf) =	vpush v4, $0xC;
	_ =	sdelay $0x2  }
0x217: {  	(v2sf) =	vpush v4, $0x8  }
0x218: {  	(v2sf) =	vpush v4, $0x9;
	s9 =	spop (v2sf)  }
0x219: {  	(v2sf) =	vpush v4, $0xF;
	s10 =	spop (v2sf);
	s25 =	smulhi.u32 $0x431BDE83, s9  }
0x21a: {  	(v2sf) =	vpush v4, $0xD;
	s17 =	sshra.s32 s9, $0x1F;
	s12 =	smulhi.u32 $0x431BDE83, s10  }
0x21b: {  	(v2sf) =	vpush v4, $0xA;
	s2 =	sshra.s32 s10, $0x1F;
	s5 =	smul.u32 $0x431BDE83, s17  }
0x21c: {  	s13 =	simm.s32 $0x200;
	s16 =	spop (v2sf);
	s2 =	smul.u32 $0x431BDE83, s2  }
0x21d: {  	s21 =	spop (v2sf);
	s22 =	smulhi.u32 $0x431BDE83, s16;
	s4 =	sshra.s32 s16, $0x1F  }
0x21e: {  	s18 =	simm.s32 $0x0;
	s8 =	sshra.s32 s21, $0x1F;
	s26 =	smul.u32 $0x431BDE83, s4  }
0x21f: {  	s23 =	spop (v2sf);
	s6 =	smulhi.u32 $0x431BDE83, s21;
	s5 =	sadd.s32 s5, s25  }
0x220: {  	s24 =	smulhi.u32 $0x431BDE83, s23;
	s10 =	sshra.s32 s23, $0x1F;
	s15 =	spop (v2sf)  }
0x221: {  	s2 =	sadd.s32 s2, s12;
	s8 =	smul.u32 $0x431BDE83, s8;
	s0 =	sshra.s32 s15, $0x1F  }
0x222: {  	s19 =	spop (v2sf);
	s14 =	smul.u32 $0x431BDE83, s10;
	s29 =	sshra.s32 s2, $0x12  }
0x223: {  	s16 =	smulhi.u32 $0x431BDE83, s15;
	s20 =	sshra.s32 s19, $0x1F;
	s30 =	spop (v2sf)  }
0x224: {  	s12 =	smul.u32 $0x431BDE83, s0;
	s15 =	sadd.s32 s8, s6;
	s6 =	sshra.s32 s5, $0x12  }
0x225: {  	s31 =	sshra.s32 s30, $0x1F;
	s1 =	sadd.s32 s14, s24;
	s10 =	smul.u32 $0x431BDE83, s20  }
0x226: {  	(v2sf) =	vpush v4, $0xB;
	s14 =	sadd.s32 s26, s22;
	s3 =	spop (v2sf);
	s4 =	smulhi.u32 $0x431BDE83, s30  }
0x227: {  	s24 =	sshra.s32 s5, $0x1F;
	s20 =	smulhi.u32 $0x431BDE83, s19;
	s21 =	spop (v2sf)  }
0x228: {  	s30 =	sshra.s32 s2, $0x1F;
	s0 =	smul.u32 $0x431BDE83, s31;
	s17 =	spop (v2sf)  }
0x229: {  	(v2sf) =	vpush v4, $0x5;
	s5 =	sshrl.u32 s5, $0x1F;
	s9 =	sshra.s32 s3, $0x1F;
	s26 =	spop (v2sf)  }
0x22a: {  	s3 =	smulhi.u32 $0x431BDE83, s3;
	s4 =	sadd.s32 s0, s4;
	s0 =	spop (v2sf);
	(v2sf) =	vpush v4, $0x6  }
0x22b: {  	s22 =	sshra.s32 s14, $0x1F;
	s25 =	sshra.s32 s21, $0x1F;
	s21 =	smulhi.u32 $0x431BDE83, s21  }
0x22c: {  	s31 =	sshrl.u32 s2, $0x1F;
	s16 =	sadd.s32 s12, s16;
	v5 =	vmov s22;
	s9 =	smul.u32 $0x431BDE83, s9  }
0x22d: {  	vm9 =	vcmask $0x704;
	s12 =	sshra.s32 s15, $0x12;
	s10 =	sadd.s32 s10, s20;
	s23 =	smulhi.u32 $0x431BDE83, s17;
	v5 =	vsel vm3, s29, v5  }
0x22e: {  	v8 =	vmov s31;
	s8 =	sshra.s32 s17, $0x1F;
	s29 =	sshrl.u32 s1, $0x1F;
	s31 =	sshra.s32 s10, $0x1F;
	v5 =	vsel vm9, s30, v5  }
0x22f: {  	s1 =	sshra.s32 s1, $0x12;
	s28 =	sshra.s32 s26, $0x1F;
	s22 =	smulhi.u32 $0x431BDE83, s26;
	v5 =	vsel vm0, s6, v5  }
0x230: {  	s17 =	sshra.s32 s4, $0x12;
	s4 =	sshrl.u32 s4, $0x1F;
	s30 =	smul.u32 $0x431BDE83, s28;
	v5 =	vsel vm10, s24, v5  }
0x231: {  	s26 =	sshra.s32 s15, $0x1F;
	s8 =	smul.u32 $0x431BDE83, s8;
	s6 =	sshra.s32 s16, $0x12;
	v7 =	vsel vm1, s12, v5;
	v5 =	vmov s11  }
0x232: {  	s24 =	sshra.s32 s16, $0x1F;
	s2 =	sadd.s32 s30, s22;
	s30 =	smul.u32 $0x431BDE83, s25;
	v7 =	vsel vm12, s26, v7  }
0x233: {  	s23 =	sadd.s32 s8, s23;
	s19 =	smulhi.u32 $0x431BDE83, s0;
	s20 =	sshra.s32 s0, $0x1F;
	v7 =	vsel vm2, s6, v7  }
0x234: {  	v9 =	vmov s4;
	s0 =	sshrl.u32 s2, $0x1F;
	s22 =	sadd.s32 s30, s21;
	s30 =	sshra.s32 s10, $0x12;
	v7 =	vsel vm13, s24, v7  }
0x235: {  	v8 =	vnsel vm3, $0x0, v8;
	s26 =	sadd.s32 s9, s3;
	s2 =	sshra.s32 s2, $0x12;
	s28 =	spop (v2sf);
	v9 =	vsel vm0, s0, v9;
	v7 =	vsel vm4, s30, v7  }
0x236: {  	v8 =	vsel vm0, s5, v8;
	s25 =	smulhi.u32 $0x431BDE83, s28;
	s24 =	sshrl.u32 s10, $0x1F;
	[tilespmem:v5+s18+$0x0 ss:$0x1] =	vst.idx.msk $0xffff, v6;
	v6 =	vsel vm1, s29, v9;
	s29 =	sshrl.u32 s26, $0x1F;
	v7 =	vsel vm14, s31, v7  }
.LBB2_17:
0x237: {  	s3 =	smul.u32 $0x431BDE83, s20  }
0x238: {  	s4 =	sshra.s32 s28, $0x1F;
	s5 =	spop (v2sf);
	s18 =	smov.u32 s13  }
0x239: {  	s6 =	smulhi.u32 $0x431BDE83, s5;
	s5 =	sshra.s32 s5, $0x1F;
	s8 =	spop (v2sf)  }
0x23a: {  	s9 =	sshra.s32 s26, $0x12;
	s4 =	smul.u32 $0x431BDE83, s4;
	s3 =	sadd.s32 s3, s19  }
0x23b: {  	v9 =	vmov s29;
	s10 =	sshrl.u32 s15, $0x1F;
	s12 =	sshra.s32 s22, $0x12;
	s5 =	smul.u32 $0x431BDE83, s5  }
0x23c: {  	v10 =	vmov s17;
	v8 =	vsel vm1, s10, v8;
	s10 =	sshrl.u32 s16, $0x1F;
	v11 =	vmov s9;
	s15 =	smulhi.u32 $0x431BDE83, s8;
	s8 =	sshra.s32 s8, $0x1F  }
0x23d: {  	v10 =	vsel vm0, s2, v10;
	v8 =	vsel vm2, s10, v8;
	v11 =	vsel vm0, s12, v11;
	s4 =	sadd.s32 s4, s25;
	s8 =	smul.u32 $0x431BDE83, s8;
	s2 =	sshra.s32 s3, $0x12  }
0x23e: {  	v10 =	vsel vm1, s1, v10;
	s1 =	sshra.s32 s23, $0x12;
	v8 =	vsel vm4, s24, v8;
	s5 =	sadd.s32 s5, s6;
	v11 =	vsel vm1, s2, v11;
	s2 =	sshra.s32 s4, $0x12  }
0x23f: {  	v10 =	vsel vm2, s1, v10;
	s6 =	sshrl.u32 s22, $0x1F;
	s8 =	sadd.s32 s8, s15;
	v11 =	vsel vm2, s2, v11;
	s1 =	sshra.s32 s5, $0x1F  }
0x240: {  	v9 =	vsel vm0, s6, v9;
	s2 =	sshrl.u32 s3, $0x1F;
	s3 =	sshra.s32 s5, $0x12;
	v10 =	vcombine.low v11, v10;
	s6 =	sshra.s32 s8, $0x12  }
0x241: {  	s9 =	sshrl.u32 s23, $0x1F;
	v9 =	vsel vm1, s2, v9;
	s2 =	sshrl.u32 s4, $0x1F;
	s4 =	sshrl.u32 s5, $0x1F;
	v7 =	vsel vm5, s3, v7  }
0x242: {  	p1 =	sne.s32 s13, $0xE00;
	v6 =	vsel vm2, s9, v6;
	v9 =	vsel vm2, s2, v9;
	s2 =	sshrl.u32 s8, $0x1F;
	v7 =	vsel vm15, s1, v7;
	s1 =	sshra.s32 s14, $0x12  }
0x243: {  	s13 =	sadd.s32 $0x200, s13;
	s3 =	sshrl.u32 s14, $0x1F;
	v8 =	vsel vm5, s4, v8;
	s4 =	sshra.s32 s8, $0x1F;
	v6 =	vcombine.low v9, v6;
	v7 =	vsel vm6, s6, v7  }
0x244: {  	v8 =	vsel vm6, s2, v8;
	v9 =	vperm.xlane v10, v0;
	v7 =	vsel vm11, s4, v7  }
0x245: {  	v8 =	vsel vm7, s3, v8;
	v6 =	vperm.xlane v6, v0;
	v7 =	vsel vm7, s1, v7  }
0x246: {  	v8 =	vperm.xlane v8, v1;
	v7 =	vperm.xlane v7, v1;
	_ =	sdelay $0x1  }
0x247: {  	v6 =	vsel vm8, v8, v6;
	v7 =	vsel vm8, v7, v9  }
0x248: {  	v6 =	vadd.s32 v6, v7  }
0x249: {  	v6 =	vmul.u32 $0xF4240, v6;
	_ =	sdelay $0x1  }
0x24a: {  	v4 =	vsub.s32 v4, v6  }
0x24b: {  	vm9 =	vlt.s32 v4, $0x0;
	v6 =	vadd.s32 $0xF4240, v4  }
0x24c: {  	s1 =	sshra.s32 s18, $0x2;
	v4 =	vsel vm9, v6, v4;
	vm9 =	vcmask $0x704  }
0x24d: {  	[tilespmem:v5+s1+$0x0 ss:$0x1] =	vst.idx.msk $0xffff, v4;
	v4 =	vshll.u32 v4, $0x1  }
0x24e: {  	(v2sf) =	vpush v4, $0x1  }
0x24f: {  	(v2sf) =	vpush v4, $0x0  }
0x250: {  	(v2sf) =	vpush v4, $0x7  }
0x251: {  	(v2sf) =	vpush v4, $0x2  }
0x252: {  	(v2sf) =	vpush v4, $0xE  }
0x253: {  	(v2sf) =	vpush v4, $0x3  }
0x254: {  	(v2sf) =	vpush v4, $0x4;
	_ =	sdelay $0x1  }
0x255: {  	(v2sf) =	vpush v4, $0xC;
	_ =	sdelay $0x1  }
0x256: {  	(v2sf) =	vpush v4, $0x8  }
0x257: {  	(v2sf) =	vpush v4, $0x9  }
0x258: {  	(v2sf) =	vpush v4, $0xF;
	_ =	sdelay $0x1  }
0x259: {  	(v2sf) =	vpush v4, $0xD  }
0x25a: {  	s1 =	spop (v2sf)  }
0x25b: {  	s2 =	spop (v2sf);
	s5 =	sshra.s32 s1, $0x1F;
	s1 =	smulhi.u32 $0x431BDE83, s1  }
0x25c: {  	s3 =	smulhi.u32 $0x431BDE83, s2  }
0x25d: {  	s2 =	sshra.s32 s2, $0x1F;
	s5 =	smul.u32 $0x431BDE83, s5  }
0x25e: {  	s4 =	spop (v2sf);
	s2 =	smul.u32 $0x431BDE83, s2  }
0x25f: {  	s6 =	spop (v2sf);
	s9 =	smulhi.u32 $0x431BDE83, s4  }
0x260: {  	s8 =	sshra.s32 s6, $0x1F;
	s10 =	spop (v2sf);
	s6 =	smulhi.u32 $0x431BDE83, s6  }
0x261: {  	s4 =	sshra.s32 s4, $0x1F;
	s12 =	smulhi.u32 $0x431BDE83, s10  }
0x262: {  	s10 =	sshra.s32 s10, $0x1F;
	s15 =	spop (v2sf);
	s3 =	sadd.s32 s2, s3  }
0x263: {  	s2 =	smul.u32 $0x431BDE83, s4;
	s16 =	sshra.s32 s15, $0x1F;
	s17 =	spop (v2sf)  }
0x264: {  	s10 =	smul.u32 $0x431BDE83, s10;
	s19 =	sshra.s32 s17, $0x1F;
	(v2sf) =	vpush v4, $0xA  }
0x265: {  	s8 =	smul.u32 $0x431BDE83, s8;
	s14 =	sadd.s32 s2, s9;
	s4 =	spop (v2sf)  }
0x266: {  	s18 =	sadd.s32 s10, s12;
	s10 =	smul.u32 $0x431BDE83, s16;
	s20 =	sshra.s32 s4, $0x1F  }
0x267: {  	s16 =	sshra.s32 s14, $0x1F;
	s19 =	smul.u32 $0x431BDE83, s19;
	s9 =	spop (v2sf)  }
0x268: {  	s4 =	smulhi.u32 $0x431BDE83, s4;
	s2 =	sshra.s32 s9, $0x1F;
	s12 =	spop (v2sf);
	(v2sf) =	vpush v4, $0xB  }
0x269: {  	s5 =	sadd.s32 s5, s1;
	v6 =	vmov s16;
	s16 =	smulhi.u32 $0x431BDE83, s15;
	s21 =	spop (v2sf)  }
0x26a: {  	s22 =	sshra.s32 s5, $0x1F;
	s26 =	sshra.s32 s3, $0x12;
	s1 =	smulhi.u32 $0x431BDE83, s21  }
0x26b: {  	v6 =	vsel vm3, s26, v6;
	s26 =	sshra.s32 s3, $0x1F;
	s23 =	sshra.s32 s12, $0x1F;
	s24 =	spop (v2sf)  }
0x26c: {  	s20 =	smul.u32 $0x431BDE83, s20;
	s3 =	sshrl.u32 s3, $0x1F;
	s25 =	sshra.s32 s24, $0x1F;
	(v2sf) =	vpush v4, $0x5  }
0x26d: {  	s28 =	sshra.s32 s5, $0x12;
	v7 =	vmov s3;
	s3 =	smulhi.u32 $0x431BDE83, s17;
	(v2sf) =	vpush v4, $0x6  }
0x26e: {  	s15 =	sadd.s32 s8, s6;
	v6 =	vsel vm9, s26, v6;
	s9 =	smulhi.u32 $0x431BDE83, s9  }
0x26f: {  	s6 =	sshra.s32 s15, $0x12;
	s16 =	sadd.s32 s10, s16;
	v6 =	vsel vm0, s28, v6;
	s12 =	smulhi.u32 $0x431BDE83, s12  }
0x270: {  	s4 =	sadd.s32 s20, s4;
	s10 =	sshra.s32 s21, $0x1F;
	v6 =	vsel vm10, s22, v6;
	s8 =	smulhi.u32 $0x431BDE83, s24  }
0x271: {  	s3 =	sadd.s32 s19, s3;
	s17 =	sshra.s32 s4, $0x12;
	s4 =	sshrl.u32 s4, $0x1F;
	v6 =	vsel vm1, s6, v6  }
0x272: {  	s6 =	sshrl.u32 s18, $0x1F;
	v9 =	vmov s4;
	s4 =	smul.u32 $0x431BDE83, s2  }
0x273: {  	s22 =	sshra.s32 s16, $0x12;
	s21 =	smul.u32 $0x431BDE83, s25;
	s20 =	spop (v2sf)  }
0x274: {  	s24 =	sshra.s32 s15, $0x1F;
	s19 =	smulhi.u32 $0x431BDE83, s20;
	s20 =	sshra.s32 s20, $0x1F  }
0x275: {  	s5 =	sshrl.u32 s5, $0x1F;
	v7 =	vnsel vm3, $0x0, v7;
	s8 =	sadd.s32 s21, s8;
	s21 =	smul.u32 $0x431BDE83, s23  }
.Ltmp9:
0x276: {  	v8 =	vsel vm0, s5, v7;
	v6 =	vsel vm12, s24, v6;
	s23 =	sshrl.u32 s8, $0x1F;
	s2 =	sshra.s32 s8, $0x12;
	(pc) =	sbr.rel @p1 .LBB2_17-.Ltmp9, $4  }
0x277: {  	s5 =	smul.u32 $0x431BDE83, s10;
	s8 =	sshra.s32 s16, $0x1F;
	v7 =	vsel vm0, s23, v9;
	v9 =	vsel vm2, s22, v6;
	s28 =	spop (v2sf)  }
0x278: {  	s26 =	sadd.s32 s4, s9;
	s4 =	sshra.s32 s3, $0x12;
	s22 =	sadd.s32 s21, s12;
	v6 =	vsel vm1, s6, v7;
	v7 =	vsel vm13, s8, v9  }
0x279: {  	s24 =	sshrl.u32 s3, $0x1F;
	s3 =	sshra.s32 s3, $0x1F;
	v7 =	vsel vm4, s4, v7;
	s25 =	smulhi.u32 $0x431BDE83, s28  }
0x27a: {  	s29 =	sshrl.u32 s26, $0x1F;
	s23 =	sadd.s32 s5, s1;
	s1 =	sshra.s32 s18, $0x12;
	v7 =	vsel vm14, s3, v7  }
0x27b: {  	s7 =	sadd.s32 $0x1, s7  }
0x27c: {  	p1 =	sne.s32 s7, $0x8  }
.Ltmp10:
0x27d: {  	_ = 	snop;
	(pc) =	sbr.rel @p1 .LBB2_16-.Ltmp10, $3  }
0x27e: {  	_ =	sdelay $0x1  }
0x27f: {  	s1 =	spop (v2sf)  }
0x280: {  	s11 =	sadd.s32 $0x10, s11;
	s1 =	spop (v2sf)  }
0x281: {  	s1 =	simm.s32 $0x80;
	s2 =	simm.s32 $0x0  }
.LBB2_20:
0x282: {  	p1 =	sne.s32 s1, $0x3F80;
	[tilespmem:s2+$0x1500] =	vst v2;
	s3 =	smov.u32 s1;
	s1 =	sadd.s32 $0x80, s1  }
.Ltmp11:
0x283: {  	[tilespmem:s2+$0x1510] =	vst v2;
	(pc) =	sbr.rel @p1 .LBB2_20-.Ltmp11, $2  }
0x284: {  	_ =	sdelay $0x2  }
0x285: {  	s2 =	sshra.s32 s3, $0x2  }
0x286: {  	[tilespmem:s2+$0x1500] =	vst v2;
	s0 =	rddreg [dreg:$0x3]  }
0x287: {  	[tilespmem:s2+$0x1510] =	vst v2;
	s1 =	simm.s32 $0x80;
	s23 =	simm.s32 $0xD00;
	s3 =	simm.s32 $0x1500  }
0x288: {  	[tilespmem:s3], [sflag:$0x1] =	stream.indirect.gather.add.f32 [hbm:s0], $0x20, s23, s1, $0xb8;
	[tilespmem:$0x3500] =	vst v63  }
0x289: {  	s24 =	simm.s32 $0xD80  }
0x28a: {  	[tilespmem:s3], [sflag:$0x1] =	stream.indirect.gather.add.f32 [hbm:s0], $0x20, s24, s1, $0xb8;
	[tilespmem:$0x3500] =	vst v63  }
0x28b: {  	s25 =	simm.s32 $0xE00  }
0x28c: {  	[tilespmem:s3], [sflag:$0x1] =	stream.indirect.gather.add.f32 [hbm:s0], $0x20, s25, s1, $0xb8;
	[tilespmem:$0x3500] =	vst v63  }
0x28d: {  	s26 =	simm.s32 $0xE80  }
0x28e: {  	[tilespmem:s3], [sflag:$0x1] =	stream.indirect.gather.add.f32 [hbm:s0], $0x20, s26, s1, $0xb8;
	[tilespmem:$0x3500] =	vst v63  }
0x28f: {  	s28 =	simm.s32 $0xF00  }
0x290: {  	[tilespmem:s3], [sflag:$0x1] =	stream.indirect.gather.add.f32 [hbm:s0], $0x20, s28, s1, $0xb8;
	[tilespmem:$0x3500] =	vst v63  }
0x291: {  	s29 =	simm.s32 $0xF80  }
0x292: {  	[tilespmem:s3], [sflag:$0x1] =	stream.indirect.gather.add.f32 [hbm:s0], $0x20, s29, s1, $0xb8;
	[tilespmem:$0x3500] =	vst v63  }
0x293: {  	s30 =	simm.s32 $0x1000  }
0x294: {  	[tilespmem:s3], [sflag:$0x1] =	stream.indirect.gather.add.f32 [hbm:s0], $0x20, s30, s1, $0xb8;
	[tilespmem:$0x3500] =	vst v63  }
0x295: {  	s31 =	simm.s32 $0x1080;
	vm11 =	vcmask $0x1714;
	vm12 =	vcmask $0x1F1C;
	s4 =	rddreg [dreg:$0xa]  }
0x296: {  	vm13 =	vcmask $0x2724;
	vm14 =	vcmask $0x2F2C;
	vm15 =	vcmask $0x3734;
	[tilespmem:s3], [sflag:$0x1] =	stream.indirect.gather.add.f32 [hbm:s0], $0x20, s31, s1, $0xb8;
	[tilespmem:$0x3500] =	vst v63  }
.LBB2_22:
0x297: {  	s0 =	simm.s32 $0x2  }
0x298: {  	_ =	swait.ge [sflag:s0], $0x1000  }
0x299: {  	[sflag:s0] =	ssyncset.done $0x0  }
0x29a: {  	[sflag:s0] =	ssyncadd.s32 $0xFFFFF000  }
0x29b: {  	_ =	swait.ge [sflag:s0], $0x1000  }
0x29c: {  	[sflag:s0] =	ssyncset.done $0x0  }
0x29d: {  	[sflag:s0] =	ssyncadd.s32 $0xFFFFF000  }
0x29e: {  	_ =	swait.ge [sflag:s0], $0x1000  }
0x29f: {  	[sflag:s0] =	ssyncset.done $0x0  }
0x2a0: {  	[sflag:s0] =	ssyncadd.s32 $0xFFFFF000  }
0x2a1: {  	_ =	swait.ge [sflag:s0], $0x1000  }
0x2a2: {  	[sflag:s0] =	ssyncset.done $0x0  }
0x2a3: {  	[sflag:s0] =	ssyncadd.s32 $0xFFFFF000  }
0x2a4: {  	_ =	swait.ge [sflag:s0], $0x1000  }
0x2a5: {  	[sflag:s0] =	ssyncset.done $0x0  }
0x2a6: {  	[sflag:s0] =	ssyncadd.s32 $0xFFFFF000  }
0x2a7: {  	_ =	swait.ge [sflag:s0], $0x1000  }
0x2a8: {  	[sflag:s0] =	ssyncset.done $0x0  }
0x2a9: {  	[sflag:s0] =	ssyncadd.s32 $0xFFFFF000  }
0x2aa: {  	_ =	swait.ge [sflag:s0], $0x1000  }
0x2ab: {  	[sflag:s0] =	ssyncset.done $0x0  }
0x2ac: {  	[sflag:s0] =	ssyncadd.s32 $0xFFFFF000  }
0x2ad: {  	s30 =	simm.s32 $0x0;
	s2 =	simm.s32 $0x2500;
	_ =	swait.ge [sflag:s0], $0x1000  }
0x2ae: {  	s31 =	simm.s32 $0x3;
	[sflag:s0] =	ssyncset.done $0x0;
	s29 =	rddreg [dreg:$0x7]  }
.Ltmp12:
0x2af: {  	[sflag:s0] =	ssyncadd.s32 $0xFFFFF000;
	s1 =	sadd.s32 s29, s4;
	(pc) =	sbr.rel @p0 .LBB2_30-.Ltmp12, $4  }
0x2b0: {  	[hbm4b:s1+s30] =	stream.linear.scatter [tilespmem:s2], [sflag:$0x3], $0x1000, $0x38;
	[tilespmem:$0x3500] =	vst v63  }
0x2b1: {  	_ =	swait.ge [sflag:s31], $0x1000  }
0x2b2: {  	[sflag:s31] =	ssyncset.done $0x0  }
0x2b3: {  	[sflag:s31] =	ssyncadd.s32 $0xFFFFF000  }
0x2b4: {  	s1 =	sshra.s32 s4, $0x2  }
0x2b5: {  	s1 =	sadd.s32 $0x180, s1  }
0x2b6: {  	s5 =	simm.s32 $0x0;
	s7 =	simm.s32 $0x1100;
	v3 =	vmov s1  }
.LBB2_24:
0x2b7: {  	_ =	sdelay $0x2  }
0x2b8: {  	s1 =	sshll.u32 s5, $0x4  }
0x2b9: {  	v4 =	vld.idx.msk [tilespmem:v3+s1+$0x0 ss:$0x1], $0xffff;
	_ =	sdelay $0x4  }
0x2ba: {  	(v2sf) =	vpush v4, $0xD;
	_ =	sdelay $0x1  }
0x2bb: {  	(v2sf) =	vpush v4, $0xC;
	_ =	sdelay $0x1  }
0x2bc: {  	(v2sf) =	vpush v4, $0xE;
	_ =	sdelay $0x1  }
0x2bd: {  	(v2sf) =	vpush v4, $0xF;
	_ =	sdelay $0x1  }
0x2be: {  	(v2sf) =	vpush v4, $0x9;
	_ =	sdelay $0x1  }
0x2bf: {  	(v2sf) =	vpush v4, $0x8;
	_ =	sdelay $0x1  }
0x2c0: {  	(v2sf) =	vpush v4, $0xA;
	_ =	sdelay $0x1  }
0x2c1: {  	(v2sf) =	vpush v4, $0xB  }
0x2c2: {  	s13 =	spop (v2sf)  }
0x2c3: {  	s2 =	smulhi.u32 $0x431BDE83, s13;
	s1 =	sshra.s32 s13, $0x1F  }
0x2c4: {  	(v2sf) =	vpush v4, $0x0;
	s3 =	spop (v2sf);
	s1 =	smul.u32 $0x431BDE83, s1  }
0x2c5: {  	(v2sf) =	vpush v4, $0x1;
	s4 =	smulhi.u32 $0x431BDE83, s3;
	s3 =	sshra.s32 s3, $0x1F  }
0x2c6: {  	(v2sf) =	vpush v4, $0x2;
	s6 =	spop (v2sf);
	s3 =	smul.u32 $0x431BDE83, s3  }
0x2c7: {  	(v2sf) =	vpush v4, $0x3;
	s8 =	smulhi.u32 $0x431BDE83, s6;
	s6 =	sshra.s32 s6, $0x1F  }
0x2c8: {  	s9 =	spop (v2sf);
	(v2sf) =	vpush v4, $0x4;
	s6 =	smul.u32 $0x431BDE83, s6  }
0x2c9: {  	s14 =	smulhi.u32 $0x431BDE83, s9;
	s16 =	sshra.s32 s9, $0x1F;
	(v2sf) =	vpush v4, $0x5  }
0x2ca: {  	s11 =	sadd.s32 s1, s2;
	s17 =	spop (v2sf);
	s2 =	smul.u32 $0x431BDE83, s16;
	(v2sf) =	vpush v4, $0x6  }
0x2cb: {  	s19 =	sshrl.u32 s11, $0x1F;
	s18 =	smulhi.u32 $0x431BDE83, s17;
	s20 =	sshra.s32 s17, $0x1F;
	(v2sf) =	vpush v4, $0x7  }
0x2cc: {  	s15 =	sadd.s32 s3, s4;
	s10 =	spop (v2sf);
	s4 =	smul.u32 $0x431BDE83, s20  }
0x2cd: {  	s9 =	sshrl.u32 s15, $0x1F;
	s21 =	smulhi.u32 $0x431BDE83, s10;
	s23 =	sshra.s32 s10, $0x1F  }
0x2ce: {  	s13 =	sadd.s32 s6, s8;
	s24 =	spop (v2sf);
	s8 =	smul.u32 $0x431BDE83, s23  }
0x2cf: {  	s14 =	sadd.s32 s2, s14;
	s2 =	smulhi.u32 $0x431BDE83, s24;
	s25 =	sshra.s32 s24, $0x1F  }
0x2d0: {  	s22 =	sshrl.u32 s13, $0x1F;
	s26 =	spop (v2sf);
	s10 =	smul.u32 $0x431BDE83, s25  }
0x2d1: {  	v6 =	vmov s9;
	s16 =	sadd.s32 s4, s18;
	s3 =	smulhi.u32 $0x431BDE83, s26;
	s1 =	sshra.s32 s26, $0x1F  }
0x2d2: {  	s23 =	sshrl.u32 s14, $0x1F;
	v6 =	vsel vm0, s19, v6;
	s20 =	sshrl.u32 s16, $0x1F;
	s4 =	smul.u32 $0x431BDE83, s1  }
0x2d3: {  	s1 =	sadd.s32 s8, s21;
	v6 =	vsel vm1, s22, v6;
	s22 =	sshra.s32 s15, $0x12;
	s29 =	spop (v2sf)  }
0x2d4: {  	s12 =	smulhi.u32 $0x431BDE83, s29;
	s17 =	sshra.s32 s29, $0x1F;
	s18 =	spop (v2sf)  }
0x2d5: {  	s24 =	sshrl.u32 s1, $0x1F;
	s6 =	smul.u32 $0x431BDE83, s17;
	s30 =	spop (v2sf)  }
0x2d6: {  	s21 =	smulhi.u32 $0x431BDE83, s18;
	s31 =	sshra.s32 s18, $0x1F;
	s0 =	spop (v2sf)  }
0x2d7: {  	s2 =	sadd.s32 s10, s2;
	s25 =	smul.u32 $0x431BDE83, s31;
	s26 =	spop (v2sf)  }
0x2d8: {  	s28 =	smulhi.u32 $0x431BDE83, s30;
	s8 =	sshra.s32 s30, $0x1F;
	s29 =	spop (v2sf)  }
0x2d9: {  	s1 =	sshra.s32 s1, $0x12;
	s8 =	smul.u32 $0x431BDE83, s8;
	s10 =	spop (v2sf)  }
0x2da: {  	s17 =	sadd.s32 s4, s3;
	s3 =	smulhi.u32 $0x431BDE83, s0;
	s30 =	spop (v2sf)  }
0x2db: {  	v8 =	vmov s24;
	s24 =	sshra.s32 s11, $0x12;
	s31 =	smulhi.u32 $0x431BDE83, s30;
	s4 =	sshra.s32 s30, $0x1F  }
0x2dc: {  	s6 =	sadd.s32 s6, s12;
	s18 =	sshra.s32 s0, $0x1F;
	s4 =	smul.u32 $0x431BDE83, s4  }
0x2dd: {  	s21 =	sadd.s32 s25, s21;
	s8 =	sadd.s32 s8, s28;
	s28 =	smul.u32 $0x431BDE83, s18  }
0x2de: {  	s25 =	sshrl.u32 s2, $0x1F;
	s12 =	smulhi.u32 $0x431BDE83, s26;
	s18 =	sadd.s32 s4, s31  }
0x2df: {  	vm11 =	vcmask $0xF0C;
	vm12 =	vcmask $0x1714;
	s26 =	sshra.s32 s26, $0x1F;
	s3 =	sadd.s32 s28, s3;
	s28 =	sshra.s32 s18, $0x1F  }
0x2e0: {  	vm13 =	vcmask $0x1F1C;
	vm14 =	vcmask $0x2724;
	s0 =	sshrl.u32 s6, $0x1F;
	s9 =	smul.u32 $0x431BDE83, s26;
	s31 =	sshra.s32 s6, $0x12;
	v5 =	vmov s28  }
0x2e1: {  	v6 =	vsel vm2, s23, v6;
	v8 =	vsel vm0, s20, v8;
	s2 =	sshra.s32 s2, $0x12;
	s23 =	smulhi.u32 $0x431BDE83, s10;
	s6 =	sshra.s32 s6, $0x1F;
	v5 =	vsel vm3, s31, v5  }
0x2e2: {  	vm15 =	vcmask $0x2F2C;
	v8 =	vsel vm1, s25, v8;
	s25 =	sshra.s32 s16, $0x12;
	s4 =	smulhi.u32 $0x431BDE83, s29;
	s31 =	sshra.s32 s21, $0x12;
	v5 =	vsel vm9, s6, v5  }
0x2e3: {  	vm10 =	vmmov vm7;
	v9 =	vmov s1;
	s29 =	sshra.s32 s29, $0x1F;
	s28 =	sshrl.u32 s21, $0x1F;
	s21 =	sshra.s32 s21, $0x1F;
	v5 =	vsel vm0, s31, v5  }
0x2e4: {  	v7 =	vmov s0;
	s10 =	sshra.s32 s10, $0x1F;
	v9 =	vsel vm0, s25, v9;
	s19 =	smul.u32 $0x431BDE83, s29;
	s29 =	sshra.s32 s8, $0x12;
	v5 =	vsel vm11, s21, v5  }
0x2e5: {  	v7 =	vnsel vm3, $0x0, v7;
	s30 =	sshrl.u32 s17, $0x1F;
	s10 =	smul.u32 $0x431BDE83, s10;
	v9 =	vsel vm1, s2, v9;
	s31 =	sshra.s32 s8, $0x1F;
	v5 =	vsel vm1, s29, v5  }
0x2e6: {  	s26 =	sshrl.u32 s8, $0x1F;
	s9 =	sadd.s32 s9, s12;
	s12 =	sshra.s32 s3, $0x12;
	v8 =	vsel vm2, s30, v8;
	v7 =	vsel vm0, s28, v7;
	v5 =	vsel vm12, s31, v5  }
0x2e7: {  	s0 =	sshrl.u32 s3, $0x1F;
	s3 =	sshra.s32 s3, $0x1F;
	s10 =	sadd.s32 s10, s23;
	v6 =	vcombine.low v8, v6;
	v7 =	vsel vm1, s26, v7;
	v5 =	vsel vm2, s12, v5  }
0x2e8: {  	v8 =	vmov s22;
	s4 =	sadd.s32 s19, s4;
	v7 =	vsel vm2, s0, v7;
	s0 =	sshrl.u32 s9, $0x1F;
	s21 =	sshra.s32 s9, $0x12;
	v5 =	vsel vm13, s3, v5  }
0x2e9: {  	s23 =	sshra.s32 s9, $0x1F;
	v8 =	vsel vm0, s24, v8;
	s19 =	sshrl.u32 s4, $0x1F;
	v7 =	vsel vm4, s0, v7;
	s0 =	sshra.s32 s17, $0x12;
	v5 =	vsel vm4, s21, v5  }
0x2ea: {  	s20 =	sshrl.u32 s10, $0x1F;
	s26 =	sshra.s32 s4, $0x12;
	v7 =	vsel vm5, s19, v7;
	s29 =	sshra.s32 s13, $0x12;
	v9 =	vsel vm2, s0, v9;
	v5 =	vsel vm14, s23, v5  }
0x2eb: {  	s30 =	sshra.s32 s4, $0x1F;
	s6 =	sshrl.u32 s18, $0x1F;
	v7 =	vsel vm6, s20, v7;
	v8 =	vsel vm1, s29, v8;
	s31 =	sshra.s32 s14, $0x12;
	v5 =	vsel vm5, s26, v5  }
0x2ec: {  	s4 =	sshra.s32 s10, $0x12;
	v8 =	vsel vm2, s31, v8;
	v7 =	vsel vm7, s6, v7;
	v5 =	vsel vm15, s30, v5  }
0x2ed: {  	vm7 =	vmmov vm6;
	v5 =	vsel vm6, s4, v5;
	vm6 =	vmmov vm4  }
0x2ee: {  	s8 =	sshra.s32 s10, $0x1F;
	vm4 =	vmmov vm5;
	vm5 =	vmmov vm3;
	vm3 =	vcmask $0x3734  }
0x2ef: {  	s9 =	sshra.s32 s18, $0x12;
	v8 =	vcombine.low v9, v8;
	v5 =	vsel vm3, s8, v5  }
0x2f0: {  	v6 =	vperm.xlane v6, v0;
	v7 =	vperm.xlane v7, v1;
	v5 =	vsel vm10, s9, v5  }
0x2f1: {  	v8 =	vperm.xlane v8, v0;
	v5 =	vperm.xlane v5, v1;
	_ =	sdelay $0x1  }
0x2f2: {  	v6 =	vsel vm8, v7, v6;
	v5 =	vsel vm8, v5, v8  }
0x2f3: {  	v5 =	vadd.s32 v6, v5  }
0x2f4: {  	v5 =	vmul.u32 $0xF4240, v5;
	_ =	sdelay $0x1  }
0x2f5: {  	v4 =	vsub.s32 v4, v5  }
0x2f6: {  	vm9 =	vlt.s32 v4, $0x0;
	v5 =	vadd.s32 $0xF4240, v4  }
0x2f7: {  	v6 =	vsel vm9, v5, v4  }
0x2f8: {  	v4 =	vshll.u32 v6, $0x1  }
0x2f9: {  	(v2sf) =	vpush v4, $0x1  }
0x2fa: {  	(v2sf) =	vpush v4, $0x0;
	_ =	sdelay $0x2  }
0x2fb: {  	(v2sf) =	vpush v4, $0x7  }
0x2fc: {  	(v2sf) =	vpush v4, $0x2;
	_ =	sdelay $0x1  }
0x2fd: {  	(v2sf) =	vpush v4, $0xE  }
0x2fe: {  	(v2sf) =	vpush v4, $0x3;
	_ =	sdelay $0x1  }
0x2ff: {  	(v2sf) =	vpush v4, $0x4;
	_ =	sdelay $0x1  }
0x300: {  	(v2sf) =	vpush v4, $0xC;
	_ =	sdelay $0x1  }
0x301: {  	(v2sf) =	vpush v4, $0x8  }
0x302: {  	(v2sf) =	vpush v4, $0x9;
	s10 =	spop (v2sf)  }
0x303: {  	(v2sf) =	vpush v4, $0xF;
	s12 =	spop (v2sf);
	s23 =	smulhi.u32 $0x431BDE83, s10  }
0x304: {  	(v2sf) =	vpush v4, $0xD;
	s21 =	sshra.s32 s10, $0x1F;
	s13 =	smulhi.u32 $0x431BDE83, s12  }
0x305: {  	(v2sf) =	vpush v4, $0xA;
	s2 =	sshra.s32 s12, $0x1F;
	s6 =	smul.u32 $0x431BDE83, s21  }
0x306: {  	s11 =	simm.s32 $0x200;
	s20 =	spop (v2sf);
	s2 =	smul.u32 $0x431BDE83, s2  }
0x307: {  	s22 =	spop (v2sf);
	s14 =	smulhi.u32 $0x431BDE83, s20;
	s4 =	sshra.s32 s20, $0x1F  }
0x308: {  	s17 =	simm.s32 $0x0;
	s0 =	sshra.s32 s22, $0x1F;
	s29 =	smul.u32 $0x431BDE83, s4  }
0x309: {  	s15 =	spop (v2sf);
	s8 =	smulhi.u32 $0x431BDE83, s22;
	s6 =	sadd.s32 s6, s23  }
0x30a: {  	s16 =	smulhi.u32 $0x431BDE83, s15;
	s12 =	sshra.s32 s15, $0x1F;
	s19 =	spop (v2sf)  }
0x30b: {  	s2 =	sadd.s32 s2, s13;
	s9 =	smul.u32 $0x431BDE83, s0;
	s24 =	sshra.s32 s19, $0x1F  }
0x30c: {  	s18 =	spop (v2sf);
	s25 =	smul.u32 $0x431BDE83, s12;
	s13 =	sadd.s32 s29, s14  }
0x30d: {  	s29 =	sshra.s32 s2, $0x12;
	s0 =	smulhi.u32 $0x431BDE83, s19;
	s26 =	sshra.s32 s18, $0x1F  }
0x30e: {  	s30 =	spop (v2sf);
	s23 =	sshra.s32 s13, $0x1F;
	s14 =	sadd.s32 s9, s8  }
0x30f: {  	s8 =	sshra.s32 s6, $0x12;
	s19 =	smulhi.u32 $0x431BDE83, s18;
	s31 =	sshra.s32 s30, $0x1F  }
0x310: {  	(v2sf) =	vpush v4, $0xB;
	s1 =	sadd.s32 s25, s16;
	s3 =	spop (v2sf);
	s16 =	smul.u32 $0x431BDE83, s24  }
0x311: {  	s24 =	sshra.s32 s6, $0x1F;
	s12 =	smul.u32 $0x431BDE83, s26;
	s20 =	spop (v2sf)  }
0x312: {  	s4 =	smulhi.u32 $0x431BDE83, s30;
	s30 =	sshra.s32 s2, $0x1F;
	v5 =	vmov s23;
	s21 =	spop (v2sf)  }
0x313: {  	vm9 =	vcmask $0x704;
	(v2sf) =	vpush v4, $0x5;
	s6 =	sshrl.u32 s6, $0x1F;
	s9 =	smul.u32 $0x431BDE83, s31;
	v5 =	vsel vm5, s29, v5;
	s26 =	spop (v2sf)  }
0x314: {  	s10 =	sshra.s32 s3, $0x1F;
	s3 =	smulhi.u32 $0x431BDE83, s3;
	v5 =	vsel vm9, s30, v5;
	s30 =	spop (v2sf);
	(v2sf) =	vpush v4, $0x6  }
0x315: {  	s31 =	sshrl.u32 s2, $0x1F;
	s25 =	sshra.s32 s20, $0x1F;
	s20 =	smulhi.u32 $0x431BDE83, s20  }
0x316: {  	s15 =	sadd.s32 s16, s0;
	s0 =	sshra.s32 s14, $0x12;
	s10 =	smul.u32 $0x431BDE83, s10  }
0x317: {  	s12 =	sadd.s32 s12, s19;
	s22 =	smulhi.u32 $0x431BDE83, s21;
	s4 =	sadd.s32 s9, s4  }
0x318: {  	s9 =	sshra.s32 s21, $0x1F;
	s21 =	sshrl.u32 s1, $0x1F;
	s23 =	smulhi.u32 $0x431BDE83, s26  }
0x319: {  	v5 =	vsel vm0, s8, v5;
	s8 =	sshra.s32 s15, $0x12;
	s28 =	sshra.s32 s26, $0x1F;
	s9 =	smul.u32 $0x431BDE83, s9  }
0x31a: {  	v8 =	vmov s31;
	s31 =	sshra.s32 s12, $0x1F;
	s16 =	sshra.s32 s4, $0x12;
	v5 =	vsel vm11, s24, v5;
	s29 =	smul.u32 $0x431BDE83, s28  }
0x31b: {  	s4 =	sshrl.u32 s4, $0x1F;
	s26 =	sshra.s32 s14, $0x1F;
	v7 =	vsel vm1, s0, v5;
	v5 =	vmov s7;
	s18 =	smulhi.u32 $0x431BDE83, s30  }
0x31c: {  	v7 =	vsel vm12, s26, v7;
	s29 =	sadd.s32 s29, s23;
	s19 =	sshra.s32 s30, $0x1F;
	s30 =	smul.u32 $0x431BDE83, s25  }
0x31d: {  	v7 =	vsel vm2, s8, v7;
	s28 =	sshrl.u32 s29, $0x1F;
	s2 =	sshra.s32 s29, $0x12;
	s29 =	sshra.s32 s15, $0x1F  }
0x31e: {  	s1 =	sshra.s32 s1, $0x12;
	v9 =	vmov s4;
	v7 =	vsel vm13, s29, v7;
	s20 =	sadd.s32 s30, s20;
	s30 =	sshra.s32 s12, $0x12  }
0x31f: {  	v8 =	vnsel vm5, $0x0, v8;
	s22 =	sadd.s32 s9, s22;
	s26 =	spop (v2sf);
	s25 =	sadd.s32 s10, s3;
	v9 =	vsel vm0, s28, v9;
	v7 =	vsel vm6, s30, v7  }
0x320: {  	v8 =	vsel vm0, s6, v8;
	s23 =	sshrl.u32 s12, $0x1F;
	s24 =	smulhi.u32 $0x431BDE83, s26;
	[tilespmem:v5+s17+$0x0 ss:$0x1] =	vst.idx.msk $0xffff, v6;
	v6 =	vsel vm1, s21, v9;
	s28 =	sshrl.u32 s25, $0x1F;
	v7 =	vsel vm14, s31, v7  }
.LBB2_25:
0x321: {  	s0 =	smul.u32 $0x431BDE83, s19  }
0x322: {  	s3 =	sshra.s32 s26, $0x1F;
	s4 =	spop (v2sf);
	s17 =	smov.u32 s11  }
0x323: {  	s6 =	smulhi.u32 $0x431BDE83, s4;
	s4 =	sshra.s32 s4, $0x1F;
	s8 =	spop (v2sf)  }
0x324: {  	s9 =	sshra.s32 s25, $0x12;
	s3 =	smul.u32 $0x431BDE83, s3;
	s0 =	sadd.s32 s0, s18  }
0x325: {  	v9 =	vmov s28;
	s10 =	sshrl.u32 s14, $0x1F;
	s12 =	sshra.s32 s20, $0x12;
	s4 =	smul.u32 $0x431BDE83, s4  }
0x326: {  	v10 =	vmov s16;
	v8 =	vsel vm1, s10, v8;
	s10 =	sshrl.u32 s15, $0x1F;
	v11 =	vmov s9;
	s14 =	smulhi.u32 $0x431BDE83, s8;
	s8 =	sshra.s32 s8, $0x1F  }
0x327: {  	v10 =	vsel vm0, s2, v10;
	v8 =	vsel vm2, s10, v8;
	v11 =	vsel vm0, s12, v11;
	s3 =	sadd.s32 s3, s24;
	s8 =	smul.u32 $0x431BDE83, s8;
	s2 =	sshra.s32 s0, $0x12  }
0x328: {  	v10 =	vsel vm1, s1, v10;
	s1 =	sshra.s32 s22, $0x12;
	v8 =	vsel vm6, s23, v8;
	s4 =	sadd.s32 s4, s6;
	v11 =	vsel vm1, s2, v11;
	s2 =	sshra.s32 s3, $0x12  }
0x329: {  	v10 =	vsel vm2, s1, v10;
	s6 =	sshrl.u32 s20, $0x1F;
	s8 =	sadd.s32 s8, s14;
	v11 =	vsel vm2, s2, v11;
	s1 =	sshra.s32 s4, $0x1F  }
0x32a: {  	s0 =	sshrl.u32 s0, $0x1F;
	v9 =	vsel vm0, s6, v9;
	s2 =	sshra.s32 s4, $0x12;
	v10 =	vcombine.low v11, v10;
	s6 =	sshra.s32 s8, $0x12  }
0x32b: {  	s9 =	sshrl.u32 s22, $0x1F;
	v9 =	vsel vm1, s0, v9;
	s0 =	sshrl.u32 s3, $0x1F;
	s3 =	sshrl.u32 s4, $0x1F;
	v7 =	vsel vm4, s2, v7  }
0x32c: {  	p0 =	sne.s32 s11, $0xE00;
	v6 =	vsel vm2, s9, v6;
	v9 =	vsel vm2, s0, v9;
	s0 =	sshrl.u32 s8, $0x1F;
	v7 =	vsel vm15, s1, v7;
	s1 =	sshra.s32 s13, $0x12  }
0x32d: {  	s11 =	sadd.s32 $0x200, s11;
	s2 =	sshrl.u32 s13, $0x1F;
	v8 =	vsel vm4, s3, v8;
	s3 =	sshra.s32 s8, $0x1F;
	v6 =	vcombine.low v9, v6;
	v7 =	vsel vm7, s6, v7  }
0x32e: {  	v8 =	vsel vm7, s0, v8;
	v9 =	vperm.xlane v10, v0;
	v7 =	vsel vm3, s3, v7  }
0x32f: {  	v8 =	vsel vm10, s2, v8;
	v6 =	vperm.xlane v6, v0;
	v7 =	vsel vm10, s1, v7  }
0x330: {  	v8 =	vperm.xlane v8, v1;
	v7 =	vperm.xlane v7, v1;
	_ =	sdelay $0x1  }
0x331: {  	v6 =	vsel vm8, v8, v6;
	v7 =	vsel vm8, v7, v9  }
0x332: {  	v6 =	vadd.s32 v6, v7  }
0x333: {  	v6 =	vmul.u32 $0xF4240, v6;
	_ =	sdelay $0x1  }
0x334: {  	v4 =	vsub.s32 v4, v6  }
0x335: {  	vm9 =	vlt.s32 v4, $0x0;
	v6 =	vadd.s32 $0xF4240, v4  }
0x336: {  	s0 =	sshra.s32 s17, $0x2;
	v4 =	vsel vm9, v6, v4;
	vm9 =	vcmask $0x704  }
0x337: {  	[tilespmem:v5+s0+$0x0 ss:$0x1] =	vst.idx.msk $0xffff, v4;
	v4 =	vshll.u32 v4, $0x1  }
0x338: {  	(v2sf) =	vpush v4, $0x1  }
0x339: {  	(v2sf) =	vpush v4, $0x0  }
0x33a: {  	(v2sf) =	vpush v4, $0x7  }
0x33b: {  	(v2sf) =	vpush v4, $0x2  }
0x33c: {  	(v2sf) =	vpush v4, $0xE  }
0x33d: {  	(v2sf) =	vpush v4, $0x3  }
0x33e: {  	(v2sf) =	vpush v4, $0x4;
	_ =	sdelay $0x1  }
0x33f: {  	(v2sf) =	vpush v4, $0xC;
	_ =	sdelay $0x1  }
0x340: {  	(v2sf) =	vpush v4, $0x8  }
0x341: {  	(v2sf) =	vpush v4, $0x9  }
0x342: {  	(v2sf) =	vpush v4, $0xF;
	_ =	sdelay $0x1  }
0x343: {  	(v2sf) =	vpush v4, $0xD  }
0x344: {  	s0 =	spop (v2sf)  }
0x345: {  	s1 =	spop (v2sf);
	s4 =	sshra.s32 s0, $0x1F;
	s0 =	smulhi.u32 $0x431BDE83, s0  }
0x346: {  	s2 =	smulhi.u32 $0x431BDE83, s1  }
0x347: {  	s1 =	sshra.s32 s1, $0x1F;
	s3 =	spop (v2sf);
	s4 =	smul.u32 $0x431BDE83, s4  }
0x348: {  	s1 =	smul.u32 $0x431BDE83, s1;
	s6 =	spop (v2sf)  }
0x349: {  	s9 =	smulhi.u32 $0x431BDE83, s3;
	s8 =	sshra.s32 s6, $0x1F;
	s10 =	spop (v2sf)  }
0x34a: {  	s12 =	smulhi.u32 $0x431BDE83, s10;
	s10 =	sshra.s32 s10, $0x1F;
	s14 =	spop (v2sf)  }
0x34b: {  	s6 =	smulhi.u32 $0x431BDE83, s6;
	s15 =	sshra.s32 s14, $0x1F;
	s16 =	spop (v2sf)  }
0x34c: {  	s3 =	sshra.s32 s3, $0x1F;
	s10 =	smul.u32 $0x431BDE83, s10;
	s18 =	sshra.s32 s16, $0x1F;
	(v2sf) =	vpush v4, $0xA  }
0x34d: {  	s19 =	sadd.s32 s1, s2;
	s1 =	smul.u32 $0x431BDE83, s3;
	s3 =	spop (v2sf)  }
0x34e: {  	s0 =	sadd.s32 s4, s0;
	s17 =	sadd.s32 s10, s12;
	s20 =	sshra.s32 s3, $0x1F  }
0x34f: {  	s4 =	smul.u32 $0x431BDE83, s8;
	s13 =	sadd.s32 s1, s9;
	s9 =	spop (v2sf)  }
0x350: {  	s10 =	smul.u32 $0x431BDE83, s15;
	s2 =	sshra.s32 s9, $0x1F;
	s12 =	spop (v2sf);
	(v2sf) =	vpush v4, $0xB  }
0x351: {  	s21 =	sshra.s32 s0, $0x1F;
	s18 =	smul.u32 $0x431BDE83, s18;
	s8 =	spop (v2sf)  }
0x352: {  	s26 =	sshra.s32 s0, $0x12;
	s15 =	sshra.s32 s13, $0x1F;
	s1 =	smulhi.u32 $0x431BDE83, s8  }
0x353: {  	s3 =	smulhi.u32 $0x431BDE83, s3;
	s22 =	sshra.s32 s12, $0x1F;
	s23 =	spop (v2sf)  }
0x354: {  	s25 =	sshra.s32 s19, $0x12;
	v6 =	vmov s15;
	s15 =	smulhi.u32 $0x431BDE83, s14;
	s24 =	sshra.s32 s23, $0x1F;
	(v2sf) =	vpush v4, $0x5  }
0x355: {  	s14 =	sadd.s32 s4, s6;
	s4 =	smulhi.u32 $0x431BDE83, s16;
	v6 =	vsel vm5, s25, v6;
	s25 =	sshra.s32 s19, $0x1F;
	(v2sf) =	vpush v4, $0x6  }
0x356: {  	s20 =	smul.u32 $0x431BDE83, s20;
	s19 =	sshrl.u32 s19, $0x1F;
	s6 =	sshra.s32 s14, $0x12;
	v6 =	vsel vm9, s25, v6  }
0x357: {  	v7 =	vmov s19;
	s15 =	sadd.s32 s10, s15;
	s9 =	smulhi.u32 $0x431BDE83, s9;
	s4 =	sadd.s32 s18, s4;
	v6 =	vsel vm0, s26, v6  }
0x358: {  	s3 =	sadd.s32 s20, s3;
	s8 =	sshra.s32 s8, $0x1F;
	v6 =	vsel vm11, s21, v6;
	s10 =	smulhi.u32 $0x431BDE83, s23  }
0x359: {  	s12 =	smulhi.u32 $0x431BDE83, s12;
	s16 =	sshra.s32 s3, $0x12;
	s3 =	sshrl.u32 s3, $0x1F;
	v6 =	vsel vm1, s6, v6  }
0x35a: {  	s6 =	sshrl.u32 s17, $0x1F;
	v9 =	vmov s3;
	s3 =	smul.u32 $0x431BDE83, s2  }
0x35b: {  	s21 =	sshra.s32 s15, $0x12;
	s20 =	smul.u32 $0x431BDE83, s24;
	s19 =	spop (v2sf)  }
0x35c: {  	s23 =	sshra.s32 s14, $0x1F;
	s18 =	smulhi.u32 $0x431BDE83, s19;
	s19 =	sshra.s32 s19, $0x1F  }
0x35d: {  	s0 =	sshrl.u32 s0, $0x1F;
	v7 =	vnsel vm5, $0x0, v7;
	s10 =	sadd.s32 s20, s10;
	s20 =	smul.u32 $0x431BDE83, s22  }
.Ltmp13:
0x35e: {  	v8 =	vsel vm0, s0, v7;
	v6 =	vsel vm12, s23, v6;
	s22 =	sshrl.u32 s10, $0x1F;
	s2 =	sshra.s32 s10, $0x12;
	(pc) =	sbr.rel @p0 .LBB2_25-.Ltmp13, $4  }
0x35f: {  	s0 =	smul.u32 $0x431BDE83, s8;
	s8 =	sshra.s32 s15, $0x1F;
	v7 =	vsel vm0, s22, v9;
	v9 =	vsel vm2, s21, v6;
	s26 =	spop (v2sf)  }
0x360: {  	s25 =	sadd.s32 s3, s9;
	s3 =	sshra.s32 s4, $0x12;
	s20 =	sadd.s32 s20, s12;
	v6 =	vsel vm1, s6, v7;
	v7 =	vsel vm13, s8, v9  }
0x361: {  	s23 =	sshrl.u32 s4, $0x1F;
	v7 =	vsel vm6, s3, v7;
	s3 =	sshra.s32 s4, $0x1F;
	s24 =	smulhi.u32 $0x431BDE83, s26  }
0x362: {  	s28 =	sshrl.u32 s25, $0x1F;
	s22 =	sadd.s32 s0, s1;
	s1 =	sshra.s32 s17, $0x12;
	v7 =	vsel vm14, s3, v7  }
0x363: {  	s5 =	sadd.s32 $0x1, s5  }
0x364: {  	p0 =	sne.s32 s5, $0x8  }
.Ltmp14:
0x365: {  	_ = 	snop;
	(pc) =	sbr.rel @p0 .LBB2_24-.Ltmp14, $3  }
0x366: {  	_ =	sdelay $0x1  }
0x367: {  	s0 =	spop (v2sf);
	vm3 =	vmmov vm5;
	vm5 =	vmmov vm4  }
0x368: {  	s7 =	sadd.s32 $0x10, s7;
	vm4 =	vmmov vm6;
	vm6 =	vmmov vm7;
	vm7 =	vmmov vm10;
	s0 =	spop (v2sf)  }
0x369: {  	s1 =	simm.s32 $0x80;
	s2 =	simm.s32 $0x0  }
.LBB2_28:
0x36a: {  	p0 =	sne.s32 s1, $0x3F80;
	[tilespmem:s2+$0x2500] =	vst v2;
	s0 =	smov.u32 s1;
	s1 =	sadd.s32 $0x80, s1  }
.Ltmp15:
0x36b: {  	[tilespmem:s2+$0x2510] =	vst v2;
	(pc) =	sbr.rel @p0 .LBB2_28-.Ltmp15, $2  }
0x36c: {  	_ =	sdelay $0x2  }
0x36d: {  	s2 =	sshra.s32 s0, $0x2  }
0x36e: {  	[tilespmem:s2+$0x2500] =	vst v2;
	s0 =	rddreg [dreg:$0x3]  }
0x36f: {  	[tilespmem:s2+$0x2510] =	vst v2;
	s1 =	simm.s32 $0x80;
	s22 =	simm.s32 $0x1100;
	s3 =	simm.s32 $0x2500  }
0x370: {  	[tilespmem:s3], [sflag:$0x2] =	stream.indirect.gather.add.f32 [hbm:s0], $0x20, s22, s1, $0xb8;
	[tilespmem:$0x3500] =	vst v63  }
0x371: {  	s23 =	simm.s32 $0x1180  }
0x372: {  	[tilespmem:s3], [sflag:$0x2] =	stream.indirect.gather.add.f32 [hbm:s0], $0x20, s23, s1, $0xb8;
	[tilespmem:$0x3500] =	vst v63  }
0x373: {  	s24 =	simm.s32 $0x1200  }
0x374: {  	[tilespmem:s3], [sflag:$0x2] =	stream.indirect.gather.add.f32 [hbm:s0], $0x20, s24, s1, $0xb8;
	[tilespmem:$0x3500] =	vst v63  }
0x375: {  	s25 =	simm.s32 $0x1280  }
0x376: {  	[tilespmem:s3], [sflag:$0x2] =	stream.indirect.gather.add.f32 [hbm:s0], $0x20, s25, s1, $0xb8;
	[tilespmem:$0x3500] =	vst v63  }
0x377: {  	s26 =	simm.s32 $0x1300  }
0x378: {  	[tilespmem:s3], [sflag:$0x2] =	stream.indirect.gather.add.f32 [hbm:s0], $0x20, s26, s1, $0xb8;
	[tilespmem:$0x3500] =	vst v63  }
0x379: {  	s28 =	simm.s32 $0x1380  }
0x37a: {  	[tilespmem:s3], [sflag:$0x2] =	stream.indirect.gather.add.f32 [hbm:s0], $0x20, s28, s1, $0xb8;
	[tilespmem:$0x3500] =	vst v63  }
0x37b: {  	s29 =	simm.s32 $0x1400  }
0x37c: {  	[tilespmem:s3], [sflag:$0x2] =	stream.indirect.gather.add.f32 [hbm:s0], $0x20, s29, s1, $0xb8;
	[tilespmem:$0x3500] =	vst v63  }
0x37d: {  	s30 =	simm.s32 $0x1480;
	s31 =	rddreg [dreg:$0x9]  }
0x37e: {  	[tilespmem:s3], [sflag:$0x2] =	stream.indirect.gather.add.f32 [hbm:s0], $0x20, s30, s1, $0xb8;
	[tilespmem:$0x3500] =	vst v63  }
0x37f: {  	s3 =	sadd.s32 $0x1, s31  }
0x380: {  	p0 =	sne.s32 s3, $0xD  }
.Ltmp16:
0x381: {  	_ = 	snop;
	(pc) =	sbr.rel @p0 .LBB2_14-.Ltmp16, $4  }
.Ltmp17:
0x382: {  	_ = 	snop;
	(pc) =	sbr.rel @!p0 .LBB2_30-.Ltmp17, $4  }
0x383: {  	_ = 	snop  }
0x384: {  	vm11 =	vcmask $0x1714;
	vm12 =	vcmask $0x1F1C  }
0x385: {  	vm13 =	vcmask $0x2724;
	vm14 =	vcmask $0x2F2C;
	vm15 =	vcmask $0x3734  }
0x386: {  	_ = 	snop  }
.LBB2_31:
0x387: {  	_ =	sfence.sel $0x180000  }
0x388: {  	[bflag:$0x0] =	sbarrier.arrive $0xFFFF  }
0x389: {  	_ =	strace $0x90000047  }
0x38a: {  	s0 =	stileid.u32;
	[bflag:$0x2] =	sbarrier.arrive $0xFFFF  }
0x38b: {  	p0 =	sne.s32 s0, $0x0;
	s0 =	rddreg [dreg:$0x2]  }
0x38c: {  	s0 =	sadd.s32 @!p0 $0x100000, s0  }
0x38d: {  	[sflag:s0] =	ssyncadd.tile.s32 @!p0 $0x1;
	_ =	shalt  }
.Lfunc_end2:
_tile_overlayer_lowered:
.L_overlay_start_2:
0x38e: {  	(tag) =	ssettag $0x2  }
0x38f: {  	s0 =	rddreg [dreg:$0x0];
	s2 =	stileid.u32  }
0x390: {  	s1 =	rddreg [dreg:$0x1];
	p0 =	sne.s32 s2, $0x0  }
0x391: {  	s3 =	rddreg [dreg:$0x2];
	[bflag:$0x3] =	sbarrier.arrive $0xFFFF;
	s2 =	simm.s32 @!p0 $0x1C03  }
0x392: {  	[timem:s3], [sflag:s2] =	dma.local @!p0 [hbm:s0], s1  }
0x393: {  	s0 =	simm.s32 @!p0 $0x3  }
0x394: {  	_ =	swait.ge @!p0 [sflag:s0], s1  }
0x395: {  	s1 =	ssub.s32 @!p0 $0x0, s1;
	[sflag:s0] =	ssyncset.done @!p0 $0x0  }
0x396: {  	[sflag:s0] =	ssyncadd.s32 @!p0 s1  }
0x397: {  	[bflag:$0x3] =	sbarrier.arrive $0xFFFF  }
0x398: {  	_ =	shalt  }

</sc_bundles>
